<compile_context>
chip_gen: v7x
topology: tpu7x:2x2x1
jax: 0.10.2.dev20260603
libtpu: 0.0.44.dev20260713+nightly
codegen_flags: <defaults>
</compile_context>

<pallas_src>
import jax
import jax.numpy as jnp
from jax import lax
from jax.experimental import pallas as pl
from jax.experimental.pallas import tpu as pltpu
from jax.experimental.pallas import tpu_sc as plsc

_EMB_DIM = 128
_N_FIELDS = 26
_VOCAB = 1000
_BATCH = 16384
_LN_EPS = 1e-5

_NC = 2
_NS = 16
_NW = _NC * _NS
_CB = 8
_ROWS_PER_W = _BATCH // _NW
_CHUNKS = _ROWS_PER_W // _CB
_IDX_PER_CHUNK = _N_FIELDS * _CB
_IDX_PER_W = _N_FIELDS * _ROWS_PER_W
_GATHER_SPLIT = 2
_IDX_PER_DMA = _IDX_PER_CHUNK // _GATHER_SPLIT
_NLANE = 16
_NVEC = _EMB_DIM // _NLANE


def _sc_body(t_hbm, idx_hbm, o_hbm, idx_all, rows0, rows1, out0, out1,
             s_t, red_v, sem0, sem1, osem0, osem1):
    wid = lax.axis_index("s") * _NC + lax.axis_index("c")
    first = wid * _CHUNKS
    bufs = ((rows0, sem0), (rows1, sem1))
    obufs = ((out0, osem0), (out1, osem1))

    pltpu.sync_copy(idx_hbm.at[pl.ds(wid * _IDX_PER_W, _IDX_PER_W)],
                    idx_all)

    def fire(local_chunk, p):
        rows_v, sem = bufs[p]
        for g in range(_GATHER_SPLIT):
            off = local_chunk * _IDX_PER_CHUNK + g * _IDX_PER_DMA
            pltpu.async_copy(
                t_hbm.at[idx_all.at[pl.ds(off, _IDX_PER_DMA)]],
                rows_v.at[pl.ds(g * _IDX_PER_DMA, _IDX_PER_DMA)],
                sem)

    def drain(local_chunk, p):
        rows_v, sem = bufs[p]
        for g in range(_GATHER_SPLIT):
            off = local_chunk * _IDX_PER_CHUNK + g * _IDX_PER_DMA
            pltpu.make_async_copy(
                t_hbm.at[idx_all.at[pl.ds(off, _IDX_PER_DMA)]],
                rows_v.at[pl.ds(g * _IDX_PER_DMA, _IDX_PER_DMA)],
                sem).wait()

    fire(0, 0)

    half = jnp.full((_NLANE,), 0.5, jnp.float32)
    three_half = jnp.full((_NLANE,), 1.5, jnp.float32)
    magic = jnp.full((_NLANE,), 0x5F3759DF, jnp.int32)
    one_i = jnp.full((_NLANE,), 1, jnp.int32)
    lanes = lax.iota(jnp.int32, _NLANE)
    lanes_cb = lanes * _CB
    st_idx0 = [lanes_cb + _NLANE * _CB * d for d in range(_NVEC)]
    st_idx = [[st_idx0[d] + b for b in range(_CB)] for d in range(_NVEC)]
    mean_idx = [jnp.full((_NLANE,), 2 * _NLANE + b, jnp.int32)
                for b in range(_CB)]
    y_idx = [jnp.full((_NLANE,), 3 * _NLANE + b, jnp.int32)
             for b in range(_CB)]
    xor_half = lanes ^ _CB
    xor_half_sq = xor_half + _NLANE

    @pl.loop(0, _CHUNKS, step=2)
    def chunk_loop(i):
        for p in range(2):
            rows_v = bufs[p][0]
            out_v, osem = obufs[p]
            cur = i + p
            nxt = cur + 1

            @pl.when(nxt < _CHUNKS)
            def _():
                fire(nxt, 1 - p)

            drain(cur, p)
            def row_body(b, carry):
                base_row = b * _N_FIELDS

                def fbody(f, accs):
                    return tuple(
                        accs[d] + rows_v[base_row + f,
                                         pl.ds(_NLANE * d, _NLANE)]
                        for d in range(_NVEC))
                accs = lax.fori_loop(
                    0, _N_FIELDS, fbody,
                    tuple(jnp.zeros((_NLANE,), jnp.float32)
                          for _ in range(_NVEC)), unroll=1)
                bvec = jnp.full((_NLANE,), 1, jnp.int32) * b
                for d in range(_NVEC):
                    plsc.store_scatter(s_t, [st_idx0[d] + bvec], accs[d])
                return carry
            lax.fori_loop(0, _CB, row_body, 0)
            def sbody(j, ms):
                v = s_t[pl.ds(j * _NLANE, _NLANE)]
                return ms[0] + v, ms[1] + v * v
            msum, msq = lax.fori_loop(
                0, _EMB_DIM * _CB // _NLANE, sbody,
                (jnp.zeros((_NLANE,), jnp.float32),
                 jnp.zeros((_NLANE,), jnp.float32)), unroll=4)
            red_v[pl.ds(0, _NLANE)] = msum
            red_v[pl.ds(_NLANE, _NLANE)] = msq
            msum = msum + plsc.load_gather(red_v, [xor_half])
            msq = msq + plsc.load_gather(red_v, [xor_half_sq])
            mean = msum * (1.0 / _EMB_DIM)
            var = msq * (1.0 / _EMB_DIM) - mean * mean + _LN_EPS
            y = plsc.bitcast(
                magic - lax.shift_right_logical(
                    plsc.bitcast(var, jnp.int32), one_i), jnp.float32)
            hx = half * var
            for _ in range(3):
                y = y * (three_half - hx * y * y)
            red_v[pl.ds(2 * _NLANE, _NLANE)] = mean
            red_v[pl.ds(3 * _NLANE, _NLANE)] = y
            @pl.when(cur >= 2)
            def _():
                pltpu.make_async_copy(
                    out_v, o_hbm.at[pl.ds((first + cur) * _CB, _CB)],
                    osem).wait()
            for b in range(_CB):
                mb = plsc.load_gather(red_v, [mean_idx[b]])
                yb = plsc.load_gather(red_v, [y_idx[b]])
                for d in range(_NVEC):
                    v = plsc.load_gather(s_t, [st_idx[d][b]])
                    out_v[b, pl.ds(_NLANE * d, _NLANE)] = (v - mb) * yb
            pltpu.async_copy(
                out_v, o_hbm.at[pl.ds((first + cur) * _CB, _CB)], osem)

    for p in range(2):
        out_v, osem = obufs[p]
        pltpu.make_async_copy(
            out_v, o_hbm.at[pl.ds(first * _CB, _CB)], osem).wait()


_sc_embed_ln = pl.kernel(
    _sc_body,
    out_type=jax.ShapeDtypeStruct((_BATCH, _EMB_DIM), jnp.float32),
    mesh=plsc.VectorSubcoreMesh(core_axis_name="c", subcore_axis_name="s"),
    compiler_params=pltpu.CompilerParams(needs_layout_passes=False),
    scratch_types=[
        pltpu.VMEM((_IDX_PER_W,), jnp.int32),
        pltpu.VMEM((_IDX_PER_CHUNK, _EMB_DIM), jnp.float32),
        pltpu.VMEM((_IDX_PER_CHUNK, _EMB_DIM), jnp.float32),
        pltpu.VMEM((_CB, _EMB_DIM), jnp.float32),
        pltpu.VMEM((_CB, _EMB_DIM), jnp.float32),
        pltpu.VMEM((_EMB_DIM * _CB,), jnp.float32),
        pltpu.VMEM((4 * _NLANE,), jnp.float32),
        pltpu.SemaphoreType.DMA,
        pltpu.SemaphoreType.DMA,
        pltpu.SemaphoreType.DMA,
        pltpu.SemaphoreType.DMA,
    ],
)


@jax.jit
def kernel(x, tables):
    t_flat = tables.reshape(_N_FIELDS * _VOCAB, _EMB_DIM)
    idx = (x + _VOCAB * jnp.arange(_N_FIELDS, dtype=jnp.int32)[None, :]
           ).reshape(-1)
    return _sc_embed_ln(t_flat, idx)

# --- scband reference (transcript-rebuilt; emitter-appended) ---
"""Pipeline reference for scband-multi-embedding-317827580653 (READ-ONLY COPY).

The authoritative reference and input builder live on the scoring server;
editing this copy changes nothing except your own understanding.
"""

import jax, jax.numpy as jnp
import numpy as np

EMB_DIM = 128
N_FIELDS = 26
VOCAB = 1000
BATCH = 16384
LN_EPS = 1e-5


def setup_inputs(seed: int = 0) -> dict:
    key = jax.random.key(seed)
    k1, k2 = jax.random.split(key)
    x = jax.random.randint(k1, (BATCH, N_FIELDS), 0, VOCAB, dtype=jnp.int32)
    # one embedding table per sparse field; all fields share vocab=1000 so stack them
    tables = jax.random.normal(k2, (N_FIELDS, VOCAB, EMB_DIM), dtype=jnp.float32)
    # zeropad=True -> padding_idx=0 row is zeroed at init in nn.Embedding
    tables = tables.at[:, 0, :].set(0.0)
    return {"x": x, "tables": tables}


def reference(x, tables):
    # MultiEmbedding.forward: sum_i embedding_list[i](x[..., i])
    # tables: [F, V, D], x: [B, F]
    gathered = jax.vmap(lambda t, ix: jnp.take(t, ix, axis=0), in_axes=(0, 1), out_axes=1)(tables, x)  # [B, F, D]
    s = gathered.sum(axis=1)  # [B, D]
    # postemb: LayerNorm(emb_dim, elementwise_affine=False)
    mean = s.mean(axis=-1, keepdims=True)
    var = jnp.mean((s - mean) ** 2, axis=-1, keepdims=True)
    out = (s - mean) / jnp.sqrt(var + LN_EPS)
    return out

if __name__ == "__main__":
    import jax
    _d = setup_inputs()
    print(jax.jit(kernel)(*tuple(_d.values())))

</pallas_src>

<mosaic_0001>
#map = affine_map<(d0, d1) -> (0, 0)>
#map1 = affine_map<(d0, d1) -> (0)>
module attributes {stable_mosaic.version = 14 : i64} {
  func.func @_sc_body(%arg0: i32, %arg1: i32, %arg2: memref<26000x128xf32, #tpu.memory_space<hbm>>, %arg3: memref<425984xi32, #tpu.memory_space<hbm>>, %arg4: memref<16384x128xf32, #tpu.memory_space<hbm>>, %arg5: memref<13312xi32, #tpu.memory_space<vmem>>, %arg6: memref<208x128xf32, #tpu.memory_space<vmem>>, %arg7: memref<208x128xf32, #tpu.memory_space<vmem>>, %arg8: memref<8x128xf32, #tpu.memory_space<vmem>>, %arg9: memref<8x128xf32, #tpu.memory_space<vmem>>, %arg10: memref<1024xf32, #tpu.memory_space<vmem>>, %arg11: memref<64xf32, #tpu.memory_space<vmem>>, %arg12: memref<!tpu.dma_semaphore, #tpu.memory_space<semaphore_mem>>, %arg13: memref<!tpu.dma_semaphore, #tpu.memory_space<semaphore_mem>>, %arg14: memref<!tpu.dma_semaphore, #tpu.memory_space<semaphore_mem>>, %arg15: memref<!tpu.dma_semaphore, #tpu.memory_space<semaphore_mem>>) attributes {dimension_semantics = [#tpu.dimension_semantics<core_parallel>, #tpu.dimension_semantics<subcore_parallel>], iteration_bounds = array<i64: 2, 16>, scalar_prefetch = 0 : i64, scratch_operands = 11 : i64, tpu.core_type = #tpu.core_type<sc_vector_subcore>, window_params = [{transform_indices = #map}, {transform_indices = #map1}, {transform_indices = #map}]} {
    %mul3A = arith.constant 2 : i32
    %mul3A_0 = arith.muli %arg1, %mul3A : i32
    %add3A = arith.addi %mul3A_0, %arg0 : i32
    %mul3A_1 = arith.constant 64 : i32
    %mul3A_2 = arith.muli %add3A, %mul3A_1 : i32
    %mul3A_3 = arith.constant 13312 : i32
    %mul3A_4 = arith.muli %add3A, %mul3A_3 : i32
    "tpu.region"() ({
      %run_scoped3A = tpu.sem_alloc : memref<!tpu.dma_semaphore, #tpu.memory_space<semaphore_mem>>
      %dma_start3A_298 = tpu.memref_slice %arg3[%mul3A_4] : memref<425984xi32, #tpu.memory_space<hbm>> -> memref<13312xi32, #tpu.memory_space<hbm>>
      %dma_start3A_299 = tpu.memref_slice %arg3[%mul3A_4] : memref<425984xi32, #tpu.memory_space<hbm>> -> memref<13312xi32, #tpu.memory_space<hbm>>
      tpu.enqueue_dma source(%dma_start3A_299 : memref<13312xi32, #tpu.memory_space<hbm>>) target(%arg5 : memref<13312xi32, #tpu.memory_space<vmem>>) target_semaphore(%run_scoped3A : memref<!tpu.dma_semaphore, #tpu.memory_space<semaphore_mem>>)
      %dma_wait3A_300 = tpu.memref_slice %arg3[%mul3A_4] : memref<425984xi32, #tpu.memory_space<hbm>> -> memref<13312xi32, #tpu.memory_space<hbm>>
      %dma_wait3A_301 = tpu.memref_slice %arg3[%mul3A_4] : memref<425984xi32, #tpu.memory_space<hbm>> -> memref<13312xi32, #tpu.memory_space<hbm>>
      tpu.wait_dma2 semaphore(%run_scoped3A : memref<!tpu.dma_semaphore, #tpu.memory_space<semaphore_mem>>) src(%dma_wait3A_301 : memref<13312xi32, #tpu.memory_space<hbm>>) dst(%arg5 : memref<13312xi32, #tpu.memory_space<vmem>>)
      tpu.yield
    }) : () -> ()
    %dma_start3A = arith.constant 0 : i32
    %dma_start3A_5 = arith.constant 0 : i32
    %dma_start3A_6 = tpu.memref_slice %arg6[%dma_start3A, %dma_start3A_5] : memref<208x128xf32, #tpu.memory_space<vmem>> -> memref<104x128xf32, #tpu.memory_space<vmem>>
    %dma_start3A_7 = arith.constant 0 : i32
    %dma_start3A_8 = tpu.memref_slice %arg5[%dma_start3A_7] : memref<13312xi32, #tpu.memory_space<vmem>> -> memref<104xi32, #tpu.memory_space<vmem>>
    %dma_start3A_9 = arith.constant 0 : i32
    %dma_start3A_10 = arith.constant 0 : i32
    %dma_start3A_11 = tpu.memref_slice %arg2[%dma_start3A_9, %dma_start3A_10] : memref<26000x128xf32, #tpu.memory_space<hbm>> -> memref<26000x128xf32, #tpu.memory_space<hbm>>
    tpu.enqueue_indirect_dma source(%dma_start3A_11 : memref<26000x128xf32, #tpu.memory_space<hbm>>) target(%dma_start3A_6 : memref<104x128xf32, #tpu.memory_space<vmem>>) offsets(%dma_start3A_8 : memref<104xi32, #tpu.memory_space<vmem>>) semaphore(%arg12 : memref<!tpu.dma_semaphore, #tpu.memory_space<semaphore_mem>>)
    %dma_start3A_12 = arith.constant 104 : i32
    %dma_start3A_13 = arith.constant 0 : i32
    %dma_start3A_14 = tpu.memref_slice %arg6[%dma_start3A_12, %dma_start3A_13] : memref<208x128xf32, #tpu.memory_space<vmem>> -> memref<104x128xf32, #tpu.memory_space<vmem>>
    %dma_start3A_15 = arith.constant 104 : i32
    %dma_start3A_16 = tpu.memref_slice %arg5[%dma_start3A_15] : memref<13312xi32, #tpu.memory_space<vmem>> -> memref<104xi32, #tpu.memory_space<vmem>>
    %dma_start3A_17 = arith.constant 0 : i32
    %dma_start3A_18 = arith.constant 0 : i32
    %dma_start3A_19 = tpu.memref_slice %arg2[%dma_start3A_17, %dma_start3A_18] : memref<26000x128xf32, #tpu.memory_space<hbm>> -> memref<26000x128xf32, #tpu.memory_space<hbm>>
    tpu.enqueue_indirect_dma source(%dma_start3A_19 : memref<26000x128xf32, #tpu.memory_space<hbm>>) target(%dma_start3A_14 : memref<104x128xf32, #tpu.memory_space<vmem>>) offsets(%dma_start3A_16 : memref<104xi32, #tpu.memory_space<vmem>>) semaphore(%arg12 : memref<!tpu.dma_semaphore, #tpu.memory_space<semaphore_mem>>)
    %broadcast_in_dim3A = arith.constant 5.000000e-01 : f32
    %broadcast_in_dim3A_20 = vector.broadcast %broadcast_in_dim3A : f32 to vector<16xf32>
    %broadcast_in_dim3A_21 = arith.constant 1.500000e+00 : f32
    %broadcast_in_dim3A_22 = vector.broadcast %broadcast_in_dim3A_21 : f32 to vector<16xf32>
    %broadcast_in_dim3A_23 = arith.constant 1597463007 : i32
    %broadcast_in_dim3A_24 = vector.broadcast %broadcast_in_dim3A_23 : i32 to vector<16xi32>
    %broadcast_in_dim3A_25 = arith.constant 1 : i32
    %broadcast_in_dim3A_26 = vector.broadcast %broadcast_in_dim3A_25 : i32 to vector<16xi32>
    %iota3A = tpu.iota {dimensions = array<i32: 0>} : vector<16xi32>
    %mul3A_27 = arith.constant 8 : i32
    %mul3A_28 = vector.broadcast %mul3A_27 : i32 to vector<16xi32>
    %mul3A_29 = arith.muli %iota3A, %mul3A_28 : vector<16xi32>
    %add3A_30 = arith.constant 0 : i32
    %add3A_31 = vector.broadcast %add3A_30 : i32 to vector<16xi32>
    %add3A_32 = arith.addi %mul3A_29, %add3A_31 : vector<16xi32>
    %add3A_33 = arith.constant 128 : i32
    %add3A_34 = vector.broadcast %add3A_33 : i32 to vector<16xi32>
    %add3A_35 = arith.addi %mul3A_29, %add3A_34 : vector<16xi32>
    %add3A_36 = arith.constant 256 : i32
    %add3A_37 = vector.broadcast %add3A_36 : i32 to vector<16xi32>
    %add3A_38 = arith.addi %mul3A_29, %add3A_37 : vector<16xi32>
    %add3A_39 = arith.constant 384 : i32
    %add3A_40 = vector.broadcast %add3A_39 : i32 to vector<16xi32>
    %add3A_41 = arith.addi %mul3A_29, %add3A_40 : vector<16xi32>
    %add3A_42 = arith.constant 512 : i32
    %add3A_43 = vector.broadcast %add3A_42 : i32 to vector<16xi32>
    %add3A_44 = arith.addi %mul3A_29, %add3A_43 : vector<16xi32>
    %add3A_45 = arith.constant 640 : i32
    %add3A_46 = vector.broadcast %add3A_45 : i32 to vector<16xi32>
    %add3A_47 = arith.addi %mul3A_29, %add3A_46 : vector<16xi32>
    %add3A_48 = arith.constant 768 : i32
    %add3A_49 = vector.broadcast %add3A_48 : i32 to vector<16xi32>
    %add3A_50 = arith.addi %mul3A_29, %add3A_49 : vector<16xi32>
    %add3A_51 = arith.constant 896 : i32
    %add3A_52 = vector.broadcast %add3A_51 : i32 to vector<16xi32>
    %add3A_53 = arith.addi %mul3A_29, %add3A_52 : vector<16xi32>
    %add3A_54 = arith.constant 0 : i32
    %add3A_55 = vector.broadcast %add3A_54 : i32 to vector<16xi32>
    %add3A_56 = arith.addi %add3A_32, %add3A_55 : vector<16xi32>
    %add3A_57 = arith.constant 1 : i32
    %add3A_58 = vector.broadcast %add3A_57 : i32 to vector<16xi32>
    %add3A_59 = arith.addi %add3A_32, %add3A_58 : vector<16xi32>
    %add3A_60 = arith.constant 2 : i32
    %add3A_61 = vector.broadcast %add3A_60 : i32 to vector<16xi32>
    %add3A_62 = arith.addi %add3A_32, %add3A_61 : vector<16xi32>
    %add3A_63 = arith.constant 3 : i32
    %add3A_64 = vector.broadcast %add3A_63 : i32 to vector<16xi32>
    %add3A_65 = arith.addi %add3A_32, %add3A_64 : vector<16xi32>
    %add3A_66 = arith.constant 4 : i32
    %add3A_67 = vector.broadcast %add3A_66 : i32 to vector<16xi32>
    %add3A_68 = arith.addi %add3A_32, %add3A_67 : vector<16xi32>
    %add3A_69 = arith.constant 5 : i32
    %add3A_70 = vector.broadcast %add3A_69 : i32 to vector<16xi32>
    %add3A_71 = arith.addi %add3A_32, %add3A_70 : vector<16xi32>
    %add3A_72 = arith.constant 6 : i32
    %add3A_73 = vector.broadcast %add3A_72 : i32 to vector<16xi32>
    %add3A_74 = arith.addi %add3A_32, %add3A_73 : vector<16xi32>
    %add3A_75 = arith.constant 7 : i32
    %add3A_76 = vector.broadcast %add3A_75 : i32 to vector<16xi32>
    %add3A_77 = arith.addi %add3A_32, %add3A_76 : vector<16xi32>
    %add3A_78 = arith.constant 0 : i32
    %add3A_79 = vector.broadcast %add3A_78 : i32 to vector<16xi32>
    %add3A_80 = arith.addi %add3A_35, %add3A_79 : vector<16xi32>
    %add3A_81 = arith.constant 1 : i32
    %add3A_82 = vector.broadcast %add3A_81 : i32 to vector<16xi32>
    %add3A_83 = arith.addi %add3A_35, %add3A_82 : vector<16xi32>
    %add3A_84 = arith.constant 2 : i32
    %add3A_85 = vector.broadcast %add3A_84 : i32 to vector<16xi32>
    %add3A_86 = arith.addi %add3A_35, %add3A_85 : vector<16xi32>
    %add3A_87 = arith.constant 3 : i32
    %add3A_88 = vector.broadcast %add3A_87 : i32 to vector<16xi32>
    %add3A_89 = arith.addi %add3A_35, %add3A_88 : vector<16xi32>
    %add3A_90 = arith.constant 4 : i32
    %add3A_91 = vector.broadcast %add3A_90 : i32 to vector<16xi32>
    %add3A_92 = arith.addi %add3A_35, %add3A_91 : vector<16xi32>
    %add3A_93 = arith.constant 5 : i32
    %add3A_94 = vector.broadcast %add3A_93 : i32 to vector<16xi32>
    %add3A_95 = arith.addi %add3A_35, %add3A_94 : vector<16xi32>
    %add3A_96 = arith.constant 6 : i32
    %add3A_97 = vector.broadcast %add3A_96 : i32 to vector<16xi32>
    %add3A_98 = arith.addi %add3A_35, %add3A_97 : vector<16xi32>
    %add3A_99 = arith.constant 7 : i32
    %add3A_100 = vector.broadcast %add3A_99 : i32 to vector<16xi32>
    %add3A_101 = arith.addi %add3A_35, %add3A_100 : vector<16xi32>
    %add3A_102 = arith.constant 0 : i32
    %add3A_103 = vector.broadcast %add3A_102 : i32 to vector<16xi32>
    %add3A_104 = arith.addi %add3A_38, %add3A_103 : vector<16xi32>
    %add3A_105 = arith.constant 1 : i32
    %add3A_106 = vector.broadcast %add3A_105 : i32 to vector<16xi32>
    %add3A_107 = arith.addi %add3A_38, %add3A_106 : vector<16xi32>
    %add3A_108 = arith.constant 2 : i32
    %add3A_109 = vector.broadcast %add3A_108 : i32 to vector<16xi32>
    %add3A_110 = arith.addi %add3A_38, %add3A_109 : vector<16xi32>
    %add3A_111 = arith.constant 3 : i32
    %add3A_112 = vector.broadcast %add3A_111 : i32 to vector<16xi32>
    %add3A_113 = arith.addi %add3A_38, %add3A_112 : vector<16xi32>
    %add3A_114 = arith.constant 4 : i32
    %add3A_115 = vector.broadcast %add3A_114 : i32 to vector<16xi32>
    %add3A_116 = arith.addi %add3A_38, %add3A_115 : vector<16xi32>
    %add3A_117 = arith.constant 5 : i32
    %add3A_118 = vector.broadcast %add3A_117 : i32 to vector<16xi32>
    %add3A_119 = arith.addi %add3A_38, %add3A_118 : vector<16xi32>
    %add3A_120 = arith.constant 6 : i32
    %add3A_121 = vector.broadcast %add3A_120 : i32 to vector<16xi32>
    %add3A_122 = arith.addi %add3A_38, %add3A_121 : vector<16xi32>
    %add3A_123 = arith.constant 7 : i32
    %add3A_124 = vector.broadcast %add3A_123 : i32 to vector<16xi32>
    %add3A_125 = arith.addi %add3A_38, %add3A_124 : vector<16xi32>
    %add3A_126 = arith.constant 0 : i32
    %add3A_127 = vector.broadcast %add3A_126 : i32 to vector<16xi32>
    %add3A_128 = arith.addi %add3A_41, %add3A_127 : vector<16xi32>
    %add3A_129 = arith.constant 1 : i32
    %add3A_130 = vector.broadcast %add3A_129 : i32 to vector<16xi32>
    %add3A_131 = arith.addi %add3A_41, %add3A_130 : vector<16xi32>
    %add3A_132 = arith.constant 2 : i32
    %add3A_133 = vector.broadcast %add3A_132 : i32 to vector<16xi32>
    %add3A_134 = arith.addi %add3A_41, %add3A_133 : vector<16xi32>
    %add3A_135 = arith.constant 3 : i32
    %add3A_136 = vector.broadcast %add3A_135 : i32 to vector<16xi32>
    %add3A_137 = arith.addi %add3A_41, %add3A_136 : vector<16xi32>
    %add3A_138 = arith.constant 4 : i32
    %add3A_139 = vector.broadcast %add3A_138 : i32 to vector<16xi32>
    %add3A_140 = arith.addi %add3A_41, %add3A_139 : vector<16xi32>
    %add3A_141 = arith.constant 5 : i32
    %add3A_142 = vector.broadcast %add3A_141 : i32 to vector<16xi32>
    %add3A_143 = arith.addi %add3A_41, %add3A_142 : vector<16xi32>
    %add3A_144 = arith.constant 6 : i32
    %add3A_145 = vector.broadcast %add3A_144 : i32 to vector<16xi32>
    %add3A_146 = arith.addi %add3A_41, %add3A_145 : vector<16xi32>
    %add3A_147 = arith.constant 7 : i32
    %add3A_148 = vector.broadcast %add3A_147 : i32 to vector<16xi32>
    %add3A_149 = arith.addi %add3A_41, %add3A_148 : vector<16xi32>
    %add3A_150 = arith.constant 0 : i32
    %add3A_151 = vector.broadcast %add3A_150 : i32 to vector<16xi32>
    %add3A_152 = arith.addi %add3A_44, %add3A_151 : vector<16xi32>
    %add3A_153 = arith.constant 1 : i32
    %add3A_154 = vector.broadcast %add3A_153 : i32 to vector<16xi32>
    %add3A_155 = arith.addi %add3A_44, %add3A_154 : vector<16xi32>
    %add3A_156 = arith.constant 2 : i32
    %add3A_157 = vector.broadcast %add3A_156 : i32 to vector<16xi32>
    %add3A_158 = arith.addi %add3A_44, %add3A_157 : vector<16xi32>
    %add3A_159 = arith.constant 3 : i32
    %add3A_160 = vector.broadcast %add3A_159 : i32 to vector<16xi32>
    %add3A_161 = arith.addi %add3A_44, %add3A_160 : vector<16xi32>
    %add3A_162 = arith.constant 4 : i32
    %add3A_163 = vector.broadcast %add3A_162 : i32 to vector<16xi32>
    %add3A_164 = arith.addi %add3A_44, %add3A_163 : vector<16xi32>
    %add3A_165 = arith.constant 5 : i32
    %add3A_166 = vector.broadcast %add3A_165 : i32 to vector<16xi32>
    %add3A_167 = arith.addi %add3A_44, %add3A_166 : vector<16xi32>
    %add3A_168 = arith.constant 6 : i32
    %add3A_169 = vector.broadcast %add3A_168 : i32 to vector<16xi32>
    %add3A_170 = arith.addi %add3A_44, %add3A_169 : vector<16xi32>
    %add3A_171 = arith.constant 7 : i32
    %add3A_172 = vector.broadcast %add3A_171 : i32 to vector<16xi32>
    %add3A_173 = arith.addi %add3A_44, %add3A_172 : vector<16xi32>
    %add3A_174 = arith.constant 0 : i32
    %add3A_175 = vector.broadcast %add3A_174 : i32 to vector<16xi32>
    %add3A_176 = arith.addi %add3A_47, %add3A_175 : vector<16xi32>
    %add3A_177 = arith.constant 1 : i32
    %add3A_178 = vector.broadcast %add3A_177 : i32 to vector<16xi32>
    %add3A_179 = arith.addi %add3A_47, %add3A_178 : vector<16xi32>
    %add3A_180 = arith.constant 2 : i32
    %add3A_181 = vector.broadcast %add3A_180 : i32 to vector<16xi32>
    %add3A_182 = arith.addi %add3A_47, %add3A_181 : vector<16xi32>
    %add3A_183 = arith.constant 3 : i32
    %add3A_184 = vector.broadcast %add3A_183 : i32 to vector<16xi32>
    %add3A_185 = arith.addi %add3A_47, %add3A_184 : vector<16xi32>
    %add3A_186 = arith.constant 4 : i32
    %add3A_187 = vector.broadcast %add3A_186 : i32 to vector<16xi32>
    %add3A_188 = arith.addi %add3A_47, %add3A_187 : vector<16xi32>
    %add3A_189 = arith.constant 5 : i32
    %add3A_190 = vector.broadcast %add3A_189 : i32 to vector<16xi32>
    %add3A_191 = arith.addi %add3A_47, %add3A_190 : vector<16xi32>
    %add3A_192 = arith.constant 6 : i32
    %add3A_193 = vector.broadcast %add3A_192 : i32 to vector<16xi32>
    %add3A_194 = arith.addi %add3A_47, %add3A_193 : vector<16xi32>
    %add3A_195 = arith.constant 7 : i32
    %add3A_196 = vector.broadcast %add3A_195 : i32 to vector<16xi32>
    %add3A_197 = arith.addi %add3A_47, %add3A_196 : vector<16xi32>
    %add3A_198 = arith.constant 0 : i32
    %add3A_199 = vector.broadcast %add3A_198 : i32 to vector<16xi32>
    %add3A_200 = arith.addi %add3A_50, %add3A_199 : vector<16xi32>
    %add3A_201 = arith.constant 1 : i32
    %add3A_202 = vector.broadcast %add3A_201 : i32 to vector<16xi32>
    %add3A_203 = arith.addi %add3A_50, %add3A_202 : vector<16xi32>
    %add3A_204 = arith.constant 2 : i32
    %add3A_205 = vector.broadcast %add3A_204 : i32 to vector<16xi32>
    %add3A_206 = arith.addi %add3A_50, %add3A_205 : vector<16xi32>
    %add3A_207 = arith.constant 3 : i32
    %add3A_208 = vector.broadcast %add3A_207 : i32 to vector<16xi32>
    %add3A_209 = arith.addi %add3A_50, %add3A_208 : vector<16xi32>
    %add3A_210 = arith.constant 4 : i32
    %add3A_211 = vector.broadcast %add3A_210 : i32 to vector<16xi32>
    %add3A_212 = arith.addi %add3A_50, %add3A_211 : vector<16xi32>
    %add3A_213 = arith.constant 5 : i32
    %add3A_214 = vector.broadcast %add3A_213 : i32 to vector<16xi32>
    %add3A_215 = arith.addi %add3A_50, %add3A_214 : vector<16xi32>
    %add3A_216 = arith.constant 6 : i32
    %add3A_217 = vector.broadcast %add3A_216 : i32 to vector<16xi32>
    %add3A_218 = arith.addi %add3A_50, %add3A_217 : vector<16xi32>
    %add3A_219 = arith.constant 7 : i32
    %add3A_220 = vector.broadcast %add3A_219 : i32 to vector<16xi32>
    %add3A_221 = arith.addi %add3A_50, %add3A_220 : vector<16xi32>
    %add3A_222 = arith.constant 0 : i32
    %add3A_223 = vector.broadcast %add3A_222 : i32 to vector<16xi32>
    %add3A_224 = arith.addi %add3A_53, %add3A_223 : vector<16xi32>
    %add3A_225 = arith.constant 1 : i32
    %add3A_226 = vector.broadcast %add3A_225 : i32 to vector<16xi32>
    %add3A_227 = arith.addi %add3A_53, %add3A_226 : vector<16xi32>
    %add3A_228 = arith.constant 2 : i32
    %add3A_229 = vector.broadcast %add3A_228 : i32 to vector<16xi32>
    %add3A_230 = arith.addi %add3A_53, %add3A_229 : vector<16xi32>
    %add3A_231 = arith.constant 3 : i32
    %add3A_232 = vector.broadcast %add3A_231 : i32 to vector<16xi32>
    %add3A_233 = arith.addi %add3A_53, %add3A_232 : vector<16xi32>
    %add3A_234 = arith.constant 4 : i32
    %add3A_235 = vector.broadcast %add3A_234 : i32 to vector<16xi32>
    %add3A_236 = arith.addi %add3A_53, %add3A_235 : vector<16xi32>
    %add3A_237 = arith.constant 5 : i32
    %add3A_238 = vector.broadcast %add3A_237 : i32 to vector<16xi32>
    %add3A_239 = arith.addi %add3A_53, %add3A_238 : vector<16xi32>
    %add3A_240 = arith.constant 6 : i32
    %add3A_241 = vector.broadcast %add3A_240 : i32 to vector<16xi32>
    %add3A_242 = arith.addi %add3A_53, %add3A_241 : vector<16xi32>
    %add3A_243 = arith.constant 7 : i32
    %add3A_244 = vector.broadcast %add3A_243 : i32 to vector<16xi32>
    %add3A_245 = arith.addi %add3A_53, %add3A_244 : vector<16xi32>
    %broadcast_in_dim3A_246 = arith.constant 32 : i32
    %broadcast_in_dim3A_247 = vector.broadcast %broadcast_in_dim3A_246 : i32 to vector<16xi32>
    %broadcast_in_dim3A_248 = arith.constant 33 : i32
    %broadcast_in_dim3A_249 = vector.broadcast %broadcast_in_dim3A_248 : i32 to vector<16xi32>
    %broadcast_in_dim3A_250 = arith.constant 34 : i32
    %broadcast_in_dim3A_251 = vector.broadcast %broadcast_in_dim3A_250 : i32 to vector<16xi32>
    %broadcast_in_dim3A_252 = arith.constant 35 : i32
    %broadcast_in_dim3A_253 = vector.broadcast %broadcast_in_dim3A_252 : i32 to vector<16xi32>
    %broadcast_in_dim3A_254 = arith.constant 36 : i32
    %broadcast_in_dim3A_255 = vector.broadcast %broadcast_in_dim3A_254 : i32 to vector<16xi32>
    %broadcast_in_dim3A_256 = arith.constant 37 : i32
    %broadcast_in_dim3A_257 = vector.broadcast %broadcast_in_dim3A_256 : i32 to vector<16xi32>
    %broadcast_in_dim3A_258 = arith.constant 38 : i32
    %broadcast_in_dim3A_259 = vector.broadcast %broadcast_in_dim3A_258 : i32 to vector<16xi32>
    %broadcast_in_dim3A_260 = arith.constant 39 : i32
    %broadcast_in_dim3A_261 = vector.broadcast %broadcast_in_dim3A_260 : i32 to vector<16xi32>
    %broadcast_in_dim3A_262 = arith.constant 48 : i32
    %broadcast_in_dim3A_263 = vector.broadcast %broadcast_in_dim3A_262 : i32 to vector<16xi32>
    %broadcast_in_dim3A_264 = arith.constant 49 : i32
    %broadcast_in_dim3A_265 = vector.broadcast %broadcast_in_dim3A_264 : i32 to vector<16xi32>
    %broadcast_in_dim3A_266 = arith.constant 50 : i32
    %broadcast_in_dim3A_267 = vector.broadcast %broadcast_in_dim3A_266 : i32 to vector<16xi32>
    %broadcast_in_dim3A_268 = arith.constant 51 : i32
    %broadcast_in_dim3A_269 = vector.broadcast %broadcast_in_dim3A_268 : i32 to vector<16xi32>
    %broadcast_in_dim3A_270 = arith.constant 52 : i32
    %broadcast_in_dim3A_271 = vector.broadcast %broadcast_in_dim3A_270 : i32 to vector<16xi32>
    %broadcast_in_dim3A_272 = arith.constant 53 : i32
    %broadcast_in_dim3A_273 = vector.broadcast %broadcast_in_dim3A_272 : i32 to vector<16xi32>
    %broadcast_in_dim3A_274 = arith.constant 54 : i32
    %broadcast_in_dim3A_275 = vector.broadcast %broadcast_in_dim3A_274 : i32 to vector<16xi32>
    %broadcast_in_dim3A_276 = arith.constant 55 : i32
    %broadcast_in_dim3A_277 = vector.broadcast %broadcast_in_dim3A_276 : i32 to vector<16xi32>
    %xor3A = arith.constant 8 : i32
    %xor3A_278 = vector.broadcast %xor3A : i32 to vector<16xi32>
    %xor3A_279 = arith.xori %iota3A, %xor3A_278 : vector<16xi32>
    %add3A_280 = arith.constant 16 : i32
    %add3A_281 = vector.broadcast %add3A_280 : i32 to vector<16xi32>
    %add3A_282 = arith.addi %xor3A_279, %add3A_281 : vector<16xi32>
    %scan3A = arith.constant 0 : i32
    %scan3A_283 = arith.constant 32 : i32
    %scan3A_284 = arith.addi %scan3A, %scan3A_283 : i32
    %scan3A_285 = arith.constant 1 : i32
    scf.for %scan3A_298 = %scan3A to %scan3A_284 step %scan3A_285  : i32 {
      %mul3A_299 = arith.constant 2 : i32
      %mul3A_300 = arith.muli %scan3A_298, %mul3A_299 : i32
      %add3A_301 = arith.constant 0 : i32
      %add3A_302 = arith.addi %add3A_301, %mul3A_300 : i32
      %add3A_303 = arith.constant 0 : i32
      %add3A_304 = arith.addi %add3A_302, %add3A_303 : i32
      %add3A_305 = arith.constant 1 : i32
      %add3A_306 = arith.addi %add3A_304, %add3A_305 : i32
      %lt3A = arith.constant 64 : i32
      %lt3A_307 = arith.cmpi slt, %add3A_306, %lt3A : i32
      %convert_element_type3A = arith.extui %lt3A_307 : i1 to i32
      %cond3A = arith.constant 0 : i32
      %cond3A_308 = arith.cmpi ne, %convert_element_type3A, %cond3A : i32
      scf.if %cond3A_308 {
        %mul3A_1420 = arith.constant 208 : i32
        %mul3A_1421 = arith.muli %add3A_306, %mul3A_1420 : i32
        %add3A_1422 = arith.constant 0 : i32
        %add3A_1423 = arith.addi %mul3A_1421, %add3A_1422 : i32
        %dma_start3A_1424 = arith.constant 0 : i32
        %dma_start3A_1425 = arith.constant 0 : i32
        %dma_start3A_1426 = tpu.memref_slice %arg7[%dma_start3A_1424, %dma_start3A_1425] : memref<208x128xf32, #tpu.memory_space<vmem>> -> memref<104x128xf32, #tpu.memory_space<vmem>>
        %dma_start3A_1427 = tpu.memref_slice %arg5[%add3A_1423] : memref<13312xi32, #tpu.memory_space<vmem>> -> memref<104xi32, #tpu.memory_space<vmem>>
        %dma_start3A_1428 = arith.constant 0 : i32
        %dma_start3A_1429 = arith.constant 0 : i32
        %dma_start3A_1430 = tpu.memref_slice %arg2[%dma_start3A_1428, %dma_start3A_1429] : memref<26000x128xf32, #tpu.memory_space<hbm>> -> memref<26000x128xf32, #tpu.memory_space<hbm>>
        tpu.enqueue_indirect_dma source(%dma_start3A_1430 : memref<26000x128xf32, #tpu.memory_space<hbm>>) target(%dma_start3A_1426 : memref<104x128xf32, #tpu.memory_space<vmem>>) offsets(%dma_start3A_1427 : memref<104xi32, #tpu.memory_space<vmem>>) semaphore(%arg13 : memref<!tpu.dma_semaphore, #tpu.memory_space<semaphore_mem>>)
        %mul3A_1431 = arith.constant 208 : i32
        %mul3A_1432 = arith.muli %add3A_306, %mul3A_1431 : i32
        %add3A_1433 = arith.constant 104 : i32
        %add3A_1434 = arith.addi %mul3A_1432, %add3A_1433 : i32
        %dma_start3A_1435 = arith.constant 104 : i32
        %dma_start3A_1436 = arith.constant 0 : i32
        %dma_start3A_1437 = tpu.memref_slice %arg7[%dma_start3A_1435, %dma_start3A_1436] : memref<208x128xf32, #tpu.memory_space<vmem>> -> memref<104x128xf32, #tpu.memory_space<vmem>>
        %dma_start3A_1438 = tpu.memref_slice %arg5[%add3A_1434] : memref<13312xi32, #tpu.memory_space<vmem>> -> memref<104xi32, #tpu.memory_space<vmem>>
        %dma_start3A_1439 = arith.constant 0 : i32
        %dma_start3A_1440 = arith.constant 0 : i32
        %dma_start3A_1441 = tpu.memref_slice %arg2[%dma_start3A_1439, %dma_start3A_1440] : memref<26000x128xf32, #tpu.memory_space<hbm>> -> memref<26000x128xf32, #tpu.memory_space<hbm>>
        tpu.enqueue_indirect_dma source(%dma_start3A_1441 : memref<26000x128xf32, #tpu.memory_space<hbm>>) target(%dma_start3A_1437 : memref<104x128xf32, #tpu.memory_space<vmem>>) offsets(%dma_start3A_1438 : memref<104xi32, #tpu.memory_space<vmem>>) semaphore(%arg13 : memref<!tpu.dma_semaphore, #tpu.memory_space<semaphore_mem>>)
      } else {
      }
      %mul3A_309 = arith.constant 208 : i32
      %mul3A_310 = arith.muli %add3A_304, %mul3A_309 : i32
      %add3A_311 = arith.constant 0 : i32
      %add3A_312 = arith.addi %mul3A_310, %add3A_311 : i32
      %dma_wait3A_313 = arith.constant 0 : i32
      %dma_wait3A_314 = arith.constant 0 : i32
      %dma_wait3A_315 = tpu.memref_slice %arg6[%dma_wait3A_313, %dma_wait3A_314] : memref<208x128xf32, #tpu.memory_space<vmem>> -> memref<104x128xf32, #tpu.memory_space<vmem>>
      %dma_wait3A_316 = tpu.memref_slice %arg5[%add3A_312] : memref<13312xi32, #tpu.memory_space<vmem>> -> memref<104xi32, #tpu.memory_space<vmem>>
      %dma_wait3A_317 = arith.constant 0 : i32
      %dma_wait3A_318 = arith.constant 0 : i32
      %dma_wait3A_319 = tpu.memref_slice %arg2[%dma_wait3A_317, %dma_wait3A_318] : memref<26000x128xf32, #tpu.memory_space<hbm>> -> memref<26000x128xf32, #tpu.memory_space<hbm>>
      tpu.wait_indirect_dma semaphore(%arg12 : memref<!tpu.dma_semaphore, #tpu.memory_space<semaphore_mem>>) src(%dma_wait3A_319 : memref<26000x128xf32, #tpu.memory_space<hbm>>) dst(%dma_wait3A_315 : memref<104x128xf32, #tpu.memory_space<vmem>>)
      %mul3A_320 = arith.constant 208 : i32
      %mul3A_321 = arith.muli %add3A_304, %mul3A_320 : i32
      %add3A_322 = arith.constant 104 : i32
      %add3A_323 = arith.addi %mul3A_321, %add3A_322 : i32
      %dma_wait3A_324 = arith.constant 104 : i32
      %dma_wait3A_325 = arith.constant 0 : i32
      %dma_wait3A_326 = tpu.memref_slice %arg6[%dma_wait3A_324, %dma_wait3A_325] : memref<208x128xf32, #tpu.memory_space<vmem>> -> memref<104x128xf32, #tpu.memory_space<vmem>>
      %dma_wait3A_327 = tpu.memref_slice %arg5[%add3A_323] : memref<13312xi32, #tpu.memory_space<vmem>> -> memref<104xi32, #tpu.memory_space<vmem>>
      %dma_wait3A_328 = arith.constant 0 : i32
      %dma_wait3A_329 = arith.constant 0 : i32
      %dma_wait3A_330 = tpu.memref_slice %arg2[%dma_wait3A_328, %dma_wait3A_329] : memref<26000x128xf32, #tpu.memory_space<hbm>> -> memref<26000x128xf32, #tpu.memory_space<hbm>>
      tpu.wait_indirect_dma semaphore(%arg12 : memref<!tpu.dma_semaphore, #tpu.memory_space<semaphore_mem>>) src(%dma_wait3A_330 : memref<26000x128xf32, #tpu.memory_space<hbm>>) dst(%dma_wait3A_326 : memref<104x128xf32, #tpu.memory_space<vmem>>)
      %scan3A_331 = arith.constant 0 : i32
      %scan3A_332 = arith.constant 0 : i32
      %scan3A_333 = arith.constant 8 : i32
      %scan3A_334 = arith.addi %scan3A_332, %scan3A_333 : i32
      %scan3A_335 = arith.constant 1 : i32
      scf.for %scan3A_1420 = %scan3A_332 to %scan3A_334 step %scan3A_335  : i32 {
        %mul3A_1421 = arith.constant 26 : i32
        %mul3A_1422 = arith.muli %scan3A_1420, %mul3A_1421 : i32
        %broadcast_in_dim3A_1423 = arith.constant 0.000000e+00 : f32
        %broadcast_in_dim3A_1424 = vector.broadcast %broadcast_in_dim3A_1423 : f32 to vector<16xf32>
        %broadcast_in_dim3A_1425 = arith.constant 0.000000e+00 : f32
        %broadcast_in_dim3A_1426 = vector.broadcast %broadcast_in_dim3A_1425 : f32 to vector<16xf32>
        %broadcast_in_dim3A_1427 = arith.constant 0.000000e+00 : f32
        %broadcast_in_dim3A_1428 = vector.broadcast %broadcast_in_dim3A_1427 : f32 to vector<16xf32>
        %broadcast_in_dim3A_1429 = arith.constant 0.000000e+00 : f32
        %broadcast_in_dim3A_1430 = vector.broadcast %broadcast_in_dim3A_1429 : f32 to vector<16xf32>
        %broadcast_in_dim3A_1431 = arith.constant 0.000000e+00 : f32
        %broadcast_in_dim3A_1432 = vector.broadcast %broadcast_in_dim3A_1431 : f32 to vector<16xf32>
        %broadcast_in_dim3A_1433 = arith.constant 0.000000e+00 : f32
        %broadcast_in_dim3A_1434 = vector.broadcast %broadcast_in_dim3A_1433 : f32 to vector<16xf32>
        %broadcast_in_dim3A_1435 = arith.constant 0.000000e+00 : f32
        %broadcast_in_dim3A_1436 = vector.broadcast %broadcast_in_dim3A_1435 : f32 to vector<16xf32>
        %broadcast_in_dim3A_1437 = arith.constant 0.000000e+00 : f32
        %broadcast_in_dim3A_1438 = vector.broadcast %broadcast_in_dim3A_1437 : f32 to vector<16xf32>
        %scan3A_1439 = arith.constant 0 : i32
        %scan3A_1440 = arith.constant 26 : i32
        %scan3A_1441 = arith.addi %scan3A_1439, %scan3A_1440 : i32
        %scan3A_1442 = arith.constant 1 : i32
        %scan3A_1443:8 = scf.for %scan3A_1457 = %scan3A_1439 to %scan3A_1441 step %scan3A_1442 iter_args(%scan3A_1458 = %broadcast_in_dim3A_1424, %scan3A_1459 = %broadcast_in_dim3A_1426, %scan3A_1460 = %broadcast_in_dim3A_1428, %scan3A_1461 = %broadcast_in_dim3A_1430, %scan3A_1462 = %broadcast_in_dim3A_1432, %scan3A_1463 = %broadcast_in_dim3A_1434, %scan3A_1464 = %broadcast_in_dim3A_1436, %scan3A_1465 = %broadcast_in_dim3A_1438) -> (vector<16xf32>, vector<16xf32>, vector<16xf32>, vector<16xf32>, vector<16xf32>, vector<16xf32>, vector<16xf32>, vector<16xf32>)  : i32 {
          %add3A_1466 = arith.addi %mul3A_1422, %scan3A_1457 : i32
          %get3A = arith.index_cast %add3A_1466 : i32 to index
          %get3A_1467 = arith.constant 0 : index
          %get3A_1468 = tpu.vector_load %arg6[%get3A, %get3A_1467] {strides = array<i32>} : memref<208x128xf32, #tpu.memory_space<vmem>>, vector<16xf32>,
          %add3A_1469 = arith.addf %scan3A_1458, %get3A_1468 : vector<16xf32>
          %add3A_1470 = arith.addi %mul3A_1422, %scan3A_1457 : i32
          %get3A_1471 = arith.index_cast %add3A_1470 : i32 to index
          %get3A_1472 = arith.constant 16 : index
          %get3A_1473 = tpu.vector_load %arg6[%get3A_1471, %get3A_1472] {strides = array<i32>} : memref<208x128xf32, #tpu.memory_space<vmem>>, vector<16xf32>,
          %add3A_1474 = arith.addf %scan3A_1459, %get3A_1473 : vector<16xf32>
          %add3A_1475 = arith.addi %mul3A_1422, %scan3A_1457 : i32
          %get3A_1476 = arith.index_cast %add3A_1475 : i32 to index
          %get3A_1477 = arith.constant 32 : index
          %get3A_1478 = tpu.vector_load %arg6[%get3A_1476, %get3A_1477] {strides = array<i32>} : memref<208x128xf32, #tpu.memory_space<vmem>>, vector<16xf32>,
          %add3A_1479 = arith.addf %scan3A_1460, %get3A_1478 : vector<16xf32>
          %add3A_1480 = arith.addi %mul3A_1422, %scan3A_1457 : i32
          %get3A_1481 = arith.index_cast %add3A_1480 : i32 to index
          %get3A_1482 = arith.constant 48 : index
          %get3A_1483 = tpu.vector_load %arg6[%get3A_1481, %get3A_1482] {strides = array<i32>} : memref<208x128xf32, #tpu.memory_space<vmem>>, vector<16xf32>,
          %add3A_1484 = arith.addf %scan3A_1461, %get3A_1483 : vector<16xf32>
          %add3A_1485 = arith.addi %mul3A_1422, %scan3A_1457 : i32
          %get3A_1486 = arith.index_cast %add3A_1485 : i32 to index
          %get3A_1487 = arith.constant 64 : index
          %get3A_1488 = tpu.vector_load %arg6[%get3A_1486, %get3A_1487] {strides = array<i32>} : memref<208x128xf32, #tpu.memory_space<vmem>>, vector<16xf32>,
          %add3A_1489 = arith.addf %scan3A_1462, %get3A_1488 : vector<16xf32>
          %add3A_1490 = arith.addi %mul3A_1422, %scan3A_1457 : i32
          %get3A_1491 = arith.index_cast %add3A_1490 : i32 to index
          %get3A_1492 = arith.constant 80 : index
          %get3A_1493 = tpu.vector_load %arg6[%get3A_1491, %get3A_1492] {strides = array<i32>} : memref<208x128xf32, #tpu.memory_space<vmem>>, vector<16xf32>,
          %add3A_1494 = arith.addf %scan3A_1463, %get3A_1493 : vector<16xf32>
          %add3A_1495 = arith.addi %mul3A_1422, %scan3A_1457 : i32
          %get3A_1496 = arith.index_cast %add3A_1495 : i32 to index
          %get3A_1497 = arith.constant 96 : index
          %get3A_1498 = tpu.vector_load %arg6[%get3A_1496, %get3A_1497] {strides = array<i32>} : memref<208x128xf32, #tpu.memory_space<vmem>>, vector<16xf32>,
          %add3A_1499 = arith.addf %scan3A_1464, %get3A_1498 : vector<16xf32>
          %add3A_1500 = arith.addi %mul3A_1422, %scan3A_1457 : i32
          %get3A_1501 = arith.index_cast %add3A_1500 : i32 to index
          %get3A_1502 = arith.constant 112 : index
          %get3A_1503 = tpu.vector_load %arg6[%get3A_1501, %get3A_1502] {strides = array<i32>} : memref<208x128xf32, #tpu.memory_space<vmem>>, vector<16xf32>,
          %add3A_1504 = arith.addf %scan3A_1465, %get3A_1503 : vector<16xf32>
          scf.yield %add3A_1469, %add3A_1474, %add3A_1479, %add3A_1484, %add3A_1489, %add3A_1494, %add3A_1499, %add3A_1504 : vector<16xf32>, vector<16xf32>, vector<16xf32>, vector<16xf32>, vector<16xf32>, vector<16xf32>, vector<16xf32>, vector<16xf32>
        }
        %scan3A_1444 = arith.constant 26 : i32
        %broadcast_in_dim3A_1445 = arith.constant 1 : i32
        %broadcast_in_dim3A_1446 = vector.broadcast %broadcast_in_dim3A_1445 : i32 to vector<16xi32>
        %mul3A_1447 = vector.broadcast %scan3A_1420 : i32 to vector<16xi32>
        %mul3A_1448 = arith.muli %broadcast_in_dim3A_1446, %mul3A_1447 : vector<16xi32>
        %add3A_1449 = arith.addi %add3A_32, %mul3A_1448 : vector<16xi32>
        tpu.vector_store_idx %arg10[%add3A_1449], %scan3A_1443#0 : memref<1024xf32, #tpu.memory_space<vmem>>[vector<16xi32>], vector<16xf32>,
        %add3A_1450 = arith.addi %add3A_35, %mul3A_1448 : vector<16xi32>
        tpu.vector_store_idx %arg10[%add3A_1450], %scan3A_1443#1 : memref<1024xf32, #tpu.memory_space<vmem>>[vector<16xi32>], vector<16xf32>,
        %add3A_1451 = arith.addi %add3A_38, %mul3A_1448 : vector<16xi32>
        tpu.vector_store_idx %arg10[%add3A_1451], %scan3A_1443#2 : memref<1024xf32, #tpu.memory_space<vmem>>[vector<16xi32>], vector<16xf32>,
        %add3A_1452 = arith.addi %add3A_41, %mul3A_1448 : vector<16xi32>
        tpu.vector_store_idx %arg10[%add3A_1452], %scan3A_1443#3 : memref<1024xf32, #tpu.memory_space<vmem>>[vector<16xi32>], vector<16xf32>,
        %add3A_1453 = arith.addi %add3A_44, %mul3A_1448 : vector<16xi32>
        tpu.vector_store_idx %arg10[%add3A_1453], %scan3A_1443#4 : memref<1024xf32, #tpu.memory_space<vmem>>[vector<16xi32>], vector<16xf32>,
        %add3A_1454 = arith.addi %add3A_47, %mul3A_1448 : vector<16xi32>
        tpu.vector_store_idx %arg10[%add3A_1454], %scan3A_1443#5 : memref<1024xf32, #tpu.memory_space<vmem>>[vector<16xi32>], vector<16xf32>,
        %add3A_1455 = arith.addi %add3A_50, %mul3A_1448 : vector<16xi32>
        tpu.vector_store_idx %arg10[%add3A_1455], %scan3A_1443#6 : memref<1024xf32, #tpu.memory_space<vmem>>[vector<16xi32>], vector<16xf32>,
        %add3A_1456 = arith.addi %add3A_53, %mul3A_1448 : vector<16xi32>
        tpu.vector_store_idx %arg10[%add3A_1456], %scan3A_1443#7 : memref<1024xf32, #tpu.memory_space<vmem>>[vector<16xi32>], vector<16xf32>,
      }
      %scan3A_336 = arith.constant 8 : i32
      %broadcast_in_dim3A_337 = arith.constant 0.000000e+00 : f32
      %broadcast_in_dim3A_338 = vector.broadcast %broadcast_in_dim3A_337 : f32 to vector<16xf32>
      %broadcast_in_dim3A_339 = arith.constant 0.000000e+00 : f32
      %broadcast_in_dim3A_340 = vector.broadcast %broadcast_in_dim3A_339 : f32 to vector<16xf32>
      %scan3A_341 = arith.constant 0 : i32
      %scan3A_342 = arith.constant 64 : i32
      %scan3A_343 = arith.addi %scan3A_341, %scan3A_342 : i32
      %scan3A_344 = arith.constant 4 : i32
      %scan3A_345:2 = scf.for %scan3A_1420 = %scan3A_341 to %scan3A_343 step %scan3A_344 iter_args(%scan3A_1421 = %broadcast_in_dim3A_338, %scan3A_1422 = %broadcast_in_dim3A_340) -> (vector<16xf32>, vector<16xf32>)  : i32 {
        %mul3A_1423 = arith.constant 16 : i32
        %mul3A_1424 = arith.muli %scan3A_1420, %mul3A_1423 : i32
        %get3A = arith.index_cast %mul3A_1424 : i32 to index
        %get3A_1425 = tpu.vector_load %arg10[%get3A] {strides = array<i32>} : memref<1024xf32, #tpu.memory_space<vmem>>, vector<16xf32>,
        %add3A_1426 = arith.addf %scan3A_1421, %get3A_1425 : vector<16xf32>
        %mul3A_1427 = arith.mulf %get3A_1425, %get3A_1425 : vector<16xf32>
        %add3A_1428 = arith.addf %scan3A_1422, %mul3A_1427 : vector<16xf32>
        %scan3A_1429 = arith.constant 1 : i32
        %scan3A_1430 = arith.addi %scan3A_1420, %scan3A_1429 : i32
        %mul3A_1431 = arith.constant 16 : i32
        %mul3A_1432 = arith.muli %scan3A_1430, %mul3A_1431 : i32
        %get3A_1433 = arith.index_cast %mul3A_1432 : i32 to index
        %get3A_1434 = tpu.vector_load %arg10[%get3A_1433] {strides = array<i32>} : memref<1024xf32, #tpu.memory_space<vmem>>, vector<16xf32>,
        %add3A_1435 = arith.addf %add3A_1426, %get3A_1434 : vector<16xf32>
        %mul3A_1436 = arith.mulf %get3A_1434, %get3A_1434 : vector<16xf32>
        %add3A_1437 = arith.addf %add3A_1428, %mul3A_1436 : vector<16xf32>
        %scan3A_1438 = arith.constant 2 : i32
        %scan3A_1439 = arith.addi %scan3A_1420, %scan3A_1438 : i32
        %mul3A_1440 = arith.constant 16 : i32
        %mul3A_1441 = arith.muli %scan3A_1439, %mul3A_1440 : i32
        %get3A_1442 = arith.index_cast %mul3A_1441 : i32 to index
        %get3A_1443 = tpu.vector_load %arg10[%get3A_1442] {strides = array<i32>} : memref<1024xf32, #tpu.memory_space<vmem>>, vector<16xf32>,
        %add3A_1444 = arith.addf %add3A_1435, %get3A_1443 : vector<16xf32>
        %mul3A_1445 = arith.mulf %get3A_1443, %get3A_1443 : vector<16xf32>
        %add3A_1446 = arith.addf %add3A_1437, %mul3A_1445 : vector<16xf32>
        %scan3A_1447 = arith.constant 3 : i32
        %scan3A_1448 = arith.addi %scan3A_1420, %scan3A_1447 : i32
        %mul3A_1449 = arith.constant 16 : i32
        %mul3A_1450 = arith.muli %scan3A_1448, %mul3A_1449 : i32
        %get3A_1451 = arith.index_cast %mul3A_1450 : i32 to index
        %get3A_1452 = tpu.vector_load %arg10[%get3A_1451] {strides = array<i32>} : memref<1024xf32, #tpu.memory_space<vmem>>, vector<16xf32>,
        %add3A_1453 = arith.addf %add3A_1444, %get3A_1452 : vector<16xf32>
        %mul3A_1454 = arith.mulf %get3A_1452, %get3A_1452 : vector<16xf32>
        %add3A_1455 = arith.addf %add3A_1446, %mul3A_1454 : vector<16xf32>
        scf.yield %add3A_1453, %add3A_1455 : vector<16xf32>, vector<16xf32>
      }
      %scan3A_346 = arith.constant 64 : i32
      %swap3A = arith.constant 0 : index
      %swap3A_347 = tpu.vector_load %arg11[%swap3A] {strides = array<i32>} : memref<64xf32, #tpu.memory_space<vmem>>, vector<16xf32>,
      tpu.vector_store %arg11[%swap3A], %scan3A_345#0 {strides = array<i32>} : memref<64xf32, #tpu.memory_space<vmem>>, vector<16xf32>,
      %swap3A_348 = arith.constant 16 : index
      %swap3A_349 = tpu.vector_load %arg11[%swap3A_348] {strides = array<i32>} : memref<64xf32, #tpu.memory_space<vmem>>, vector<16xf32>,
      tpu.vector_store %arg11[%swap3A_348], %scan3A_345#1 {strides = array<i32>} : memref<64xf32, #tpu.memory_space<vmem>>, vector<16xf32>,
      %gather3A = tpu.vector_load_idx %arg11[%xor3A_279] : memref<64xf32, #tpu.memory_space<vmem>>[vector<16xi32>], vector<16xf32>,
      %add3A_350 = arith.addf %scan3A_345#0, %gather3A : vector<16xf32>
      %gather3A_351 = tpu.vector_load_idx %arg11[%add3A_282] : memref<64xf32, #tpu.memory_space<vmem>>[vector<16xi32>], vector<16xf32>,
      %add3A_352 = arith.addf %scan3A_345#1, %gather3A_351 : vector<16xf32>
      %mul3A_353 = arith.constant 7.812500e-03 : f32
      %mul3A_354 = vector.broadcast %mul3A_353 : f32 to vector<16xf32>
      %mul3A_355 = arith.mulf %add3A_350, %mul3A_354 : vector<16xf32>
      %mul3A_356 = arith.constant 7.812500e-03 : f32
      %mul3A_357 = vector.broadcast %mul3A_356 : f32 to vector<16xf32>
      %mul3A_358 = arith.mulf %add3A_352, %mul3A_357 : vector<16xf32>
      %mul3A_359 = arith.mulf %mul3A_355, %mul3A_355 : vector<16xf32>
      %sub3A = arith.subf %mul3A_358, %mul3A_359 : vector<16xf32>
      %add3A_360 = arith.constant 9.99999974E-6 : f32
      %add3A_361 = vector.broadcast %add3A_360 : f32 to vector<16xf32>
      %add3A_362 = arith.addf %sub3A, %add3A_361 : vector<16xf32>
      %bitcast3A = vector.bitcast %add3A_362 : vector<16xf32> to vector<16xi32>
      %shift_right_logical3A = arith.shrui %bitcast3A, %broadcast_in_dim3A_26 : vector<16xi32>
      %sub3A_363 = arith.subi %broadcast_in_dim3A_24, %shift_right_logical3A : vector<16xi32>
      %bitcast3A_364 = vector.bitcast %sub3A_363 : vector<16xi32> to vector<16xf32>
      %mul3A_365 = arith.mulf %broadcast_in_dim3A_20, %add3A_362 : vector<16xf32>
      %mul3A_366 = arith.mulf %mul3A_365, %bitcast3A_364 : vector<16xf32>
      %mul3A_367 = arith.mulf %mul3A_366, %bitcast3A_364 : vector<16xf32>
      %sub3A_368 = arith.subf %broadcast_in_dim3A_22, %mul3A_367 : vector<16xf32>
      %mul3A_369 = arith.mulf %bitcast3A_364, %sub3A_368 : vector<16xf32>
      %mul3A_370 = arith.mulf %mul3A_365, %mul3A_369 : vector<16xf32>
      %mul3A_371 = arith.mulf %mul3A_370, %mul3A_369 : vector<16xf32>
      %sub3A_372 = arith.subf %broadcast_in_dim3A_22, %mul3A_371 : vector<16xf32>
      %mul3A_373 = arith.mulf %mul3A_369, %sub3A_372 : vector<16xf32>
      %mul3A_374 = arith.mulf %mul3A_365, %mul3A_373 : vector<16xf32>
      %mul3A_375 = arith.mulf %mul3A_374, %mul3A_373 : vector<16xf32>
      %sub3A_376 = arith.subf %broadcast_in_dim3A_22, %mul3A_375 : vector<16xf32>
      %mul3A_377 = arith.mulf %mul3A_373, %sub3A_376 : vector<16xf32>
      %swap3A_378 = arith.constant 32 : index
      %swap3A_379 = tpu.vector_load %arg11[%swap3A_378] {strides = array<i32>} : memref<64xf32, #tpu.memory_space<vmem>>, vector<16xf32>,
      tpu.vector_store %arg11[%swap3A_378], %mul3A_355 {strides = array<i32>} : memref<64xf32, #tpu.memory_space<vmem>>, vector<16xf32>,
      %swap3A_380 = arith.constant 48 : index
      %swap3A_381 = tpu.vector_load %arg11[%swap3A_380] {strides = array<i32>} : memref<64xf32, #tpu.memory_space<vmem>>, vector<16xf32>,
      tpu.vector_store %arg11[%swap3A_380], %mul3A_377 {strides = array<i32>} : memref<64xf32, #tpu.memory_space<vmem>>, vector<16xf32>,
      %ge3A = arith.constant 2 : i32
      %ge3A_382 = arith.cmpi sge, %add3A_304, %ge3A : i32
      %convert_element_type3A_383 = arith.extui %ge3A_382 : i1 to i32
      %cond3A_384 = arith.constant 0 : i32
      %cond3A_385 = arith.cmpi ne, %convert_element_type3A_383, %cond3A_384 : i32
      scf.if %cond3A_385 {
        %add3A_1420 = arith.addi %mul3A_2, %add3A_304 : i32
        %mul3A_1421 = arith.constant 8 : i32
        %mul3A_1422 = arith.muli %add3A_1420, %mul3A_1421 : i32
        %dma_wait3A_1423 = arith.constant 0 : i32
        %dma_wait3A_1424 = tpu.memref_slice %arg4[%mul3A_1422, %dma_wait3A_1423] : memref<16384x128xf32, #tpu.memory_space<hbm>> -> memref<8x128xf32, #tpu.memory_space<hbm>>
        %dma_wait3A_1425 = arith.constant 0 : i32
        %dma_wait3A_1426 = tpu.memref_slice %arg4[%mul3A_1422, %dma_wait3A_1425] : memref<16384x128xf32, #tpu.memory_space<hbm>> -> memref<8x128xf32, #tpu.memory_space<hbm>>
        tpu.wait_dma2 semaphore(%arg14 : memref<!tpu.dma_semaphore, #tpu.memory_space<semaphore_mem>>) src(%arg8 : memref<8x128xf32, #tpu.memory_space<vmem>>) dst(%dma_wait3A_1426 : memref<8x128xf32, #tpu.memory_space<hbm>>)
      } else {
      }
      %gather3A_386 = tpu.vector_load_idx %arg11[%broadcast_in_dim3A_247] : memref<64xf32, #tpu.memory_space<vmem>>[vector<16xi32>], vector<16xf32>,
      %gather3A_387 = tpu.vector_load_idx %arg11[%broadcast_in_dim3A_263] : memref<64xf32, #tpu.memory_space<vmem>>[vector<16xi32>], vector<16xf32>,
      %gather3A_388 = tpu.vector_load_idx %arg10[%add3A_56] : memref<1024xf32, #tpu.memory_space<vmem>>[vector<16xi32>], vector<16xf32>,
      %sub3A_389 = arith.subf %gather3A_388, %gather3A_386 : vector<16xf32>
      %mul3A_390 = arith.mulf %sub3A_389, %gather3A_387 : vector<16xf32>
      %swap3A_391 = arith.constant 0 : i32
      %swap3A_392 = arith.index_cast %swap3A_391 : i32 to index
      %swap3A_393 = arith.constant 0 : index
      %swap3A_394 = tpu.vector_load %arg8[%swap3A_392, %swap3A_393] {strides = array<i32>} : memref<8x128xf32, #tpu.memory_space<vmem>>, vector<16xf32>,
      tpu.vector_store %arg8[%swap3A_392, %swap3A_393], %mul3A_390 {strides = array<i32>} : memref<8x128xf32, #tpu.memory_space<vmem>>, vector<16xf32>,
      %gather3A_395 = tpu.vector_load_idx %arg10[%add3A_80] : memref<1024xf32, #tpu.memory_space<vmem>>[vector<16xi32>], vector<16xf32>,
      %sub3A_396 = arith.subf %gather3A_395, %gather3A_386 : vector<16xf32>
      %mul3A_397 = arith.mulf %sub3A_396, %gather3A_387 : vector<16xf32>
      %swap3A_398 = arith.constant 0 : i32
      %swap3A_399 = arith.index_cast %swap3A_398 : i32 to index
      %swap3A_400 = arith.constant 16 : index
      %swap3A_401 = tpu.vector_load %arg8[%swap3A_399, %swap3A_400] {strides = array<i32>} : memref<8x128xf32, #tpu.memory_space<vmem>>, vector<16xf32>,
      tpu.vector_store %arg8[%swap3A_399, %swap3A_400], %mul3A_397 {strides = array<i32>} : memref<8x128xf32, #tpu.memory_space<vmem>>, vector<16xf32>,
      %gather3A_402 = tpu.vector_load_idx %arg10[%add3A_104] : memref<1024xf32, #tpu.memory_space<vmem>>[vector<16xi32>], vector<16xf32>,
      %sub3A_403 = arith.subf %gather3A_402, %gather3A_386 : vector<16xf32>
      %mul3A_404 = arith.mulf %sub3A_403, %gather3A_387 : vector<16xf32>
      %swap3A_405 = arith.constant 0 : i32
      %swap3A_406 = arith.index_cast %swap3A_405 : i32 to index
      %swap3A_407 = arith.constant 32 : index
      %swap3A_408 = tpu.vector_load %arg8[%swap3A_406, %swap3A_407] {strides = array<i32>} : memref<8x128xf32, #tpu.memory_space<vmem>>, vector<16xf32>,
      tpu.vector_store %arg8[%swap3A_406, %swap3A_407], %mul3A_404 {strides = array<i32>} : memref<8x128xf32, #tpu.memory_space<vmem>>, vector<16xf32>,
      %gather3A_409 = tpu.vector_load_idx %arg10[%add3A_128] : memref<1024xf32, #tpu.memory_space<vmem>>[vector<16xi32>], vector<16xf32>,
      %sub3A_410 = arith.subf %gather3A_409, %gather3A_386 : vector<16xf32>
      %mul3A_411 = arith.mulf %sub3A_410, %gather3A_387 : vector<16xf32>
      %swap3A_412 = arith.constant 0 : i32
      %swap3A_413 = arith.index_cast %swap3A_412 : i32 to index
      %swap3A_414 = arith.constant 48 : index
      %swap3A_415 = tpu.vector_load %arg8[%swap3A_413, %swap3A_414] {strides = array<i32>} : memref<8x128xf32, #tpu.memory_space<vmem>>, vector<16xf32>,
      tpu.vector_store %arg8[%swap3A_413, %swap3A_414], %mul3A_411 {strides = array<i32>} : memref<8x128xf32, #tpu.memory_space<vmem>>, vector<16xf32>,
      %gather3A_416 = tpu.vector_load_idx %arg10[%add3A_152] : memref<1024xf32, #tpu.memory_space<vmem>>[vector<16xi32>], vector<16xf32>,
      %sub3A_417 = arith.subf %gather3A_416, %gather3A_386 : vector<16xf32>
      %mul3A_418 = arith.mulf %sub3A_417, %gather3A_387 : vector<16xf32>
      %swap3A_419 = arith.constant 0 : i32
      %swap3A_420 = arith.index_cast %swap3A_419 : i32 to index
      %swap3A_421 = arith.constant 64 : index
      %swap3A_422 = tpu.vector_load %arg8[%swap3A_420, %swap3A_421] {strides = array<i32>} : memref<8x128xf32, #tpu.memory_space<vmem>>, vector<16xf32>,
      tpu.vector_store %arg8[%swap3A_420, %swap3A_421], %mul3A_418 {strides = array<i32>} : memref<8x128xf32, #tpu.memory_space<vmem>>, vector<16xf32>,
      %gather3A_423 = tpu.vector_load_idx %arg10[%add3A_176] : memref<1024xf32, #tpu.memory_space<vmem>>[vector<16xi32>], vector<16xf32>,
      %sub3A_424 = arith.subf %gather3A_423, %gather3A_386 : vector<16xf32>
      %mul3A_425 = arith.mulf %sub3A_424, %gather3A_387 : vector<16xf32>
      %swap3A_426 = arith.constant 0 : i32
      %swap3A_427 = arith.index_cast %swap3A_426 : i32 to index
      %swap3A_428 = arith.constant 80 : index
      %swap3A_429 = tpu.vector_load %arg8[%swap3A_427, %swap3A_428] {strides = array<i32>} : memref<8x128xf32, #tpu.memory_space<vmem>>, vector<16xf32>,
      tpu.vector_store %arg8[%swap3A_427, %swap3A_428], %mul3A_425 {strides = array<i32>} : memref<8x128xf32, #tpu.memory_space<vmem>>, vector<16xf32>,
      %gather3A_430 = tpu.vector_load_idx %arg10[%add3A_200] : memref<1024xf32, #tpu.memory_space<vmem>>[vector<16xi32>], vector<16xf32>,
      %sub3A_431 = arith.subf %gather3A_430, %gather3A_386 : vector<16xf32>
      %mul3A_432 = arith.mulf %sub3A_431, %gather3A_387 : vector<16xf32>
      %swap3A_433 = arith.constant 0 : i32
      %swap3A_434 = arith.index_cast %swap3A_433 : i32 to index
      %swap3A_435 = arith.constant 96 : index
      %swap3A_436 = tpu.vector_load %arg8[%swap3A_434, %swap3A_435] {strides = array<i32>} : memref<8x128xf32, #tpu.memory_space<vmem>>, vector<16xf32>,
      tpu.vector_store %arg8[%swap3A_434, %swap3A_435], %mul3A_432 {strides = array<i32>} : memref<8x128xf32, #tpu.memory_space<vmem>>, vector<16xf32>,
      %gather3A_437 = tpu.vector_load_idx %arg10[%add3A_224] : memref<1024xf32, #tpu.memory_space<vmem>>[vector<16xi32>], vector<16xf32>,
      %sub3A_438 = arith.subf %gather3A_437, %gather3A_386 : vector<16xf32>
      %mul3A_439 = arith.mulf %sub3A_438, %gather3A_387 : vector<16xf32>
      %swap3A_440 = arith.constant 0 : i32
      %swap3A_441 = arith.index_cast %swap3A_440 : i32 to index
      %swap3A_442 = arith.constant 112 : index
      %swap3A_443 = tpu.vector_load %arg8[%swap3A_441, %swap3A_442] {strides = array<i32>} : memref<8x128xf32, #tpu.memory_space<vmem>>, vector<16xf32>,
      tpu.vector_store %arg8[%swap3A_441, %swap3A_442], %mul3A_439 {strides = array<i32>} : memref<8x128xf32, #tpu.memory_space<vmem>>, vector<16xf32>,
      %gather3A_444 = tpu.vector_load_idx %arg11[%broadcast_in_dim3A_249] : memref<64xf32, #tpu.memory_space<vmem>>[vector<16xi32>], vector<16xf32>,
      %gather3A_445 = tpu.vector_load_idx %arg11[%broadcast_in_dim3A_265] : memref<64xf32, #tpu.memory_space<vmem>>[vector<16xi32>], vector<16xf32>,
      %gather3A_446 = tpu.vector_load_idx %arg10[%add3A_59] : memref<1024xf32, #tpu.memory_space<vmem>>[vector<16xi32>], vector<16xf32>,
      %sub3A_447 = arith.subf %gather3A_446, %gather3A_444 : vector<16xf32>
      %mul3A_448 = arith.mulf %sub3A_447, %gather3A_445 : vector<16xf32>
      %swap3A_449 = arith.constant 1 : i32
      %swap3A_450 = arith.index_cast %swap3A_449 : i32 to index
      %swap3A_451 = arith.constant 0 : index
      %swap3A_452 = tpu.vector_load %arg8[%swap3A_450, %swap3A_451] {strides = array<i32>} : memref<8x128xf32, #tpu.memory_space<vmem>>, vector<16xf32>,
      tpu.vector_store %arg8[%swap3A_450, %swap3A_451], %mul3A_448 {strides = array<i32>} : memref<8x128xf32, #tpu.memory_space<vmem>>, vector<16xf32>,
      %gather3A_453 = tpu.vector_load_idx %arg10[%add3A_83] : memref<1024xf32, #tpu.memory_space<vmem>>[vector<16xi32>], vector<16xf32>,
      %sub3A_454 = arith.subf %gather3A_453, %gather3A_444 : vector<16xf32>
      %mul3A_455 = arith.mulf %sub3A_454, %gather3A_445 : vector<16xf32>
      %swap3A_456 = arith.constant 1 : i32
      %swap3A_457 = arith.index_cast %swap3A_456 : i32 to index
      %swap3A_458 = arith.constant 16 : index
      %swap3A_459 = tpu.vector_load %arg8[%swap3A_457, %swap3A_458] {strides = array<i32>} : memref<8x128xf32, #tpu.memory_space<vmem>>, vector<16xf32>,
      tpu.vector_store %arg8[%swap3A_457, %swap3A_458], %mul3A_455 {strides = array<i32>} : memref<8x128xf32, #tpu.memory_space<vmem>>, vector<16xf32>,
      %gather3A_460 = tpu.vector_load_idx %arg10[%add3A_107] : memref<1024xf32, #tpu.memory_space<vmem>>[vector<16xi32>], vector<16xf32>,
      %sub3A_461 = arith.subf %gather3A_460, %gather3A_444 : vector<16xf32>
      %mul3A_462 = arith.mulf %sub3A_461, %gather3A_445 : vector<16xf32>
      %swap3A_463 = arith.constant 1 : i32
      %swap3A_464 = arith.index_cast %swap3A_463 : i32 to index
      %swap3A_465 = arith.constant 32 : index
      %swap3A_466 = tpu.vector_load %arg8[%swap3A_464, %swap3A_465] {strides = array<i32>} : memref<8x128xf32, #tpu.memory_space<vmem>>, vector<16xf32>,
      tpu.vector_store %arg8[%swap3A_464, %swap3A_465], %mul3A_462 {strides = array<i32>} : memref<8x128xf32, #tpu.memory_space<vmem>>, vector<16xf32>,
      %gather3A_467 = tpu.vector_load_idx %arg10[%add3A_131] : memref<1024xf32, #tpu.memory_space<vmem>>[vector<16xi32>], vector<16xf32>,
      %sub3A_468 = arith.subf %gather3A_467, %gather3A_444 : vector<16xf32>
      %mul3A_469 = arith.mulf %sub3A_468, %gather3A_445 : vector<16xf32>
      %swap3A_470 = arith.constant 1 : i32
      %swap3A_471 = arith.index_cast %swap3A_470 : i32 to index
      %swap3A_472 = arith.constant 48 : index
      %swap3A_473 = tpu.vector_load %arg8[%swap3A_471, %swap3A_472] {strides = array<i32>} : memref<8x128xf32, #tpu.memory_space<vmem>>, vector<16xf32>,
      tpu.vector_store %arg8[%swap3A_471, %swap3A_472], %mul3A_469 {strides = array<i32>} : memref<8x128xf32, #tpu.memory_space<vmem>>, vector<16xf32>,
      %gather3A_474 = tpu.vector_load_idx %arg10[%add3A_155] : memref<1024xf32, #tpu.memory_space<vmem>>[vector<16xi32>], vector<16xf32>,
      %sub3A_475 = arith.subf %gather3A_474, %gather3A_444 : vector<16xf32>
      %mul3A_476 = arith.mulf %sub3A_475, %gather3A_445 : vector<16xf32>
      %swap3A_477 = arith.constant 1 : i32
      %swap3A_478 = arith.index_cast %swap3A_477 : i32 to index
      %swap3A_479 = arith.constant 64 : index
      %swap3A_480 = tpu.vector_load %arg8[%swap3A_478, %swap3A_479] {strides = array<i32>} : memref<8x128xf32, #tpu.memory_space<vmem>>, vector<16xf32>,
      tpu.vector_store %arg8[%swap3A_478, %swap3A_479], %mul3A_476 {strides = array<i32>} : memref<8x128xf32, #tpu.memory_space<vmem>>, vector<16xf32>,
      %gather3A_481 = tpu.vector_load_idx %arg10[%add3A_179] : memref<1024xf32, #tpu.memory_space<vmem>>[vector<16xi32>], vector<16xf32>,
      %sub3A_482 = arith.subf %gather3A_481, %gather3A_444 : vector<16xf32>
      %mul3A_483 = arith.mulf %sub3A_482, %gather3A_445 : vector<16xf32>
      %swap3A_484 = arith.constant 1 : i32
      %swap3A_485 = arith.index_cast %swap3A_484 : i32 to index
      %swap3A_486 = arith.constant 80 : index
      %swap3A_487 = tpu.vector_load %arg8[%swap3A_485, %swap3A_486] {strides = array<i32>} : memref<8x128xf32, #tpu.memory_space<vmem>>, vector<16xf32>,
      tpu.vector_store %arg8[%swap3A_485, %swap3A_486], %mul3A_483 {strides = array<i32>} : memref<8x128xf32, #tpu.memory_space<vmem>>, vector<16xf32>,
      %gather3A_488 = tpu.vector_load_idx %arg10[%add3A_203] : memref<1024xf32, #tpu.memory_space<vmem>>[vector<16xi32>], vector<16xf32>,
      %sub3A_489 = arith.subf %gather3A_488, %gather3A_444 : vector<16xf32>
      %mul3A_490 = arith.mulf %sub3A_489, %gather3A_445 : vector<16xf32>
      %swap3A_491 = arith.constant 1 : i32
      %swap3A_492 = arith.index_cast %swap3A_491 : i32 to index
      %swap3A_493 = arith.constant 96 : index
      %swap3A_494 = tpu.vector_load %arg8[%swap3A_492, %swap3A_493] {strides = array<i32>} : memref<8x128xf32, #tpu.memory_space<vmem>>, vector<16xf32>,
      tpu.vector_store %arg8[%swap3A_492, %swap3A_493], %mul3A_490 {strides = array<i32>} : memref<8x128xf32, #tpu.memory_space<vmem>>, vector<16xf32>,
      %gather3A_495 = tpu.vector_load_idx %arg10[%add3A_227] : memref<1024xf32, #tpu.memory_space<vmem>>[vector<16xi32>], vector<16xf32>,
      %sub3A_496 = arith.subf %gather3A_495, %gather3A_444 : vector<16xf32>
      %mul3A_497 = arith.mulf %sub3A_496, %gather3A_445 : vector<16xf32>
      %swap3A_498 = arith.constant 1 : i32
      %swap3A_499 = arith.index_cast %swap3A_498 : i32 to index
      %swap3A_500 = arith.constant 112 : index
      %swap3A_501 = tpu.vector_load %arg8[%swap3A_499, %swap3A_500] {strides = array<i32>} : memref<8x128xf32, #tpu.memory_space<vmem>>, vector<16xf32>,
      tpu.vector_store %arg8[%swap3A_499, %swap3A_500], %mul3A_497 {strides = array<i32>} : memref<8x128xf32, #tpu.memory_space<vmem>>, vector<16xf32>,
      %gather3A_502 = tpu.vector_load_idx %arg11[%broadcast_in_dim3A_251] : memref<64xf32, #tpu.memory_space<vmem>>[vector<16xi32>], vector<16xf32>,
      %gather3A_503 = tpu.vector_load_idx %arg11[%broadcast_in_dim3A_267] : memref<64xf32, #tpu.memory_space<vmem>>[vector<16xi32>], vector<16xf32>,
      %gather3A_504 = tpu.vector_load_idx %arg10[%add3A_62] : memref<1024xf32, #tpu.memory_space<vmem>>[vector<16xi32>], vector<16xf32>,
      %sub3A_505 = arith.subf %gather3A_504, %gather3A_502 : vector<16xf32>
      %mul3A_506 = arith.mulf %sub3A_505, %gather3A_503 : vector<16xf32>
      %swap3A_507 = arith.constant 2 : i32
      %swap3A_508 = arith.index_cast %swap3A_507 : i32 to index
      %swap3A_509 = arith.constant 0 : index
      %swap3A_510 = tpu.vector_load %arg8[%swap3A_508, %swap3A_509] {strides = array<i32>} : memref<8x128xf32, #tpu.memory_space<vmem>>, vector<16xf32>,
      tpu.vector_store %arg8[%swap3A_508, %swap3A_509], %mul3A_506 {strides = array<i32>} : memref<8x128xf32, #tpu.memory_space<vmem>>, vector<16xf32>,
      %gather3A_511 = tpu.vector_load_idx %arg10[%add3A_86] : memref<1024xf32, #tpu.memory_space<vmem>>[vector<16xi32>], vector<16xf32>,
      %sub3A_512 = arith.subf %gather3A_511, %gather3A_502 : vector<16xf32>
      %mul3A_513 = arith.mulf %sub3A_512, %gather3A_503 : vector<16xf32>
      %swap3A_514 = arith.constant 2 : i32
      %swap3A_515 = arith.index_cast %swap3A_514 : i32 to index
      %swap3A_516 = arith.constant 16 : index
      %swap3A_517 = tpu.vector_load %arg8[%swap3A_515, %swap3A_516] {strides = array<i32>} : memref<8x128xf32, #tpu.memory_space<vmem>>, vector<16xf32>,
      tpu.vector_store %arg8[%swap3A_515, %swap3A_516], %mul3A_513 {strides = array<i32>} : memref<8x128xf32, #tpu.memory_space<vmem>>, vector<16xf32>,
      %gather3A_518 = tpu.vector_load_idx %arg10[%add3A_110] : memref<1024xf32, #tpu.memory_space<vmem>>[vector<16xi32>], vector<16xf32>,
      %sub3A_519 = arith.subf %gather3A_518, %gather3A_502 : vector<16xf32>
      %mul3A_520 = arith.mulf %sub3A_519, %gather3A_503 : vector<16xf32>
      %swap3A_521 = arith.constant 2 : i32
      %swap3A_522 = arith.index_cast %swap3A_521 : i32 to index
      %swap3A_523 = arith.constant 32 : index
      %swap3A_524 = tpu.vector_load %arg8[%swap3A_522, %swap3A_523] {strides = array<i32>} : memref<8x128xf32, #tpu.memory_space<vmem>>, vector<16xf32>,
      tpu.vector_store %arg8[%swap3A_522, %swap3A_523], %mul3A_520 {strides = array<i32>} : memref<8x128xf32, #tpu.memory_space<vmem>>, vector<16xf32>,
      %gather3A_525 = tpu.vector_load_idx %arg10[%add3A_134] : memref<1024xf32, #tpu.memory_space<vmem>>[vector<16xi32>], vector<16xf32>,
      %sub3A_526 = arith.subf %gather3A_525, %gather3A_502 : vector<16xf32>
      %mul3A_527 = arith.mulf %sub3A_526, %gather3A_503 : vector<16xf32>
      %swap3A_528 = arith.constant 2 : i32
      %swap3A_529 = arith.index_cast %swap3A_528 : i32 to index
      %swap3A_530 = arith.constant 48 : index
      %swap3A_531 = tpu.vector_load %arg8[%swap3A_529, %swap3A_530] {strides = array<i32>} : memref<8x128xf32, #tpu.memory_space<vmem>>, vector<16xf32>,
      tpu.vector_store %arg8[%swap3A_529, %swap3A_530], %mul3A_527 {strides = array<i32>} : memref<8x128xf32, #tpu.memory_space<vmem>>, vector<16xf32>,
      %gather3A_532 = tpu.vector_load_idx %arg10[%add3A_158] : memref<1024xf32, #tpu.memory_space<vmem>>[vector<16xi32>], vector<16xf32>,
      %sub3A_533 = arith.subf %gather3A_532, %gather3A_502 : vector<16xf32>
      %mul3A_534 = arith.mulf %sub3A_533, %gather3A_503 : vector<16xf32>
      %swap3A_535 = arith.constant 2 : i32
      %swap3A_536 = arith.index_cast %swap3A_535 : i32 to index
      %swap3A_537 = arith.constant 64 : index
      %swap3A_538 = tpu.vector_load %arg8[%swap3A_536, %swap3A_537] {strides = array<i32>} : memref<8x128xf32, #tpu.memory_space<vmem>>, vector<16xf32>,
      tpu.vector_store %arg8[%swap3A_536, %swap3A_537], %mul3A_534 {strides = array<i32>} : memref<8x128xf32, #tpu.memory_space<vmem>>, vector<16xf32>,
      %gather3A_539 = tpu.vector_load_idx %arg10[%add3A_182] : memref<1024xf32, #tpu.memory_space<vmem>>[vector<16xi32>], vector<16xf32>,
      %sub3A_540 = arith.subf %gather3A_539, %gather3A_502 : vector<16xf32>
      %mul3A_541 = arith.mulf %sub3A_540, %gather3A_503 : vector<16xf32>
      %swap3A_542 = arith.constant 2 : i32
      %swap3A_543 = arith.index_cast %swap3A_542 : i32 to index
      %swap3A_544 = arith.constant 80 : index
      %swap3A_545 = tpu.vector_load %arg8[%swap3A_543, %swap3A_544] {strides = array<i32>} : memref<8x128xf32, #tpu.memory_space<vmem>>, vector<16xf32>,
      tpu.vector_store %arg8[%swap3A_543, %swap3A_544], %mul3A_541 {strides = array<i32>} : memref<8x128xf32, #tpu.memory_space<vmem>>, vector<16xf32>,
      %gather3A_546 = tpu.vector_load_idx %arg10[%add3A_206] : memref<1024xf32, #tpu.memory_space<vmem>>[vector<16xi32>], vector<16xf32>,
      %sub3A_547 = arith.subf %gather3A_546, %gather3A_502 : vector<16xf32>
      %mul3A_548 = arith.mulf %sub3A_547, %gather3A_503 : vector<16xf32>
      %swap3A_549 = arith.constant 2 : i32
      %swap3A_550 = arith.index_cast %swap3A_549 : i32 to index
      %swap3A_551 = arith.constant 96 : index
      %swap3A_552 = tpu.vector_load %arg8[%swap3A_550, %swap3A_551] {strides = array<i32>} : memref<8x128xf32, #tpu.memory_space<vmem>>, vector<16xf32>,
      tpu.vector_store %arg8[%swap3A_550, %swap3A_551], %mul3A_548 {strides = array<i32>} : memref<8x128xf32, #tpu.memory_space<vmem>>, vector<16xf32>,
      %gather3A_553 = tpu.vector_load_idx %arg10[%add3A_230] : memref<1024xf32, #tpu.memory_space<vmem>>[vector<16xi32>], vector<16xf32>,
      %sub3A_554 = arith.subf %gather3A_553, %gather3A_502 : vector<16xf32>
      %mul3A_555 = arith.mulf %sub3A_554, %gather3A_503 : vector<16xf32>
      %swap3A_556 = arith.constant 2 : i32
      %swap3A_557 = arith.index_cast %swap3A_556 : i32 to index
      %swap3A_558 = arith.constant 112 : index
      %swap3A_559 = tpu.vector_load %arg8[%swap3A_557, %swap3A_558] {strides = array<i32>} : memref<8x128xf32, #tpu.memory_space<vmem>>, vector<16xf32>,
      tpu.vector_store %arg8[%swap3A_557, %swap3A_558], %mul3A_555 {strides = array<i32>} : memref<8x128xf32, #tpu.memory_space<vmem>>, vector<16xf32>,
      %gather3A_560 = tpu.vector_load_idx %arg11[%broadcast_in_dim3A_253] : memref<64xf32, #tpu.memory_space<vmem>>[vector<16xi32>], vector<16xf32>,
      %gather3A_561 = tpu.vector_load_idx %arg11[%broadcast_in_dim3A_269] : memref<64xf32, #tpu.memory_space<vmem>>[vector<16xi32>], vector<16xf32>,
      %gather3A_562 = tpu.vector_load_idx %arg10[%add3A_65] : memref<1024xf32, #tpu.memory_space<vmem>>[vector<16xi32>], vector<16xf32>,
      %sub3A_563 = arith.subf %gather3A_562, %gather3A_560 : vector<16xf32>
      %mul3A_564 = arith.mulf %sub3A_563, %gather3A_561 : vector<16xf32>
      %swap3A_565 = arith.constant 3 : i32
      %swap3A_566 = arith.index_cast %swap3A_565 : i32 to index
      %swap3A_567 = arith.constant 0 : index
      %swap3A_568 = tpu.vector_load %arg8[%swap3A_566, %swap3A_567] {strides = array<i32>} : memref<8x128xf32, #tpu.memory_space<vmem>>, vector<16xf32>,
      tpu.vector_store %arg8[%swap3A_566, %swap3A_567], %mul3A_564 {strides = array<i32>} : memref<8x128xf32, #tpu.memory_space<vmem>>, vector<16xf32>,
      %gather3A_569 = tpu.vector_load_idx %arg10[%add3A_89] : memref<1024xf32, #tpu.memory_space<vmem>>[vector<16xi32>], vector<16xf32>,
      %sub3A_570 = arith.subf %gather3A_569, %gather3A_560 : vector<16xf32>
      %mul3A_571 = arith.mulf %sub3A_570, %gather3A_561 : vector<16xf32>
      %swap3A_572 = arith.constant 3 : i32
      %swap3A_573 = arith.index_cast %swap3A_572 : i32 to index
      %swap3A_574 = arith.constant 16 : index
      %swap3A_575 = tpu.vector_load %arg8[%swap3A_573, %swap3A_574] {strides = array<i32>} : memref<8x128xf32, #tpu.memory_space<vmem>>, vector<16xf32>,
      tpu.vector_store %arg8[%swap3A_573, %swap3A_574], %mul3A_571 {strides = array<i32>} : memref<8x128xf32, #tpu.memory_space<vmem>>, vector<16xf32>,
      %gather3A_576 = tpu.vector_load_idx %arg10[%add3A_113] : memref<1024xf32, #tpu.memory_space<vmem>>[vector<16xi32>], vector<16xf32>,
      %sub3A_577 = arith.subf %gather3A_576, %gather3A_560 : vector<16xf32>
      %mul3A_578 = arith.mulf %sub3A_577, %gather3A_561 : vector<16xf32>
      %swap3A_579 = arith.constant 3 : i32
      %swap3A_580 = arith.index_cast %swap3A_579 : i32 to index
      %swap3A_581 = arith.constant 32 : index
      %swap3A_582 = tpu.vector_load %arg8[%swap3A_580, %swap3A_581] {strides = array<i32>} : memref<8x128xf32, #tpu.memory_space<vmem>>, vector<16xf32>,
      tpu.vector_store %arg8[%swap3A_580, %swap3A_581], %mul3A_578 {strides = array<i32>} : memref<8x128xf32, #tpu.memory_space<vmem>>, vector<16xf32>,
      %gather3A_583 = tpu.vector_load_idx %arg10[%add3A_137] : memref<1024xf32, #tpu.memory_space<vmem>>[vector<16xi32>], vector<16xf32>,
      %sub3A_584 = arith.subf %gather3A_583, %gather3A_560 : vector<16xf32>
      %mul3A_585 = arith.mulf %sub3A_584, %gather3A_561 : vector<16xf32>
      %swap3A_586 = arith.constant 3 : i32
      %swap3A_587 = arith.index_cast %swap3A_586 : i32 to index
      %swap3A_588 = arith.constant 48 : index
      %swap3A_589 = tpu.vector_load %arg8[%swap3A_587, %swap3A_588] {strides = array<i32>} : memref<8x128xf32, #tpu.memory_space<vmem>>, vector<16xf32>,
      tpu.vector_store %arg8[%swap3A_587, %swap3A_588], %mul3A_585 {strides = array<i32>} : memref<8x128xf32, #tpu.memory_space<vmem>>, vector<16xf32>,
      %gather3A_590 = tpu.vector_load_idx %arg10[%add3A_161] : memref<1024xf32, #tpu.memory_space<vmem>>[vector<16xi32>], vector<16xf32>,
      %sub3A_591 = arith.subf %gather3A_590, %gather3A_560 : vector<16xf32>
      %mul3A_592 = arith.mulf %sub3A_591, %gather3A_561 : vector<16xf32>
      %swap3A_593 = arith.constant 3 : i32
      %swap3A_594 = arith.index_cast %swap3A_593 : i32 to index
      %swap3A_595 = arith.constant 64 : index
      %swap3A_596 = tpu.vector_load %arg8[%swap3A_594, %swap3A_595] {strides = array<i32>} : memref<8x128xf32, #tpu.memory_space<vmem>>, vector<16xf32>,
      tpu.vector_store %arg8[%swap3A_594, %swap3A_595], %mul3A_592 {strides = array<i32>} : memref<8x128xf32, #tpu.memory_space<vmem>>, vector<16xf32>,
      %gather3A_597 = tpu.vector_load_idx %arg10[%add3A_185] : memref<1024xf32, #tpu.memory_space<vmem>>[vector<16xi32>], vector<16xf32>,
      %sub3A_598 = arith.subf %gather3A_597, %gather3A_560 : vector<16xf32>
      %mul3A_599 = arith.mulf %sub3A_598, %gather3A_561 : vector<16xf32>
      %swap3A_600 = arith.constant 3 : i32
      %swap3A_601 = arith.index_cast %swap3A_600 : i32 to index
      %swap3A_602 = arith.constant 80 : index
      %swap3A_603 = tpu.vector_load %arg8[%swap3A_601, %swap3A_602] {strides = array<i32>} : memref<8x128xf32, #tpu.memory_space<vmem>>, vector<16xf32>,
      tpu.vector_store %arg8[%swap3A_601, %swap3A_602], %mul3A_599 {strides = array<i32>} : memref<8x128xf32, #tpu.memory_space<vmem>>, vector<16xf32>,
      %gather3A_604 = tpu.vector_load_idx %arg10[%add3A_209] : memref<1024xf32, #tpu.memory_space<vmem>>[vector<16xi32>], vector<16xf32>,
      %sub3A_605 = arith.subf %gather3A_604, %gather3A_560 : vector<16xf32>
      %mul3A_606 = arith.mulf %sub3A_605, %gather3A_561 : vector<16xf32>
      %swap3A_607 = arith.constant 3 : i32
      %swap3A_608 = arith.index_cast %swap3A_607 : i32 to index
      %swap3A_609 = arith.constant 96 : index
      %swap3A_610 = tpu.vector_load %arg8[%swap3A_608, %swap3A_609] {strides = array<i32>} : memref<8x128xf32, #tpu.memory_space<vmem>>, vector<16xf32>,
      tpu.vector_store %arg8[%swap3A_608, %swap3A_609], %mul3A_606 {strides = array<i32>} : memref<8x128xf32, #tpu.memory_space<vmem>>, vector<16xf32>,
      %gather3A_611 = tpu.vector_load_idx %arg10[%add3A_233] : memref<1024xf32, #tpu.memory_space<vmem>>[vector<16xi32>], vector<16xf32>,
      %sub3A_612 = arith.subf %gather3A_611, %gather3A_560 : vector<16xf32>
      %mul3A_613 = arith.mulf %sub3A_612, %gather3A_561 : vector<16xf32>
      %swap3A_614 = arith.constant 3 : i32
      %swap3A_615 = arith.index_cast %swap3A_614 : i32 to index
      %swap3A_616 = arith.constant 112 : index
      %swap3A_617 = tpu.vector_load %arg8[%swap3A_615, %swap3A_616] {strides = array<i32>} : memref<8x128xf32, #tpu.memory_space<vmem>>, vector<16xf32>,
      tpu.vector_store %arg8[%swap3A_615, %swap3A_616], %mul3A_613 {strides = array<i32>} : memref<8x128xf32, #tpu.memory_space<vmem>>, vector<16xf32>,
      %gather3A_618 = tpu.vector_load_idx %arg11[%broadcast_in_dim3A_255] : memref<64xf32, #tpu.memory_space<vmem>>[vector<16xi32>], vector<16xf32>,
      %gather3A_619 = tpu.vector_load_idx %arg11[%broadcast_in_dim3A_271] : memref<64xf32, #tpu.memory_space<vmem>>[vector<16xi32>], vector<16xf32>,
      %gather3A_620 = tpu.vector_load_idx %arg10[%add3A_68] : memref<1024xf32, #tpu.memory_space<vmem>>[vector<16xi32>], vector<16xf32>,
      %sub3A_621 = arith.subf %gather3A_620, %gather3A_618 : vector<16xf32>
      %mul3A_622 = arith.mulf %sub3A_621, %gather3A_619 : vector<16xf32>
      %swap3A_623 = arith.constant 4 : i32
      %swap3A_624 = arith.index_cast %swap3A_623 : i32 to index
      %swap3A_625 = arith.constant 0 : index
      %swap3A_626 = tpu.vector_load %arg8[%swap3A_624, %swap3A_625] {strides = array<i32>} : memref<8x128xf32, #tpu.memory_space<vmem>>, vector<16xf32>,
      tpu.vector_store %arg8[%swap3A_624, %swap3A_625], %mul3A_622 {strides = array<i32>} : memref<8x128xf32, #tpu.memory_space<vmem>>, vector<16xf32>,
      %gather3A_627 = tpu.vector_load_idx %arg10[%add3A_92] : memref<1024xf32, #tpu.memory_space<vmem>>[vector<16xi32>], vector<16xf32>,
      %sub3A_628 = arith.subf %gather3A_627, %gather3A_618 : vector<16xf32>
      %mul3A_629 = arith.mulf %sub3A_628, %gather3A_619 : vector<16xf32>
      %swap3A_630 = arith.constant 4 : i32
      %swap3A_631 = arith.index_cast %swap3A_630 : i32 to index
      %swap3A_632 = arith.constant 16 : index
      %swap3A_633 = tpu.vector_load %arg8[%swap3A_631, %swap3A_632] {strides = array<i32>} : memref<8x128xf32, #tpu.memory_space<vmem>>, vector<16xf32>,
      tpu.vector_store %arg8[%swap3A_631, %swap3A_632], %mul3A_629 {strides = array<i32>} : memref<8x128xf32, #tpu.memory_space<vmem>>, vector<16xf32>,
      %gather3A_634 = tpu.vector_load_idx %arg10[%add3A_116] : memref<1024xf32, #tpu.memory_space<vmem>>[vector<16xi32>], vector<16xf32>,
      %sub3A_635 = arith.subf %gather3A_634, %gather3A_618 : vector<16xf32>
      %mul3A_636 = arith.mulf %sub3A_635, %gather3A_619 : vector<16xf32>
      %swap3A_637 = arith.constant 4 : i32
      %swap3A_638 = arith.index_cast %swap3A_637 : i32 to index
      %swap3A_639 = arith.constant 32 : index
      %swap3A_640 = tpu.vector_load %arg8[%swap3A_638, %swap3A_639] {strides = array<i32>} : memref<8x128xf32, #tpu.memory_space<vmem>>, vector<16xf32>,
      tpu.vector_store %arg8[%swap3A_638, %swap3A_639], %mul3A_636 {strides = array<i32>} : memref<8x128xf32, #tpu.memory_space<vmem>>, vector<16xf32>,
      %gather3A_641 = tpu.vector_load_idx %arg10[%add3A_140] : memref<1024xf32, #tpu.memory_space<vmem>>[vector<16xi32>], vector<16xf32>,
      %sub3A_642 = arith.subf %gather3A_641, %gather3A_618 : vector<16xf32>
      %mul3A_643 = arith.mulf %sub3A_642, %gather3A_619 : vector<16xf32>
      %swap3A_644 = arith.constant 4 : i32
      %swap3A_645 = arith.index_cast %swap3A_644 : i32 to index
      %swap3A_646 = arith.constant 48 : index
      %swap3A_647 = tpu.vector_load %arg8[%swap3A_645, %swap3A_646] {strides = array<i32>} : memref<8x128xf32, #tpu.memory_space<vmem>>, vector<16xf32>,
      tpu.vector_store %arg8[%swap3A_645, %swap3A_646], %mul3A_643 {strides = array<i32>} : memref<8x128xf32, #tpu.memory_space<vmem>>, vector<16xf32>,
      %gather3A_648 = tpu.vector_load_idx %arg10[%add3A_164] : memref<1024xf32, #tpu.memory_space<vmem>>[vector<16xi32>], vector<16xf32>,
      %sub3A_649 = arith.subf %gather3A_648, %gather3A_618 : vector<16xf32>
      %mul3A_650 = arith.mulf %sub3A_649, %gather3A_619 : vector<16xf32>
      %swap3A_651 = arith.constant 4 : i32
      %swap3A_652 = arith.index_cast %swap3A_651 : i32 to index
      %swap3A_653 = arith.constant 64 : index
      %swap3A_654 = tpu.vector_load %arg8[%swap3A_652, %swap3A_653] {strides = array<i32>} : memref<8x128xf32, #tpu.memory_space<vmem>>, vector<16xf32>,
      tpu.vector_store %arg8[%swap3A_652, %swap3A_653], %mul3A_650 {strides = array<i32>} : memref<8x128xf32, #tpu.memory_space<vmem>>, vector<16xf32>,
      %gather3A_655 = tpu.vector_load_idx %arg10[%add3A_188] : memref<1024xf32, #tpu.memory_space<vmem>>[vector<16xi32>], vector<16xf32>,
      %sub3A_656 = arith.subf %gather3A_655, %gather3A_618 : vector<16xf32>
      %mul3A_657 = arith.mulf %sub3A_656, %gather3A_619 : vector<16xf32>
      %swap3A_658 = arith.constant 4 : i32
      %swap3A_659 = arith.index_cast %swap3A_658 : i32 to index
      %swap3A_660 = arith.constant 80 : index
      %swap3A_661 = tpu.vector_load %arg8[%swap3A_659, %swap3A_660] {strides = array<i32>} : memref<8x128xf32, #tpu.memory_space<vmem>>, vector<16xf32>,
      tpu.vector_store %arg8[%swap3A_659, %swap3A_660], %mul3A_657 {strides = array<i32>} : memref<8x128xf32, #tpu.memory_space<vmem>>, vector<16xf32>,
      %gather3A_662 = tpu.vector_load_idx %arg10[%add3A_212] : memref<1024xf32, #tpu.memory_space<vmem>>[vector<16xi32>], vector<16xf32>,
      %sub3A_663 = arith.subf %gather3A_662, %gather3A_618 : vector<16xf32>
      %mul3A_664 = arith.mulf %sub3A_663, %gather3A_619 : vector<16xf32>
      %swap3A_665 = arith.constant 4 : i32
      %swap3A_666 = arith.index_cast %swap3A_665 : i32 to index
      %swap3A_667 = arith.constant 96 : index
      %swap3A_668 = tpu.vector_load %arg8[%swap3A_666, %swap3A_667] {strides = array<i32>} : memref<8x128xf32, #tpu.memory_space<vmem>>, vector<16xf32>,
      tpu.vector_store %arg8[%swap3A_666, %swap3A_667], %mul3A_664 {strides = array<i32>} : memref<8x128xf32, #tpu.memory_space<vmem>>, vector<16xf32>,
      %gather3A_669 = tpu.vector_load_idx %arg10[%add3A_236] : memref<1024xf32, #tpu.memory_space<vmem>>[vector<16xi32>], vector<16xf32>,
      %sub3A_670 = arith.subf %gather3A_669, %gather3A_618 : vector<16xf32>
      %mul3A_671 = arith.mulf %sub3A_670, %gather3A_619 : vector<16xf32>
      %swap3A_672 = arith.constant 4 : i32
      %swap3A_673 = arith.index_cast %swap3A_672 : i32 to index
      %swap3A_674 = arith.constant 112 : index
      %swap3A_675 = tpu.vector_load %arg8[%swap3A_673, %swap3A_674] {strides = array<i32>} : memref<8x128xf32, #tpu.memory_space<vmem>>, vector<16xf32>,
      tpu.vector_store %arg8[%swap3A_673, %swap3A_674], %mul3A_671 {strides = array<i32>} : memref<8x128xf32, #tpu.memory_space<vmem>>, vector<16xf32>,
      %gather3A_676 = tpu.vector_load_idx %arg11[%broadcast_in_dim3A_257] : memref<64xf32, #tpu.memory_space<vmem>>[vector<16xi32>], vector<16xf32>,
      %gather3A_677 = tpu.vector_load_idx %arg11[%broadcast_in_dim3A_273] : memref<64xf32, #tpu.memory_space<vmem>>[vector<16xi32>], vector<16xf32>,
      %gather3A_678 = tpu.vector_load_idx %arg10[%add3A_71] : memref<1024xf32, #tpu.memory_space<vmem>>[vector<16xi32>], vector<16xf32>,
      %sub3A_679 = arith.subf %gather3A_678, %gather3A_676 : vector<16xf32>
      %mul3A_680 = arith.mulf %sub3A_679, %gather3A_677 : vector<16xf32>
      %swap3A_681 = arith.constant 5 : i32
      %swap3A_682 = arith.index_cast %swap3A_681 : i32 to index
      %swap3A_683 = arith.constant 0 : index
      %swap3A_684 = tpu.vector_load %arg8[%swap3A_682, %swap3A_683] {strides = array<i32>} : memref<8x128xf32, #tpu.memory_space<vmem>>, vector<16xf32>,
      tpu.vector_store %arg8[%swap3A_682, %swap3A_683], %mul3A_680 {strides = array<i32>} : memref<8x128xf32, #tpu.memory_space<vmem>>, vector<16xf32>,
      %gather3A_685 = tpu.vector_load_idx %arg10[%add3A_95] : memref<1024xf32, #tpu.memory_space<vmem>>[vector<16xi32>], vector<16xf32>,
      %sub3A_686 = arith.subf %gather3A_685, %gather3A_676 : vector<16xf32>
      %mul3A_687 = arith.mulf %sub3A_686, %gather3A_677 : vector<16xf32>
      %swap3A_688 = arith.constant 5 : i32
      %swap3A_689 = arith.index_cast %swap3A_688 : i32 to index
      %swap3A_690 = arith.constant 16 : index
      %swap3A_691 = tpu.vector_load %arg8[%swap3A_689, %swap3A_690] {strides = array<i32>} : memref<8x128xf32, #tpu.memory_space<vmem>>, vector<16xf32>,
      tpu.vector_store %arg8[%swap3A_689, %swap3A_690], %mul3A_687 {strides = array<i32>} : memref<8x128xf32, #tpu.memory_space<vmem>>, vector<16xf32>,
      %gather3A_692 = tpu.vector_load_idx %arg10[%add3A_119] : memref<1024xf32, #tpu.memory_space<vmem>>[vector<16xi32>], vector<16xf32>,
      %sub3A_693 = arith.subf %gather3A_692, %gather3A_676 : vector<16xf32>
      %mul3A_694 = arith.mulf %sub3A_693, %gather3A_677 : vector<16xf32>
      %swap3A_695 = arith.constant 5 : i32
      %swap3A_696 = arith.index_cast %swap3A_695 : i32 to index
      %swap3A_697 = arith.constant 32 : index
      %swap3A_698 = tpu.vector_load %arg8[%swap3A_696, %swap3A_697] {strides = array<i32>} : memref<8x128xf32, #tpu.memory_space<vmem>>, vector<16xf32>,
      tpu.vector_store %arg8[%swap3A_696, %swap3A_697], %mul3A_694 {strides = array<i32>} : memref<8x128xf32, #tpu.memory_space<vmem>>, vector<16xf32>,
      %gather3A_699 = tpu.vector_load_idx %arg10[%add3A_143] : memref<1024xf32, #tpu.memory_space<vmem>>[vector<16xi32>], vector<16xf32>,
      %sub3A_700 = arith.subf %gather3A_699, %gather3A_676 : vector<16xf32>
      %mul3A_701 = arith.mulf %sub3A_700, %gather3A_677 : vector<16xf32>
      %swap3A_702 = arith.constant 5 : i32
      %swap3A_703 = arith.index_cast %swap3A_702 : i32 to index
      %swap3A_704 = arith.constant 48 : index
      %swap3A_705 = tpu.vector_load %arg8[%swap3A_703, %swap3A_704] {strides = array<i32>} : memref<8x128xf32, #tpu.memory_space<vmem>>, vector<16xf32>,
      tpu.vector_store %arg8[%swap3A_703, %swap3A_704], %mul3A_701 {strides = array<i32>} : memref<8x128xf32, #tpu.memory_space<vmem>>, vector<16xf32>,
      %gather3A_706 = tpu.vector_load_idx %arg10[%add3A_167] : memref<1024xf32, #tpu.memory_space<vmem>>[vector<16xi32>], vector<16xf32>,
      %sub3A_707 = arith.subf %gather3A_706, %gather3A_676 : vector<16xf32>
      %mul3A_708 = arith.mulf %sub3A_707, %gather3A_677 : vector<16xf32>
      %swap3A_709 = arith.constant 5 : i32
      %swap3A_710 = arith.index_cast %swap3A_709 : i32 to index
      %swap3A_711 = arith.constant 64 : index
      %swap3A_712 = tpu.vector_load %arg8[%swap3A_710, %swap3A_711] {strides = array<i32>} : memref<8x128xf32, #tpu.memory_space<vmem>>, vector<16xf32>,
      tpu.vector_store %arg8[%swap3A_710, %swap3A_711], %mul3A_708 {strides = array<i32>} : memref<8x128xf32, #tpu.memory_space<vmem>>, vector<16xf32>,
      %gather3A_713 = tpu.vector_load_idx %arg10[%add3A_191] : memref<1024xf32, #tpu.memory_space<vmem>>[vector<16xi32>], vector<16xf32>,
      %sub3A_714 = arith.subf %gather3A_713, %gather3A_676 : vector<16xf32>
      %mul3A_715 = arith.mulf %sub3A_714, %gather3A_677 : vector<16xf32>
      %swap3A_716 = arith.constant 5 : i32
      %swap3A_717 = arith.index_cast %swap3A_716 : i32 to index
      %swap3A_718 = arith.constant 80 : index
      %swap3A_719 = tpu.vector_load %arg8[%swap3A_717, %swap3A_718] {strides = array<i32>} : memref<8x128xf32, #tpu.memory_space<vmem>>, vector<16xf32>,
      tpu.vector_store %arg8[%swap3A_717, %swap3A_718], %mul3A_715 {strides = array<i32>} : memref<8x128xf32, #tpu.memory_space<vmem>>, vector<16xf32>,
      %gather3A_720 = tpu.vector_load_idx %arg10[%add3A_215] : memref<1024xf32, #tpu.memory_space<vmem>>[vector<16xi32>], vector<16xf32>,
      %sub3A_721 = arith.subf %gather3A_720, %gather3A_676 : vector<16xf32>
      %mul3A_722 = arith.mulf %sub3A_721, %gather3A_677 : vector<16xf32>
      %swap3A_723 = arith.constant 5 : i32
      %swap3A_724 = arith.index_cast %swap3A_723 : i32 to index
      %swap3A_725 = arith.constant 96 : index
      %swap3A_726 = tpu.vector_load %arg8[%swap3A_724, %swap3A_725] {strides = array<i32>} : memref<8x128xf32, #tpu.memory_space<vmem>>, vector<16xf32>,
      tpu.vector_store %arg8[%swap3A_724, %swap3A_725], %mul3A_722 {strides = array<i32>} : memref<8x128xf32, #tpu.memory_space<vmem>>, vector<16xf32>,
      %gather3A_727 = tpu.vector_load_idx %arg10[%add3A_239] : memref<1024xf32, #tpu.memory_space<vmem>>[vector<16xi32>], vector<16xf32>,
      %sub3A_728 = arith.subf %gather3A_727, %gather3A_676 : vector<16xf32>
      %mul3A_729 = arith.mulf %sub3A_728, %gather3A_677 : vector<16xf32>
      %swap3A_730 = arith.constant 5 : i32
      %swap3A_731 = arith.index_cast %swap3A_730 : i32 to index
      %swap3A_732 = arith.constant 112 : index
      %swap3A_733 = tpu.vector_load %arg8[%swap3A_731, %swap3A_732] {strides = array<i32>} : memref<8x128xf32, #tpu.memory_space<vmem>>, vector<16xf32>,
      tpu.vector_store %arg8[%swap3A_731, %swap3A_732], %mul3A_729 {strides = array<i32>} : memref<8x128xf32, #tpu.memory_space<vmem>>, vector<16xf32>,
      %gather3A_734 = tpu.vector_load_idx %arg11[%broadcast_in_dim3A_259] : memref<64xf32, #tpu.memory_space<vmem>>[vector<16xi32>], vector<16xf32>,
      %gather3A_735 = tpu.vector_load_idx %arg11[%broadcast_in_dim3A_275] : memref<64xf32, #tpu.memory_space<vmem>>[vector<16xi32>], vector<16xf32>,
      %gather3A_736 = tpu.vector_load_idx %arg10[%add3A_74] : memref<1024xf32, #tpu.memory_space<vmem>>[vector<16xi32>], vector<16xf32>,
      %sub3A_737 = arith.subf %gather3A_736, %gather3A_734 : vector<16xf32>
      %mul3A_738 = arith.mulf %sub3A_737, %gather3A_735 : vector<16xf32>
      %swap3A_739 = arith.constant 6 : i32
      %swap3A_740 = arith.index_cast %swap3A_739 : i32 to index
      %swap3A_741 = arith.constant 0 : index
      %swap3A_742 = tpu.vector_load %arg8[%swap3A_740, %swap3A_741] {strides = array<i32>} : memref<8x128xf32, #tpu.memory_space<vmem>>, vector<16xf32>,
      tpu.vector_store %arg8[%swap3A_740, %swap3A_741], %mul3A_738 {strides = array<i32>} : memref<8x128xf32, #tpu.memory_space<vmem>>, vector<16xf32>,
      %gather3A_743 = tpu.vector_load_idx %arg10[%add3A_98] : memref<1024xf32, #tpu.memory_space<vmem>>[vector<16xi32>], vector<16xf32>,
      %sub3A_744 = arith.subf %gather3A_743, %gather3A_734 : vector<16xf32>
      %mul3A_745 = arith.mulf %sub3A_744, %gather3A_735 : vector<16xf32>
      %swap3A_746 = arith.constant 6 : i32
      %swap3A_747 = arith.index_cast %swap3A_746 : i32 to index
      %swap3A_748 = arith.constant 16 : index
      %swap3A_749 = tpu.vector_load %arg8[%swap3A_747, %swap3A_748] {strides = array<i32>} : memref<8x128xf32, #tpu.memory_space<vmem>>, vector<16xf32>,
      tpu.vector_store %arg8[%swap3A_747, %swap3A_748], %mul3A_745 {strides = array<i32>} : memref<8x128xf32, #tpu.memory_space<vmem>>, vector<16xf32>,
      %gather3A_750 = tpu.vector_load_idx %arg10[%add3A_122] : memref<1024xf32, #tpu.memory_space<vmem>>[vector<16xi32>], vector<16xf32>,
      %sub3A_751 = arith.subf %gather3A_750, %gather3A_734 : vector<16xf32>
      %mul3A_752 = arith.mulf %sub3A_751, %gather3A_735 : vector<16xf32>
      %swap3A_753 = arith.constant 6 : i32
      %swap3A_754 = arith.index_cast %swap3A_753 : i32 to index
      %swap3A_755 = arith.constant 32 : index
      %swap3A_756 = tpu.vector_load %arg8[%swap3A_754, %swap3A_755] {strides = array<i32>} : memref<8x128xf32, #tpu.memory_space<vmem>>, vector<16xf32>,
      tpu.vector_store %arg8[%swap3A_754, %swap3A_755], %mul3A_752 {strides = array<i32>} : memref<8x128xf32, #tpu.memory_space<vmem>>, vector<16xf32>,
      %gather3A_757 = tpu.vector_load_idx %arg10[%add3A_146] : memref<1024xf32, #tpu.memory_space<vmem>>[vector<16xi32>], vector<16xf32>,
      %sub3A_758 = arith.subf %gather3A_757, %gather3A_734 : vector<16xf32>
      %mul3A_759 = arith.mulf %sub3A_758, %gather3A_735 : vector<16xf32>
      %swap3A_760 = arith.constant 6 : i32
      %swap3A_761 = arith.index_cast %swap3A_760 : i32 to index
      %swap3A_762 = arith.constant 48 : index
      %swap3A_763 = tpu.vector_load %arg8[%swap3A_761, %swap3A_762] {strides = array<i32>} : memref<8x128xf32, #tpu.memory_space<vmem>>, vector<16xf32>,
      tpu.vector_store %arg8[%swap3A_761, %swap3A_762], %mul3A_759 {strides = array<i32>} : memref<8x128xf32, #tpu.memory_space<vmem>>, vector<16xf32>,
      %gather3A_764 = tpu.vector_load_idx %arg10[%add3A_170] : memref<1024xf32, #tpu.memory_space<vmem>>[vector<16xi32>], vector<16xf32>,
      %sub3A_765 = arith.subf %gather3A_764, %gather3A_734 : vector<16xf32>
      %mul3A_766 = arith.mulf %sub3A_765, %gather3A_735 : vector<16xf32>
      %swap3A_767 = arith.constant 6 : i32
      %swap3A_768 = arith.index_cast %swap3A_767 : i32 to index
      %swap3A_769 = arith.constant 64 : index
      %swap3A_770 = tpu.vector_load %arg8[%swap3A_768, %swap3A_769] {strides = array<i32>} : memref<8x128xf32, #tpu.memory_space<vmem>>, vector<16xf32>,
      tpu.vector_store %arg8[%swap3A_768, %swap3A_769], %mul3A_766 {strides = array<i32>} : memref<8x128xf32, #tpu.memory_space<vmem>>, vector<16xf32>,
      %gather3A_771 = tpu.vector_load_idx %arg10[%add3A_194] : memref<1024xf32, #tpu.memory_space<vmem>>[vector<16xi32>], vector<16xf32>,
      %sub3A_772 = arith.subf %gather3A_771, %gather3A_734 : vector<16xf32>
      %mul3A_773 = arith.mulf %sub3A_772, %gather3A_735 : vector<16xf32>
      %swap3A_774 = arith.constant 6 : i32
      %swap3A_775 = arith.index_cast %swap3A_774 : i32 to index
      %swap3A_776 = arith.constant 80 : index
      %swap3A_777 = tpu.vector_load %arg8[%swap3A_775, %swap3A_776] {strides = array<i32>} : memref<8x128xf32, #tpu.memory_space<vmem>>, vector<16xf32>,
      tpu.vector_store %arg8[%swap3A_775, %swap3A_776], %mul3A_773 {strides = array<i32>} : memref<8x128xf32, #tpu.memory_space<vmem>>, vector<16xf32>,
      %gather3A_778 = tpu.vector_load_idx %arg10[%add3A_218] : memref<1024xf32, #tpu.memory_space<vmem>>[vector<16xi32>], vector<16xf32>,
      %sub3A_779 = arith.subf %gather3A_778, %gather3A_734 : vector<16xf32>
      %mul3A_780 = arith.mulf %sub3A_779, %gather3A_735 : vector<16xf32>
      %swap3A_781 = arith.constant 6 : i32
      %swap3A_782 = arith.index_cast %swap3A_781 : i32 to index
      %swap3A_783 = arith.constant 96 : index
      %swap3A_784 = tpu.vector_load %arg8[%swap3A_782, %swap3A_783] {strides = array<i32>} : memref<8x128xf32, #tpu.memory_space<vmem>>, vector<16xf32>,
      tpu.vector_store %arg8[%swap3A_782, %swap3A_783], %mul3A_780 {strides = array<i32>} : memref<8x128xf32, #tpu.memory_space<vmem>>, vector<16xf32>,
      %gather3A_785 = tpu.vector_load_idx %arg10[%add3A_242] : memref<1024xf32, #tpu.memory_space<vmem>>[vector<16xi32>], vector<16xf32>,
      %sub3A_786 = arith.subf %gather3A_785, %gather3A_734 : vector<16xf32>
      %mul3A_787 = arith.mulf %sub3A_786, %gather3A_735 : vector<16xf32>
      %swap3A_788 = arith.constant 6 : i32
      %swap3A_789 = arith.index_cast %swap3A_788 : i32 to index
      %swap3A_790 = arith.constant 112 : index
      %swap3A_791 = tpu.vector_load %arg8[%swap3A_789, %swap3A_790] {strides = array<i32>} : memref<8x128xf32, #tpu.memory_space<vmem>>, vector<16xf32>,
      tpu.vector_store %arg8[%swap3A_789, %swap3A_790], %mul3A_787 {strides = array<i32>} : memref<8x128xf32, #tpu.memory_space<vmem>>, vector<16xf32>,
      %gather3A_792 = tpu.vector_load_idx %arg11[%broadcast_in_dim3A_261] : memref<64xf32, #tpu.memory_space<vmem>>[vector<16xi32>], vector<16xf32>,
      %gather3A_793 = tpu.vector_load_idx %arg11[%broadcast_in_dim3A_277] : memref<64xf32, #tpu.memory_space<vmem>>[vector<16xi32>], vector<16xf32>,
      %gather3A_794 = tpu.vector_load_idx %arg10[%add3A_77] : memref<1024xf32, #tpu.memory_space<vmem>>[vector<16xi32>], vector<16xf32>,
      %sub3A_795 = arith.subf %gather3A_794, %gather3A_792 : vector<16xf32>
      %mul3A_796 = arith.mulf %sub3A_795, %gather3A_793 : vector<16xf32>
      %swap3A_797 = arith.constant 7 : i32
      %swap3A_798 = arith.index_cast %swap3A_797 : i32 to index
      %swap3A_799 = arith.constant 0 : index
      %swap3A_800 = tpu.vector_load %arg8[%swap3A_798, %swap3A_799] {strides = array<i32>} : memref<8x128xf32, #tpu.memory_space<vmem>>, vector<16xf32>,
      tpu.vector_store %arg8[%swap3A_798, %swap3A_799], %mul3A_796 {strides = array<i32>} : memref<8x128xf32, #tpu.memory_space<vmem>>, vector<16xf32>,
      %gather3A_801 = tpu.vector_load_idx %arg10[%add3A_101] : memref<1024xf32, #tpu.memory_space<vmem>>[vector<16xi32>], vector<16xf32>,
      %sub3A_802 = arith.subf %gather3A_801, %gather3A_792 : vector<16xf32>
      %mul3A_803 = arith.mulf %sub3A_802, %gather3A_793 : vector<16xf32>
      %swap3A_804 = arith.constant 7 : i32
      %swap3A_805 = arith.index_cast %swap3A_804 : i32 to index
      %swap3A_806 = arith.constant 16 : index
      %swap3A_807 = tpu.vector_load %arg8[%swap3A_805, %swap3A_806] {strides = array<i32>} : memref<8x128xf32, #tpu.memory_space<vmem>>, vector<16xf32>,
      tpu.vector_store %arg8[%swap3A_805, %swap3A_806], %mul3A_803 {strides = array<i32>} : memref<8x128xf32, #tpu.memory_space<vmem>>, vector<16xf32>,
      %gather3A_808 = tpu.vector_load_idx %arg10[%add3A_125] : memref<1024xf32, #tpu.memory_space<vmem>>[vector<16xi32>], vector<16xf32>,
      %sub3A_809 = arith.subf %gather3A_808, %gather3A_792 : vector<16xf32>
      %mul3A_810 = arith.mulf %sub3A_809, %gather3A_793 : vector<16xf32>
      %swap3A_811 = arith.constant 7 : i32
      %swap3A_812 = arith.index_cast %swap3A_811 : i32 to index
      %swap3A_813 = arith.constant 32 : index
      %swap3A_814 = tpu.vector_load %arg8[%swap3A_812, %swap3A_813] {strides = array<i32>} : memref<8x128xf32, #tpu.memory_space<vmem>>, vector<16xf32>,
      tpu.vector_store %arg8[%swap3A_812, %swap3A_813], %mul3A_810 {strides = array<i32>} : memref<8x128xf32, #tpu.memory_space<vmem>>, vector<16xf32>,
      %gather3A_815 = tpu.vector_load_idx %arg10[%add3A_149] : memref<1024xf32, #tpu.memory_space<vmem>>[vector<16xi32>], vector<16xf32>,
      %sub3A_816 = arith.subf %gather3A_815, %gather3A_792 : vector<16xf32>
      %mul3A_817 = arith.mulf %sub3A_816, %gather3A_793 : vector<16xf32>
      %swap3A_818 = arith.constant 7 : i32
      %swap3A_819 = arith.index_cast %swap3A_818 : i32 to index
      %swap3A_820 = arith.constant 48 : index
      %swap3A_821 = tpu.vector_load %arg8[%swap3A_819, %swap3A_820] {strides = array<i32>} : memref<8x128xf32, #tpu.memory_space<vmem>>, vector<16xf32>,
      tpu.vector_store %arg8[%swap3A_819, %swap3A_820], %mul3A_817 {strides = array<i32>} : memref<8x128xf32, #tpu.memory_space<vmem>>, vector<16xf32>,
      %gather3A_822 = tpu.vector_load_idx %arg10[%add3A_173] : memref<1024xf32, #tpu.memory_space<vmem>>[vector<16xi32>], vector<16xf32>,
      %sub3A_823 = arith.subf %gather3A_822, %gather3A_792 : vector<16xf32>
      %mul3A_824 = arith.mulf %sub3A_823, %gather3A_793 : vector<16xf32>
      %swap3A_825 = arith.constant 7 : i32
      %swap3A_826 = arith.index_cast %swap3A_825 : i32 to index
      %swap3A_827 = arith.constant 64 : index
      %swap3A_828 = tpu.vector_load %arg8[%swap3A_826, %swap3A_827] {strides = array<i32>} : memref<8x128xf32, #tpu.memory_space<vmem>>, vector<16xf32>,
      tpu.vector_store %arg8[%swap3A_826, %swap3A_827], %mul3A_824 {strides = array<i32>} : memref<8x128xf32, #tpu.memory_space<vmem>>, vector<16xf32>,
      %gather3A_829 = tpu.vector_load_idx %arg10[%add3A_197] : memref<1024xf32, #tpu.memory_space<vmem>>[vector<16xi32>], vector<16xf32>,
      %sub3A_830 = arith.subf %gather3A_829, %gather3A_792 : vector<16xf32>
      %mul3A_831 = arith.mulf %sub3A_830, %gather3A_793 : vector<16xf32>
      %swap3A_832 = arith.constant 7 : i32
      %swap3A_833 = arith.index_cast %swap3A_832 : i32 to index
      %swap3A_834 = arith.constant 80 : index
      %swap3A_835 = tpu.vector_load %arg8[%swap3A_833, %swap3A_834] {strides = array<i32>} : memref<8x128xf32, #tpu.memory_space<vmem>>, vector<16xf32>,
      tpu.vector_store %arg8[%swap3A_833, %swap3A_834], %mul3A_831 {strides = array<i32>} : memref<8x128xf32, #tpu.memory_space<vmem>>, vector<16xf32>,
      %gather3A_836 = tpu.vector_load_idx %arg10[%add3A_221] : memref<1024xf32, #tpu.memory_space<vmem>>[vector<16xi32>], vector<16xf32>,
      %sub3A_837 = arith.subf %gather3A_836, %gather3A_792 : vector<16xf32>
      %mul3A_838 = arith.mulf %sub3A_837, %gather3A_793 : vector<16xf32>
      %swap3A_839 = arith.constant 7 : i32
      %swap3A_840 = arith.index_cast %swap3A_839 : i32 to index
      %swap3A_841 = arith.constant 96 : index
      %swap3A_842 = tpu.vector_load %arg8[%swap3A_840, %swap3A_841] {strides = array<i32>} : memref<8x128xf32, #tpu.memory_space<vmem>>, vector<16xf32>,
      tpu.vector_store %arg8[%swap3A_840, %swap3A_841], %mul3A_838 {strides = array<i32>} : memref<8x128xf32, #tpu.memory_space<vmem>>, vector<16xf32>,
      %gather3A_843 = tpu.vector_load_idx %arg10[%add3A_245] : memref<1024xf32, #tpu.memory_space<vmem>>[vector<16xi32>], vector<16xf32>,
      %sub3A_844 = arith.subf %gather3A_843, %gather3A_792 : vector<16xf32>
      %mul3A_845 = arith.mulf %sub3A_844, %gather3A_793 : vector<16xf32>
      %swap3A_846 = arith.constant 7 : i32
      %swap3A_847 = arith.index_cast %swap3A_846 : i32 to index
      %swap3A_848 = arith.constant 112 : index
      %swap3A_849 = tpu.vector_load %arg8[%swap3A_847, %swap3A_848] {strides = array<i32>} : memref<8x128xf32, #tpu.memory_space<vmem>>, vector<16xf32>,
      tpu.vector_store %arg8[%swap3A_847, %swap3A_848], %mul3A_845 {strides = array<i32>} : memref<8x128xf32, #tpu.memory_space<vmem>>, vector<16xf32>,
      %add3A_850 = arith.addi %mul3A_2, %add3A_304 : i32
      %mul3A_851 = arith.constant 8 : i32
      %mul3A_852 = arith.muli %add3A_850, %mul3A_851 : i32
      %dma_start3A_853 = arith.constant 0 : i32
      %dma_start3A_854 = tpu.memref_slice %arg4[%mul3A_852, %dma_start3A_853] : memref<16384x128xf32, #tpu.memory_space<hbm>> -> memref<8x128xf32, #tpu.memory_space<hbm>>
      %dma_start3A_855 = arith.constant 0 : i32
      %dma_start3A_856 = tpu.memref_slice %arg4[%mul3A_852, %dma_start3A_855] : memref<16384x128xf32, #tpu.memory_space<hbm>> -> memref<8x128xf32, #tpu.memory_space<hbm>>
      tpu.enqueue_dma source(%arg8 : memref<8x128xf32, #tpu.memory_space<vmem>>) target(%dma_start3A_856 : memref<8x128xf32, #tpu.memory_space<hbm>>) target_semaphore(%arg14 : memref<!tpu.dma_semaphore, #tpu.memory_space<semaphore_mem>>)
      %add3A_857 = arith.constant 1 : i32
      %add3A_858 = arith.addi %add3A_302, %add3A_857 : i32
      %add3A_859 = arith.constant 1 : i32
      %add3A_860 = arith.addi %add3A_858, %add3A_859 : i32
      %lt3A_861 = arith.constant 64 : i32
      %lt3A_862 = arith.cmpi slt, %add3A_860, %lt3A_861 : i32
      %convert_element_type3A_863 = arith.extui %lt3A_862 : i1 to i32
      %cond3A_864 = arith.constant 0 : i32
      %cond3A_865 = arith.cmpi ne, %convert_element_type3A_863, %cond3A_864 : i32
      scf.if %cond3A_865 {
        %mul3A_1420 = arith.constant 208 : i32
        %mul3A_1421 = arith.muli %add3A_860, %mul3A_1420 : i32
        %add3A_1422 = arith.constant 0 : i32
        %add3A_1423 = arith.addi %mul3A_1421, %add3A_1422 : i32
        %dma_start3A_1424 = arith.constant 0 : i32
        %dma_start3A_1425 = arith.constant 0 : i32
        %dma_start3A_1426 = tpu.memref_slice %arg6[%dma_start3A_1424, %dma_start3A_1425] : memref<208x128xf32, #tpu.memory_space<vmem>> -> memref<104x128xf32, #tpu.memory_space<vmem>>
        %dma_start3A_1427 = tpu.memref_slice %arg5[%add3A_1423] : memref<13312xi32, #tpu.memory_space<vmem>> -> memref<104xi32, #tpu.memory_space<vmem>>
        %dma_start3A_1428 = arith.constant 0 : i32
        %dma_start3A_1429 = arith.constant 0 : i32
        %dma_start3A_1430 = tpu.memref_slice %arg2[%dma_start3A_1428, %dma_start3A_1429] : memref<26000x128xf32, #tpu.memory_space<hbm>> -> memref<26000x128xf32, #tpu.memory_space<hbm>>
        tpu.enqueue_indirect_dma source(%dma_start3A_1430 : memref<26000x128xf32, #tpu.memory_space<hbm>>) target(%dma_start3A_1426 : memref<104x128xf32, #tpu.memory_space<vmem>>) offsets(%dma_start3A_1427 : memref<104xi32, #tpu.memory_space<vmem>>) semaphore(%arg12 : memref<!tpu.dma_semaphore, #tpu.memory_space<semaphore_mem>>)
        %mul3A_1431 = arith.constant 208 : i32
        %mul3A_1432 = arith.muli %add3A_860, %mul3A_1431 : i32
        %add3A_1433 = arith.constant 104 : i32
        %add3A_1434 = arith.addi %mul3A_1432, %add3A_1433 : i32
        %dma_start3A_1435 = arith.constant 104 : i32
        %dma_start3A_1436 = arith.constant 0 : i32
        %dma_start3A_1437 = tpu.memref_slice %arg6[%dma_start3A_1435, %dma_start3A_1436] : memref<208x128xf32, #tpu.memory_space<vmem>> -> memref<104x128xf32, #tpu.memory_space<vmem>>
        %dma_start3A_1438 = tpu.memref_slice %arg5[%add3A_1434] : memref<13312xi32, #tpu.memory_space<vmem>> -> memref<104xi32, #tpu.memory_space<vmem>>
        %dma_start3A_1439 = arith.constant 0 : i32
        %dma_start3A_1440 = arith.constant 0 : i32
        %dma_start3A_1441 = tpu.memref_slice %arg2[%dma_start3A_1439, %dma_start3A_1440] : memref<26000x128xf32, #tpu.memory_space<hbm>> -> memref<26000x128xf32, #tpu.memory_space<hbm>>
        tpu.enqueue_indirect_dma source(%dma_start3A_1441 : memref<26000x128xf32, #tpu.memory_space<hbm>>) target(%dma_start3A_1437 : memref<104x128xf32, #tpu.memory_space<vmem>>) offsets(%dma_start3A_1438 : memref<104xi32, #tpu.memory_space<vmem>>) semaphore(%arg12 : memref<!tpu.dma_semaphore, #tpu.memory_space<semaphore_mem>>)
      } else {
      }
      %mul3A_866 = arith.constant 208 : i32
      %mul3A_867 = arith.muli %add3A_858, %mul3A_866 : i32
      %add3A_868 = arith.constant 0 : i32
      %add3A_869 = arith.addi %mul3A_867, %add3A_868 : i32
      %dma_wait3A_870 = arith.constant 0 : i32
      %dma_wait3A_871 = arith.constant 0 : i32
      %dma_wait3A_872 = tpu.memref_slice %arg7[%dma_wait3A_870, %dma_wait3A_871] : memref<208x128xf32, #tpu.memory_space<vmem>> -> memref<104x128xf32, #tpu.memory_space<vmem>>
      %dma_wait3A_873 = tpu.memref_slice %arg5[%add3A_869] : memref<13312xi32, #tpu.memory_space<vmem>> -> memref<104xi32, #tpu.memory_space<vmem>>
      %dma_wait3A_874 = arith.constant 0 : i32
      %dma_wait3A_875 = arith.constant 0 : i32
      %dma_wait3A_876 = tpu.memref_slice %arg2[%dma_wait3A_874, %dma_wait3A_875] : memref<26000x128xf32, #tpu.memory_space<hbm>> -> memref<26000x128xf32, #tpu.memory_space<hbm>>
      tpu.wait_indirect_dma semaphore(%arg13 : memref<!tpu.dma_semaphore, #tpu.memory_space<semaphore_mem>>) src(%dma_wait3A_876 : memref<26000x128xf32, #tpu.memory_space<hbm>>) dst(%dma_wait3A_872 : memref<104x128xf32, #tpu.memory_space<vmem>>)
      %mul3A_877 = arith.constant 208 : i32
      %mul3A_878 = arith.muli %add3A_858, %mul3A_877 : i32
      %add3A_879 = arith.constant 104 : i32
      %add3A_880 = arith.addi %mul3A_878, %add3A_879 : i32
      %dma_wait3A_881 = arith.constant 104 : i32
      %dma_wait3A_882 = arith.constant 0 : i32
      %dma_wait3A_883 = tpu.memref_slice %arg7[%dma_wait3A_881, %dma_wait3A_882] : memref<208x128xf32, #tpu.memory_space<vmem>> -> memref<104x128xf32, #tpu.memory_space<vmem>>
      %dma_wait3A_884 = tpu.memref_slice %arg5[%add3A_880] : memref<13312xi32, #tpu.memory_space<vmem>> -> memref<104xi32, #tpu.memory_space<vmem>>
      %dma_wait3A_885 = arith.constant 0 : i32
      %dma_wait3A_886 = arith.constant 0 : i32
      %dma_wait3A_887 = tpu.memref_slice %arg2[%dma_wait3A_885, %dma_wait3A_886] : memref<26000x128xf32, #tpu.memory_space<hbm>> -> memref<26000x128xf32, #tpu.memory_space<hbm>>
      tpu.wait_indirect_dma semaphore(%arg13 : memref<!tpu.dma_semaphore, #tpu.memory_space<semaphore_mem>>) src(%dma_wait3A_887 : memref<26000x128xf32, #tpu.memory_space<hbm>>) dst(%dma_wait3A_883 : memref<104x128xf32, #tpu.memory_space<vmem>>)
      %scan3A_888 = arith.constant 0 : i32
      %scan3A_889 = arith.constant 0 : i32
      %scan3A_890 = arith.constant 8 : i32
      %scan3A_891 = arith.addi %scan3A_889, %scan3A_890 : i32
      %scan3A_892 = arith.constant 1 : i32
      scf.for %scan3A_1420 = %scan3A_889 to %scan3A_891 step %scan3A_892  : i32 {
        %mul3A_1421 = arith.constant 26 : i32
        %mul3A_1422 = arith.muli %scan3A_1420, %mul3A_1421 : i32
        %broadcast_in_dim3A_1423 = arith.constant 0.000000e+00 : f32
        %broadcast_in_dim3A_1424 = vector.broadcast %broadcast_in_dim3A_1423 : f32 to vector<16xf32>
        %broadcast_in_dim3A_1425 = arith.constant 0.000000e+00 : f32
        %broadcast_in_dim3A_1426 = vector.broadcast %broadcast_in_dim3A_1425 : f32 to vector<16xf32>
        %broadcast_in_dim3A_1427 = arith.constant 0.000000e+00 : f32
        %broadcast_in_dim3A_1428 = vector.broadcast %broadcast_in_dim3A_1427 : f32 to vector<16xf32>
        %broadcast_in_dim3A_1429 = arith.constant 0.000000e+00 : f32
        %broadcast_in_dim3A_1430 = vector.broadcast %broadcast_in_dim3A_1429 : f32 to vector<16xf32>
        %broadcast_in_dim3A_1431 = arith.constant 0.000000e+00 : f32
        %broadcast_in_dim3A_1432 = vector.broadcast %broadcast_in_dim3A_1431 : f32 to vector<16xf32>
        %broadcast_in_dim3A_1433 = arith.constant 0.000000e+00 : f32
        %broadcast_in_dim3A_1434 = vector.broadcast %broadcast_in_dim3A_1433 : f32 to vector<16xf32>
        %broadcast_in_dim3A_1435 = arith.constant 0.000000e+00 : f32
        %broadcast_in_dim3A_1436 = vector.broadcast %broadcast_in_dim3A_1435 : f32 to vector<16xf32>
        %broadcast_in_dim3A_1437 = arith.constant 0.000000e+00 : f32
        %broadcast_in_dim3A_1438 = vector.broadcast %broadcast_in_dim3A_1437 : f32 to vector<16xf32>
        %scan3A_1439 = arith.constant 0 : i32
        %scan3A_1440 = arith.constant 26 : i32
        %scan3A_1441 = arith.addi %scan3A_1439, %scan3A_1440 : i32
        %scan3A_1442 = arith.constant 1 : i32
        %scan3A_1443:8 = scf.for %scan3A_1457 = %scan3A_1439 to %scan3A_1441 step %scan3A_1442 iter_args(%scan3A_1458 = %broadcast_in_dim3A_1424, %scan3A_1459 = %broadcast_in_dim3A_1426, %scan3A_1460 = %broadcast_in_dim3A_1428, %scan3A_1461 = %broadcast_in_dim3A_1430, %scan3A_1462 = %broadcast_in_dim3A_1432, %scan3A_1463 = %broadcast_in_dim3A_1434, %scan3A_1464 = %broadcast_in_dim3A_1436, %scan3A_1465 = %broadcast_in_dim3A_1438) -> (vector<16xf32>, vector<16xf32>, vector<16xf32>, vector<16xf32>, vector<16xf32>, vector<16xf32>, vector<16xf32>, vector<16xf32>)  : i32 {
          %add3A_1466 = arith.addi %mul3A_1422, %scan3A_1457 : i32
          %get3A = arith.index_cast %add3A_1466 : i32 to index
          %get3A_1467 = arith.constant 0 : index
          %get3A_1468 = tpu.vector_load %arg7[%get3A, %get3A_1467] {strides = array<i32>} : memref<208x128xf32, #tpu.memory_space<vmem>>, vector<16xf32>,
          %add3A_1469 = arith.addf %scan3A_1458, %get3A_1468 : vector<16xf32>
          %add3A_1470 = arith.addi %mul3A_1422, %scan3A_1457 : i32
          %get3A_1471 = arith.index_cast %add3A_1470 : i32 to index
          %get3A_1472 = arith.constant 16 : index
          %get3A_1473 = tpu.vector_load %arg7[%get3A_1471, %get3A_1472] {strides = array<i32>} : memref<208x128xf32, #tpu.memory_space<vmem>>, vector<16xf32>,
          %add3A_1474 = arith.addf %scan3A_1459, %get3A_1473 : vector<16xf32>
          %add3A_1475 = arith.addi %mul3A_1422, %scan3A_1457 : i32
          %get3A_1476 = arith.index_cast %add3A_1475 : i32 to index
          %get3A_1477 = arith.constant 32 : index
          %get3A_1478 = tpu.vector_load %arg7[%get3A_1476, %get3A_1477] {strides = array<i32>} : memref<208x128xf32, #tpu.memory_space<vmem>>, vector<16xf32>,
          %add3A_1479 = arith.addf %scan3A_1460, %get3A_1478 : vector<16xf32>
          %add3A_1480 = arith.addi %mul3A_1422, %scan3A_1457 : i32
          %get3A_1481 = arith.index_cast %add3A_1480 : i32 to index
          %get3A_1482 = arith.constant 48 : index
          %get3A_1483 = tpu.vector_load %arg7[%get3A_1481, %get3A_1482] {strides = array<i32>} : memref<208x128xf32, #tpu.memory_space<vmem>>, vector<16xf32>,
          %add3A_1484 = arith.addf %scan3A_1461, %get3A_1483 : vector<16xf32>
          %add3A_1485 = arith.addi %mul3A_1422, %scan3A_1457 : i32
          %get3A_1486 = arith.index_cast %add3A_1485 : i32 to index
          %get3A_1487 = arith.constant 64 : index
          %get3A_1488 = tpu.vector_load %arg7[%get3A_1486, %get3A_1487] {strides = array<i32>} : memref<208x128xf32, #tpu.memory_space<vmem>>, vector<16xf32>,
          %add3A_1489 = arith.addf %scan3A_1462, %get3A_1488 : vector<16xf32>
          %add3A_1490 = arith.addi %mul3A_1422, %scan3A_1457 : i32
          %get3A_1491 = arith.index_cast %add3A_1490 : i32 to index
          %get3A_1492 = arith.constant 80 : index
          %get3A_1493 = tpu.vector_load %arg7[%get3A_1491, %get3A_1492] {strides = array<i32>} : memref<208x128xf32, #tpu.memory_space<vmem>>, vector<16xf32>,
          %add3A_1494 = arith.addf %scan3A_1463, %get3A_1493 : vector<16xf32>
          %add3A_1495 = arith.addi %mul3A_1422, %scan3A_1457 : i32
          %get3A_1496 = arith.index_cast %add3A_1495 : i32 to index
          %get3A_1497 = arith.constant 96 : index
          %get3A_1498 = tpu.vector_load %arg7[%get3A_1496, %get3A_1497] {strides = array<i32>} : memref<208x128xf32, #tpu.memory_space<vmem>>, vector<16xf32>,
          %add3A_1499 = arith.addf %scan3A_1464, %get3A_1498 : vector<16xf32>
          %add3A_1500 = arith.addi %mul3A_1422, %scan3A_1457 : i32
          %get3A_1501 = arith.index_cast %add3A_1500 : i32 to index
          %get3A_1502 = arith.constant 112 : index
          %get3A_1503 = tpu.vector_load %arg7[%get3A_1501, %get3A_1502] {strides = array<i32>} : memref<208x128xf32, #tpu.memory_space<vmem>>, vector<16xf32>,
          %add3A_1504 = arith.addf %scan3A_1465, %get3A_1503 : vector<16xf32>
          scf.yield %add3A_1469, %add3A_1474, %add3A_1479, %add3A_1484, %add3A_1489, %add3A_1494, %add3A_1499, %add3A_1504 : vector<16xf32>, vector<16xf32>, vector<16xf32>, vector<16xf32>, vector<16xf32>, vector<16xf32>, vector<16xf32>, vector<16xf32>
        }
        %scan3A_1444 = arith.constant 26 : i32
        %broadcast_in_dim3A_1445 = arith.constant 1 : i32
        %broadcast_in_dim3A_1446 = vector.broadcast %broadcast_in_dim3A_1445 : i32 to vector<16xi32>
        %mul3A_1447 = vector.broadcast %scan3A_1420 : i32 to vector<16xi32>
        %mul3A_1448 = arith.muli %broadcast_in_dim3A_1446, %mul3A_1447 : vector<16xi32>
        %add3A_1449 = arith.addi %add3A_32, %mul3A_1448 : vector<16xi32>
        tpu.vector_store_idx %arg10[%add3A_1449], %scan3A_1443#0 : memref<1024xf32, #tpu.memory_space<vmem>>[vector<16xi32>], vector<16xf32>,
        %add3A_1450 = arith.addi %add3A_35, %mul3A_1448 : vector<16xi32>
        tpu.vector_store_idx %arg10[%add3A_1450], %scan3A_1443#1 : memref<1024xf32, #tpu.memory_space<vmem>>[vector<16xi32>], vector<16xf32>,
        %add3A_1451 = arith.addi %add3A_38, %mul3A_1448 : vector<16xi32>
        tpu.vector_store_idx %arg10[%add3A_1451], %scan3A_1443#2 : memref<1024xf32, #tpu.memory_space<vmem>>[vector<16xi32>], vector<16xf32>,
        %add3A_1452 = arith.addi %add3A_41, %mul3A_1448 : vector<16xi32>
        tpu.vector_store_idx %arg10[%add3A_1452], %scan3A_1443#3 : memref<1024xf32, #tpu.memory_space<vmem>>[vector<16xi32>], vector<16xf32>,
        %add3A_1453 = arith.addi %add3A_44, %mul3A_1448 : vector<16xi32>
        tpu.vector_store_idx %arg10[%add3A_1453], %scan3A_1443#4 : memref<1024xf32, #tpu.memory_space<vmem>>[vector<16xi32>], vector<16xf32>,
        %add3A_1454 = arith.addi %add3A_47, %mul3A_1448 : vector<16xi32>
        tpu.vector_store_idx %arg10[%add3A_1454], %scan3A_1443#5 : memref<1024xf32, #tpu.memory_space<vmem>>[vector<16xi32>], vector<16xf32>,
        %add3A_1455 = arith.addi %add3A_50, %mul3A_1448 : vector<16xi32>
        tpu.vector_store_idx %arg10[%add3A_1455], %scan3A_1443#6 : memref<1024xf32, #tpu.memory_space<vmem>>[vector<16xi32>], vector<16xf32>,
        %add3A_1456 = arith.addi %add3A_53, %mul3A_1448 : vector<16xi32>
        tpu.vector_store_idx %arg10[%add3A_1456], %scan3A_1443#7 : memref<1024xf32, #tpu.memory_space<vmem>>[vector<16xi32>], vector<16xf32>,
      }
      %scan3A_893 = arith.constant 8 : i32
      %broadcast_in_dim3A_894 = arith.constant 0.000000e+00 : f32
      %broadcast_in_dim3A_895 = vector.broadcast %broadcast_in_dim3A_894 : f32 to vector<16xf32>
      %broadcast_in_dim3A_896 = arith.constant 0.000000e+00 : f32
      %broadcast_in_dim3A_897 = vector.broadcast %broadcast_in_dim3A_896 : f32 to vector<16xf32>
      %scan3A_898 = arith.constant 0 : i32
      %scan3A_899 = arith.constant 64 : i32
      %scan3A_900 = arith.addi %scan3A_898, %scan3A_899 : i32
      %scan3A_901 = arith.constant 4 : i32
      %scan3A_902:2 = scf.for %scan3A_1420 = %scan3A_898 to %scan3A_900 step %scan3A_901 iter_args(%scan3A_1421 = %broadcast_in_dim3A_895, %scan3A_1422 = %broadcast_in_dim3A_897) -> (vector<16xf32>, vector<16xf32>)  : i32 {
        %mul3A_1423 = arith.constant 16 : i32
        %mul3A_1424 = arith.muli %scan3A_1420, %mul3A_1423 : i32
        %get3A = arith.index_cast %mul3A_1424 : i32 to index
        %get3A_1425 = tpu.vector_load %arg10[%get3A] {strides = array<i32>} : memref<1024xf32, #tpu.memory_space<vmem>>, vector<16xf32>,
        %add3A_1426 = arith.addf %scan3A_1421, %get3A_1425 : vector<16xf32>
        %mul3A_1427 = arith.mulf %get3A_1425, %get3A_1425 : vector<16xf32>
        %add3A_1428 = arith.addf %scan3A_1422, %mul3A_1427 : vector<16xf32>
        %scan3A_1429 = arith.constant 1 : i32
        %scan3A_1430 = arith.addi %scan3A_1420, %scan3A_1429 : i32
        %mul3A_1431 = arith.constant 16 : i32
        %mul3A_1432 = arith.muli %scan3A_1430, %mul3A_1431 : i32
        %get3A_1433 = arith.index_cast %mul3A_1432 : i32 to index
        %get3A_1434 = tpu.vector_load %arg10[%get3A_1433] {strides = array<i32>} : memref<1024xf32, #tpu.memory_space<vmem>>, vector<16xf32>,
        %add3A_1435 = arith.addf %add3A_1426, %get3A_1434 : vector<16xf32>
        %mul3A_1436 = arith.mulf %get3A_1434, %get3A_1434 : vector<16xf32>
        %add3A_1437 = arith.addf %add3A_1428, %mul3A_1436 : vector<16xf32>
        %scan3A_1438 = arith.constant 2 : i32
        %scan3A_1439 = arith.addi %scan3A_1420, %scan3A_1438 : i32
        %mul3A_1440 = arith.constant 16 : i32
        %mul3A_1441 = arith.muli %scan3A_1439, %mul3A_1440 : i32
        %get3A_1442 = arith.index_cast %mul3A_1441 : i32 to index
        %get3A_1443 = tpu.vector_load %arg10[%get3A_1442] {strides = array<i32>} : memref<1024xf32, #tpu.memory_space<vmem>>, vector<16xf32>,
        %add3A_1444 = arith.addf %add3A_1435, %get3A_1443 : vector<16xf32>
        %mul3A_1445 = arith.mulf %get3A_1443, %get3A_1443 : vector<16xf32>
        %add3A_1446 = arith.addf %add3A_1437, %mul3A_1445 : vector<16xf32>
        %scan3A_1447 = arith.constant 3 : i32
        %scan3A_1448 = arith.addi %scan3A_1420, %scan3A_1447 : i32
        %mul3A_1449 = arith.constant 16 : i32
        %mul3A_1450 = arith.muli %scan3A_1448, %mul3A_1449 : i32
        %get3A_1451 = arith.index_cast %mul3A_1450 : i32 to index
        %get3A_1452 = tpu.vector_load %arg10[%get3A_1451] {strides = array<i32>} : memref<1024xf32, #tpu.memory_space<vmem>>, vector<16xf32>,
        %add3A_1453 = arith.addf %add3A_1444, %get3A_1452 : vector<16xf32>
        %mul3A_1454 = arith.mulf %get3A_1452, %get3A_1452 : vector<16xf32>
        %add3A_1455 = arith.addf %add3A_1446, %mul3A_1454 : vector<16xf32>
        scf.yield %add3A_1453, %add3A_1455 : vector<16xf32>, vector<16xf32>
      }
      %scan3A_903 = arith.constant 64 : i32
      %swap3A_904 = arith.constant 0 : index
      %swap3A_905 = tpu.vector_load %arg11[%swap3A_904] {strides = array<i32>} : memref<64xf32, #tpu.memory_space<vmem>>, vector<16xf32>,
      tpu.vector_store %arg11[%swap3A_904], %scan3A_902#0 {strides = array<i32>} : memref<64xf32, #tpu.memory_space<vmem>>, vector<16xf32>,
      %swap3A_906 = arith.constant 16 : index
      %swap3A_907 = tpu.vector_load %arg11[%swap3A_906] {strides = array<i32>} : memref<64xf32, #tpu.memory_space<vmem>>, vector<16xf32>,
      tpu.vector_store %arg11[%swap3A_906], %scan3A_902#1 {strides = array<i32>} : memref<64xf32, #tpu.memory_space<vmem>>, vector<16xf32>,
      %gather3A_908 = tpu.vector_load_idx %arg11[%xor3A_279] : memref<64xf32, #tpu.memory_space<vmem>>[vector<16xi32>], vector<16xf32>,
      %add3A_909 = arith.addf %scan3A_902#0, %gather3A_908 : vector<16xf32>
      %gather3A_910 = tpu.vector_load_idx %arg11[%add3A_282] : memref<64xf32, #tpu.memory_space<vmem>>[vector<16xi32>], vector<16xf32>,
      %add3A_911 = arith.addf %scan3A_902#1, %gather3A_910 : vector<16xf32>
      %mul3A_912 = arith.constant 7.812500e-03 : f32
      %mul3A_913 = vector.broadcast %mul3A_912 : f32 to vector<16xf32>
      %mul3A_914 = arith.mulf %add3A_909, %mul3A_913 : vector<16xf32>
      %mul3A_915 = arith.constant 7.812500e-03 : f32
      %mul3A_916 = vector.broadcast %mul3A_915 : f32 to vector<16xf32>
      %mul3A_917 = arith.mulf %add3A_911, %mul3A_916 : vector<16xf32>
      %mul3A_918 = arith.mulf %mul3A_914, %mul3A_914 : vector<16xf32>
      %sub3A_919 = arith.subf %mul3A_917, %mul3A_918 : vector<16xf32>
      %add3A_920 = arith.constant 9.99999974E-6 : f32
      %add3A_921 = vector.broadcast %add3A_920 : f32 to vector<16xf32>
      %add3A_922 = arith.addf %sub3A_919, %add3A_921 : vector<16xf32>
      %bitcast3A_923 = vector.bitcast %add3A_922 : vector<16xf32> to vector<16xi32>
      %shift_right_logical3A_924 = arith.shrui %bitcast3A_923, %broadcast_in_dim3A_26 : vector<16xi32>
      %sub3A_925 = arith.subi %broadcast_in_dim3A_24, %shift_right_logical3A_924 : vector<16xi32>
      %bitcast3A_926 = vector.bitcast %sub3A_925 : vector<16xi32> to vector<16xf32>
      %mul3A_927 = arith.mulf %broadcast_in_dim3A_20, %add3A_922 : vector<16xf32>
      %mul3A_928 = arith.mulf %mul3A_927, %bitcast3A_926 : vector<16xf32>
      %mul3A_929 = arith.mulf %mul3A_928, %bitcast3A_926 : vector<16xf32>
      %sub3A_930 = arith.subf %broadcast_in_dim3A_22, %mul3A_929 : vector<16xf32>
      %mul3A_931 = arith.mulf %bitcast3A_926, %sub3A_930 : vector<16xf32>
      %mul3A_932 = arith.mulf %mul3A_927, %mul3A_931 : vector<16xf32>
      %mul3A_933 = arith.mulf %mul3A_932, %mul3A_931 : vector<16xf32>
      %sub3A_934 = arith.subf %broadcast_in_dim3A_22, %mul3A_933 : vector<16xf32>
      %mul3A_935 = arith.mulf %mul3A_931, %sub3A_934 : vector<16xf32>
      %mul3A_936 = arith.mulf %mul3A_927, %mul3A_935 : vector<16xf32>
      %mul3A_937 = arith.mulf %mul3A_936, %mul3A_935 : vector<16xf32>
      %sub3A_938 = arith.subf %broadcast_in_dim3A_22, %mul3A_937 : vector<16xf32>
      %mul3A_939 = arith.mulf %mul3A_935, %sub3A_938 : vector<16xf32>
      %swap3A_940 = arith.constant 32 : index
      %swap3A_941 = tpu.vector_load %arg11[%swap3A_940] {strides = array<i32>} : memref<64xf32, #tpu.memory_space<vmem>>, vector<16xf32>,
      tpu.vector_store %arg11[%swap3A_940], %mul3A_914 {strides = array<i32>} : memref<64xf32, #tpu.memory_space<vmem>>, vector<16xf32>,
      %swap3A_942 = arith.constant 48 : index
      %swap3A_943 = tpu.vector_load %arg11[%swap3A_942] {strides = array<i32>} : memref<64xf32, #tpu.memory_space<vmem>>, vector<16xf32>,
      tpu.vector_store %arg11[%swap3A_942], %mul3A_939 {strides = array<i32>} : memref<64xf32, #tpu.memory_space<vmem>>, vector<16xf32>,
      %ge3A_944 = arith.constant 2 : i32
      %ge3A_945 = arith.cmpi sge, %add3A_858, %ge3A_944 : i32
      %convert_element_type3A_946 = arith.extui %ge3A_945 : i1 to i32
      %cond3A_947 = arith.constant 0 : i32
      %cond3A_948 = arith.cmpi ne, %convert_element_type3A_946, %cond3A_947 : i32
      scf.if %cond3A_948 {
        %add3A_1420 = arith.addi %mul3A_2, %add3A_858 : i32
        %mul3A_1421 = arith.constant 8 : i32
        %mul3A_1422 = arith.muli %add3A_1420, %mul3A_1421 : i32
        %dma_wait3A_1423 = arith.constant 0 : i32
        %dma_wait3A_1424 = tpu.memref_slice %arg4[%mul3A_1422, %dma_wait3A_1423] : memref<16384x128xf32, #tpu.memory_space<hbm>> -> memref<8x128xf32, #tpu.memory_space<hbm>>
        %dma_wait3A_1425 = arith.constant 0 : i32
        %dma_wait3A_1426 = tpu.memref_slice %arg4[%mul3A_1422, %dma_wait3A_1425] : memref<16384x128xf32, #tpu.memory_space<hbm>> -> memref<8x128xf32, #tpu.memory_space<hbm>>
        tpu.wait_dma2 semaphore(%arg15 : memref<!tpu.dma_semaphore, #tpu.memory_space<semaphore_mem>>) src(%arg9 : memref<8x128xf32, #tpu.memory_space<vmem>>) dst(%dma_wait3A_1426 : memref<8x128xf32, #tpu.memory_space<hbm>>)
      } else {
      }
      %gather3A_949 = tpu.vector_load_idx %arg11[%broadcast_in_dim3A_247] : memref<64xf32, #tpu.memory_space<vmem>>[vector<16xi32>], vector<16xf32>,
      %gather3A_950 = tpu.vector_load_idx %arg11[%broadcast_in_dim3A_263] : memref<64xf32, #tpu.memory_space<vmem>>[vector<16xi32>], vector<16xf32>,
      %gather3A_951 = tpu.vector_load_idx %arg10[%add3A_56] : memref<1024xf32, #tpu.memory_space<vmem>>[vector<16xi32>], vector<16xf32>,
      %sub3A_952 = arith.subf %gather3A_951, %gather3A_949 : vector<16xf32>
      %mul3A_953 = arith.mulf %sub3A_952, %gather3A_950 : vector<16xf32>
      %swap3A_954 = arith.constant 0 : i32
      %swap3A_955 = arith.index_cast %swap3A_954 : i32 to index
      %swap3A_956 = arith.constant 0 : index
      %swap3A_957 = tpu.vector_load %arg9[%swap3A_955, %swap3A_956] {strides = array<i32>} : memref<8x128xf32, #tpu.memory_space<vmem>>, vector<16xf32>,
      tpu.vector_store %arg9[%swap3A_955, %swap3A_956], %mul3A_953 {strides = array<i32>} : memref<8x128xf32, #tpu.memory_space<vmem>>, vector<16xf32>,
      %gather3A_958 = tpu.vector_load_idx %arg10[%add3A_80] : memref<1024xf32, #tpu.memory_space<vmem>>[vector<16xi32>], vector<16xf32>,
      %sub3A_959 = arith.subf %gather3A_958, %gather3A_949 : vector<16xf32>
      %mul3A_960 = arith.mulf %sub3A_959, %gather3A_950 : vector<16xf32>
      %swap3A_961 = arith.constant 0 : i32
      %swap3A_962 = arith.index_cast %swap3A_961 : i32 to index
      %swap3A_963 = arith.constant 16 : index
      %swap3A_964 = tpu.vector_load %arg9[%swap3A_962, %swap3A_963] {strides = array<i32>} : memref<8x128xf32, #tpu.memory_space<vmem>>, vector<16xf32>,
      tpu.vector_store %arg9[%swap3A_962, %swap3A_963], %mul3A_960 {strides = array<i32>} : memref<8x128xf32, #tpu.memory_space<vmem>>, vector<16xf32>,
      %gather3A_965 = tpu.vector_load_idx %arg10[%add3A_104] : memref<1024xf32, #tpu.memory_space<vmem>>[vector<16xi32>], vector<16xf32>,
      %sub3A_966 = arith.subf %gather3A_965, %gather3A_949 : vector<16xf32>
      %mul3A_967 = arith.mulf %sub3A_966, %gather3A_950 : vector<16xf32>
      %swap3A_968 = arith.constant 0 : i32
      %swap3A_969 = arith.index_cast %swap3A_968 : i32 to index
      %swap3A_970 = arith.constant 32 : index
      %swap3A_971 = tpu.vector_load %arg9[%swap3A_969, %swap3A_970] {strides = array<i32>} : memref<8x128xf32, #tpu.memory_space<vmem>>, vector<16xf32>,
      tpu.vector_store %arg9[%swap3A_969, %swap3A_970], %mul3A_967 {strides = array<i32>} : memref<8x128xf32, #tpu.memory_space<vmem>>, vector<16xf32>,
      %gather3A_972 = tpu.vector_load_idx %arg10[%add3A_128] : memref<1024xf32, #tpu.memory_space<vmem>>[vector<16xi32>], vector<16xf32>,
      %sub3A_973 = arith.subf %gather3A_972, %gather3A_949 : vector<16xf32>
      %mul3A_974 = arith.mulf %sub3A_973, %gather3A_950 : vector<16xf32>
      %swap3A_975 = arith.constant 0 : i32
      %swap3A_976 = arith.index_cast %swap3A_975 : i32 to index
      %swap3A_977 = arith.constant 48 : index
      %swap3A_978 = tpu.vector_load %arg9[%swap3A_976, %swap3A_977] {strides = array<i32>} : memref<8x128xf32, #tpu.memory_space<vmem>>, vector<16xf32>,
      tpu.vector_store %arg9[%swap3A_976, %swap3A_977], %mul3A_974 {strides = array<i32>} : memref<8x128xf32, #tpu.memory_space<vmem>>, vector<16xf32>,
      %gather3A_979 = tpu.vector_load_idx %arg10[%add3A_152] : memref<1024xf32, #tpu.memory_space<vmem>>[vector<16xi32>], vector<16xf32>,
      %sub3A_980 = arith.subf %gather3A_979, %gather3A_949 : vector<16xf32>
      %mul3A_981 = arith.mulf %sub3A_980, %gather3A_950 : vector<16xf32>
      %swap3A_982 = arith.constant 0 : i32
      %swap3A_983 = arith.index_cast %swap3A_982 : i32 to index
      %swap3A_984 = arith.constant 64 : index
      %swap3A_985 = tpu.vector_load %arg9[%swap3A_983, %swap3A_984] {strides = array<i32>} : memref<8x128xf32, #tpu.memory_space<vmem>>, vector<16xf32>,
      tpu.vector_store %arg9[%swap3A_983, %swap3A_984], %mul3A_981 {strides = array<i32>} : memref<8x128xf32, #tpu.memory_space<vmem>>, vector<16xf32>,
      %gather3A_986 = tpu.vector_load_idx %arg10[%add3A_176] : memref<1024xf32, #tpu.memory_space<vmem>>[vector<16xi32>], vector<16xf32>,
      %sub3A_987 = arith.subf %gather3A_986, %gather3A_949 : vector<16xf32>
      %mul3A_988 = arith.mulf %sub3A_987, %gather3A_950 : vector<16xf32>
      %swap3A_989 = arith.constant 0 : i32
      %swap3A_990 = arith.index_cast %swap3A_989 : i32 to index
      %swap3A_991 = arith.constant 80 : index
      %swap3A_992 = tpu.vector_load %arg9[%swap3A_990, %swap3A_991] {strides = array<i32>} : memref<8x128xf32, #tpu.memory_space<vmem>>, vector<16xf32>,
      tpu.vector_store %arg9[%swap3A_990, %swap3A_991], %mul3A_988 {strides = array<i32>} : memref<8x128xf32, #tpu.memory_space<vmem>>, vector<16xf32>,
      %gather3A_993 = tpu.vector_load_idx %arg10[%add3A_200] : memref<1024xf32, #tpu.memory_space<vmem>>[vector<16xi32>], vector<16xf32>,
      %sub3A_994 = arith.subf %gather3A_993, %gather3A_949 : vector<16xf32>
      %mul3A_995 = arith.mulf %sub3A_994, %gather3A_950 : vector<16xf32>
      %swap3A_996 = arith.constant 0 : i32
      %swap3A_997 = arith.index_cast %swap3A_996 : i32 to index
      %swap3A_998 = arith.constant 96 : index
      %swap3A_999 = tpu.vector_load %arg9[%swap3A_997, %swap3A_998] {strides = array<i32>} : memref<8x128xf32, #tpu.memory_space<vmem>>, vector<16xf32>,
      tpu.vector_store %arg9[%swap3A_997, %swap3A_998], %mul3A_995 {strides = array<i32>} : memref<8x128xf32, #tpu.memory_space<vmem>>, vector<16xf32>,
      %gather3A_1000 = tpu.vector_load_idx %arg10[%add3A_224] : memref<1024xf32, #tpu.memory_space<vmem>>[vector<16xi32>], vector<16xf32>,
      %sub3A_1001 = arith.subf %gather3A_1000, %gather3A_949 : vector<16xf32>
      %mul3A_1002 = arith.mulf %sub3A_1001, %gather3A_950 : vector<16xf32>
      %swap3A_1003 = arith.constant 0 : i32
      %swap3A_1004 = arith.index_cast %swap3A_1003 : i32 to index
      %swap3A_1005 = arith.constant 112 : index
      %swap3A_1006 = tpu.vector_load %arg9[%swap3A_1004, %swap3A_1005] {strides = array<i32>} : memref<8x128xf32, #tpu.memory_space<vmem>>, vector<16xf32>,
      tpu.vector_store %arg9[%swap3A_1004, %swap3A_1005], %mul3A_1002 {strides = array<i32>} : memref<8x128xf32, #tpu.memory_space<vmem>>, vector<16xf32>,
      %gather3A_1007 = tpu.vector_load_idx %arg11[%broadcast_in_dim3A_249] : memref<64xf32, #tpu.memory_space<vmem>>[vector<16xi32>], vector<16xf32>,
      %gather3A_1008 = tpu.vector_load_idx %arg11[%broadcast_in_dim3A_265] : memref<64xf32, #tpu.memory_space<vmem>>[vector<16xi32>], vector<16xf32>,
      %gather3A_1009 = tpu.vector_load_idx %arg10[%add3A_59] : memref<1024xf32, #tpu.memory_space<vmem>>[vector<16xi32>], vector<16xf32>,
      %sub3A_1010 = arith.subf %gather3A_1009, %gather3A_1007 : vector<16xf32>
      %mul3A_1011 = arith.mulf %sub3A_1010, %gather3A_1008 : vector<16xf32>
      %swap3A_1012 = arith.constant 1 : i32
      %swap3A_1013 = arith.index_cast %swap3A_1012 : i32 to index
      %swap3A_1014 = arith.constant 0 : index
      %swap3A_1015 = tpu.vector_load %arg9[%swap3A_1013, %swap3A_1014] {strides = array<i32>} : memref<8x128xf32, #tpu.memory_space<vmem>>, vector<16xf32>,
      tpu.vector_store %arg9[%swap3A_1013, %swap3A_1014], %mul3A_1011 {strides = array<i32>} : memref<8x128xf32, #tpu.memory_space<vmem>>, vector<16xf32>,
      %gather3A_1016 = tpu.vector_load_idx %arg10[%add3A_83] : memref<1024xf32, #tpu.memory_space<vmem>>[vector<16xi32>], vector<16xf32>,
      %sub3A_1017 = arith.subf %gather3A_1016, %gather3A_1007 : vector<16xf32>
      %mul3A_1018 = arith.mulf %sub3A_1017, %gather3A_1008 : vector<16xf32>
      %swap3A_1019 = arith.constant 1 : i32
      %swap3A_1020 = arith.index_cast %swap3A_1019 : i32 to index
      %swap3A_1021 = arith.constant 16 : index
      %swap3A_1022 = tpu.vector_load %arg9[%swap3A_1020, %swap3A_1021] {strides = array<i32>} : memref<8x128xf32, #tpu.memory_space<vmem>>, vector<16xf32>,
      tpu.vector_store %arg9[%swap3A_1020, %swap3A_1021], %mul3A_1018 {strides = array<i32>} : memref<8x128xf32, #tpu.memory_space<vmem>>, vector<16xf32>,
      %gather3A_1023 = tpu.vector_load_idx %arg10[%add3A_107] : memref<1024xf32, #tpu.memory_space<vmem>>[vector<16xi32>], vector<16xf32>,
      %sub3A_1024 = arith.subf %gather3A_1023, %gather3A_1007 : vector<16xf32>
      %mul3A_1025 = arith.mulf %sub3A_1024, %gather3A_1008 : vector<16xf32>
      %swap3A_1026 = arith.constant 1 : i32
      %swap3A_1027 = arith.index_cast %swap3A_1026 : i32 to index
      %swap3A_1028 = arith.constant 32 : index
      %swap3A_1029 = tpu.vector_load %arg9[%swap3A_1027, %swap3A_1028] {strides = array<i32>} : memref<8x128xf32, #tpu.memory_space<vmem>>, vector<16xf32>,
      tpu.vector_store %arg9[%swap3A_1027, %swap3A_1028], %mul3A_1025 {strides = array<i32>} : memref<8x128xf32, #tpu.memory_space<vmem>>, vector<16xf32>,
      %gather3A_1030 = tpu.vector_load_idx %arg10[%add3A_131] : memref<1024xf32, #tpu.memory_space<vmem>>[vector<16xi32>], vector<16xf32>,
      %sub3A_1031 = arith.subf %gather3A_1030, %gather3A_1007 : vector<16xf32>
      %mul3A_1032 = arith.mulf %sub3A_1031, %gather3A_1008 : vector<16xf32>
      %swap3A_1033 = arith.constant 1 : i32
      %swap3A_1034 = arith.index_cast %swap3A_1033 : i32 to index
      %swap3A_1035 = arith.constant 48 : index
      %swap3A_1036 = tpu.vector_load %arg9[%swap3A_1034, %swap3A_1035] {strides = array<i32>} : memref<8x128xf32, #tpu.memory_space<vmem>>, vector<16xf32>,
      tpu.vector_store %arg9[%swap3A_1034, %swap3A_1035], %mul3A_1032 {strides = array<i32>} : memref<8x128xf32, #tpu.memory_space<vmem>>, vector<16xf32>,
      %gather3A_1037 = tpu.vector_load_idx %arg10[%add3A_155] : memref<1024xf32, #tpu.memory_space<vmem>>[vector<16xi32>], vector<16xf32>,
      %sub3A_1038 = arith.subf %gather3A_1037, %gather3A_1007 : vector<16xf32>
      %mul3A_1039 = arith.mulf %sub3A_1038, %gather3A_1008 : vector<16xf32>
      %swap3A_1040 = arith.constant 1 : i32
      %swap3A_1041 = arith.index_cast %swap3A_1040 : i32 to index
      %swap3A_1042 = arith.constant 64 : index
      %swap3A_1043 = tpu.vector_load %arg9[%swap3A_1041, %swap3A_1042] {strides = array<i32>} : memref<8x128xf32, #tpu.memory_space<vmem>>, vector<16xf32>,
      tpu.vector_store %arg9[%swap3A_1041, %swap3A_1042], %mul3A_1039 {strides = array<i32>} : memref<8x128xf32, #tpu.memory_space<vmem>>, vector<16xf32>,
      %gather3A_1044 = tpu.vector_load_idx %arg10[%add3A_179] : memref<1024xf32, #tpu.memory_space<vmem>>[vector<16xi32>], vector<16xf32>,
      %sub3A_1045 = arith.subf %gather3A_1044, %gather3A_1007 : vector<16xf32>
      %mul3A_1046 = arith.mulf %sub3A_1045, %gather3A_1008 : vector<16xf32>
      %swap3A_1047 = arith.constant 1 : i32
      %swap3A_1048 = arith.index_cast %swap3A_1047 : i32 to index
      %swap3A_1049 = arith.constant 80 : index
      %swap3A_1050 = tpu.vector_load %arg9[%swap3A_1048, %swap3A_1049] {strides = array<i32>} : memref<8x128xf32, #tpu.memory_space<vmem>>, vector<16xf32>,
      tpu.vector_store %arg9[%swap3A_1048, %swap3A_1049], %mul3A_1046 {strides = array<i32>} : memref<8x128xf32, #tpu.memory_space<vmem>>, vector<16xf32>,
      %gather3A_1051 = tpu.vector_load_idx %arg10[%add3A_203] : memref<1024xf32, #tpu.memory_space<vmem>>[vector<16xi32>], vector<16xf32>,
      %sub3A_1052 = arith.subf %gather3A_1051, %gather3A_1007 : vector<16xf32>
      %mul3A_1053 = arith.mulf %sub3A_1052, %gather3A_1008 : vector<16xf32>
      %swap3A_1054 = arith.constant 1 : i32
      %swap3A_1055 = arith.index_cast %swap3A_1054 : i32 to index
      %swap3A_1056 = arith.constant 96 : index
      %swap3A_1057 = tpu.vector_load %arg9[%swap3A_1055, %swap3A_1056] {strides = array<i32>} : memref<8x128xf32, #tpu.memory_space<vmem>>, vector<16xf32>,
      tpu.vector_store %arg9[%swap3A_1055, %swap3A_1056], %mul3A_1053 {strides = array<i32>} : memref<8x128xf32, #tpu.memory_space<vmem>>, vector<16xf32>,
      %gather3A_1058 = tpu.vector_load_idx %arg10[%add3A_227] : memref<1024xf32, #tpu.memory_space<vmem>>[vector<16xi32>], vector<16xf32>,
      %sub3A_1059 = arith.subf %gather3A_1058, %gather3A_1007 : vector<16xf32>
      %mul3A_1060 = arith.mulf %sub3A_1059, %gather3A_1008 : vector<16xf32>
      %swap3A_1061 = arith.constant 1 : i32
      %swap3A_1062 = arith.index_cast %swap3A_1061 : i32 to index
      %swap3A_1063 = arith.constant 112 : index
      %swap3A_1064 = tpu.vector_load %arg9[%swap3A_1062, %swap3A_1063] {strides = array<i32>} : memref<8x128xf32, #tpu.memory_space<vmem>>, vector<16xf32>,
      tpu.vector_store %arg9[%swap3A_1062, %swap3A_1063], %mul3A_1060 {strides = array<i32>} : memref<8x128xf32, #tpu.memory_space<vmem>>, vector<16xf32>,
      %gather3A_1065 = tpu.vector_load_idx %arg11[%broadcast_in_dim3A_251] : memref<64xf32, #tpu.memory_space<vmem>>[vector<16xi32>], vector<16xf32>,
      %gather3A_1066 = tpu.vector_load_idx %arg11[%broadcast_in_dim3A_267] : memref<64xf32, #tpu.memory_space<vmem>>[vector<16xi32>], vector<16xf32>,
      %gather3A_1067 = tpu.vector_load_idx %arg10[%add3A_62] : memref<1024xf32, #tpu.memory_space<vmem>>[vector<16xi32>], vector<16xf32>,
      %sub3A_1068 = arith.subf %gather3A_1067, %gather3A_1065 : vector<16xf32>
      %mul3A_1069 = arith.mulf %sub3A_1068, %gather3A_1066 : vector<16xf32>
      %swap3A_1070 = arith.constant 2 : i32
      %swap3A_1071 = arith.index_cast %swap3A_1070 : i32 to index
      %swap3A_1072 = arith.constant 0 : index
      %swap3A_1073 = tpu.vector_load %arg9[%swap3A_1071, %swap3A_1072] {strides = array<i32>} : memref<8x128xf32, #tpu.memory_space<vmem>>, vector<16xf32>,
      tpu.vector_store %arg9[%swap3A_1071, %swap3A_1072], %mul3A_1069 {strides = array<i32>} : memref<8x128xf32, #tpu.memory_space<vmem>>, vector<16xf32>,
      %gather3A_1074 = tpu.vector_load_idx %arg10[%add3A_86] : memref<1024xf32, #tpu.memory_space<vmem>>[vector<16xi32>], vector<16xf32>,
      %sub3A_1075 = arith.subf %gather3A_1074, %gather3A_1065 : vector<16xf32>
      %mul3A_1076 = arith.mulf %sub3A_1075, %gather3A_1066 : vector<16xf32>
      %swap3A_1077 = arith.constant 2 : i32
      %swap3A_1078 = arith.index_cast %swap3A_1077 : i32 to index
      %swap3A_1079 = arith.constant 16 : index
      %swap3A_1080 = tpu.vector_load %arg9[%swap3A_1078, %swap3A_1079] {strides = array<i32>} : memref<8x128xf32, #tpu.memory_space<vmem>>, vector<16xf32>,
      tpu.vector_store %arg9[%swap3A_1078, %swap3A_1079], %mul3A_1076 {strides = array<i32>} : memref<8x128xf32, #tpu.memory_space<vmem>>, vector<16xf32>,
      %gather3A_1081 = tpu.vector_load_idx %arg10[%add3A_110] : memref<1024xf32, #tpu.memory_space<vmem>>[vector<16xi32>], vector<16xf32>,
      %sub3A_1082 = arith.subf %gather3A_1081, %gather3A_1065 : vector<16xf32>
      %mul3A_1083 = arith.mulf %sub3A_1082, %gather3A_1066 : vector<16xf32>
      %swap3A_1084 = arith.constant 2 : i32
      %swap3A_1085 = arith.index_cast %swap3A_1084 : i32 to index
      %swap3A_1086 = arith.constant 32 : index
      %swap3A_1087 = tpu.vector_load %arg9[%swap3A_1085, %swap3A_1086] {strides = array<i32>} : memref<8x128xf32, #tpu.memory_space<vmem>>, vector<16xf32>,
      tpu.vector_store %arg9[%swap3A_1085, %swap3A_1086], %mul3A_1083 {strides = array<i32>} : memref<8x128xf32, #tpu.memory_space<vmem>>, vector<16xf32>,
      %gather3A_1088 = tpu.vector_load_idx %arg10[%add3A_134] : memref<1024xf32, #tpu.memory_space<vmem>>[vector<16xi32>], vector<16xf32>,
      %sub3A_1089 = arith.subf %gather3A_1088, %gather3A_1065 : vector<16xf32>
      %mul3A_1090 = arith.mulf %sub3A_1089, %gather3A_1066 : vector<16xf32>
      %swap3A_1091 = arith.constant 2 : i32
      %swap3A_1092 = arith.index_cast %swap3A_1091 : i32 to index
      %swap3A_1093 = arith.constant 48 : index
      %swap3A_1094 = tpu.vector_load %arg9[%swap3A_1092, %swap3A_1093] {strides = array<i32>} : memref<8x128xf32, #tpu.memory_space<vmem>>, vector<16xf32>,
      tpu.vector_store %arg9[%swap3A_1092, %swap3A_1093], %mul3A_1090 {strides = array<i32>} : memref<8x128xf32, #tpu.memory_space<vmem>>, vector<16xf32>,
      %gather3A_1095 = tpu.vector_load_idx %arg10[%add3A_158] : memref<1024xf32, #tpu.memory_space<vmem>>[vector<16xi32>], vector<16xf32>,
      %sub3A_1096 = arith.subf %gather3A_1095, %gather3A_1065 : vector<16xf32>
      %mul3A_1097 = arith.mulf %sub3A_1096, %gather3A_1066 : vector<16xf32>
      %swap3A_1098 = arith.constant 2 : i32
      %swap3A_1099 = arith.index_cast %swap3A_1098 : i32 to index
      %swap3A_1100 = arith.constant 64 : index
      %swap3A_1101 = tpu.vector_load %arg9[%swap3A_1099, %swap3A_1100] {strides = array<i32>} : memref<8x128xf32, #tpu.memory_space<vmem>>, vector<16xf32>,
      tpu.vector_store %arg9[%swap3A_1099, %swap3A_1100], %mul3A_1097 {strides = array<i32>} : memref<8x128xf32, #tpu.memory_space<vmem>>, vector<16xf32>,
      %gather3A_1102 = tpu.vector_load_idx %arg10[%add3A_182] : memref<1024xf32, #tpu.memory_space<vmem>>[vector<16xi32>], vector<16xf32>,
      %sub3A_1103 = arith.subf %gather3A_1102, %gather3A_1065 : vector<16xf32>
      %mul3A_1104 = arith.mulf %sub3A_1103, %gather3A_1066 : vector<16xf32>
      %swap3A_1105 = arith.constant 2 : i32
      %swap3A_1106 = arith.index_cast %swap3A_1105 : i32 to index
      %swap3A_1107 = arith.constant 80 : index
      %swap3A_1108 = tpu.vector_load %arg9[%swap3A_1106, %swap3A_1107] {strides = array<i32>} : memref<8x128xf32, #tpu.memory_space<vmem>>, vector<16xf32>,
      tpu.vector_store %arg9[%swap3A_1106, %swap3A_1107], %mul3A_1104 {strides = array<i32>} : memref<8x128xf32, #tpu.memory_space<vmem>>, vector<16xf32>,
      %gather3A_1109 = tpu.vector_load_idx %arg10[%add3A_206] : memref<1024xf32, #tpu.memory_space<vmem>>[vector<16xi32>], vector<16xf32>,
      %sub3A_1110 = arith.subf %gather3A_1109, %gather3A_1065 : vector<16xf32>
      %mul3A_1111 = arith.mulf %sub3A_1110, %gather3A_1066 : vector<16xf32>
      %swap3A_1112 = arith.constant 2 : i32
      %swap3A_1113 = arith.index_cast %swap3A_1112 : i32 to index
      %swap3A_1114 = arith.constant 96 : index
      %swap3A_1115 = tpu.vector_load %arg9[%swap3A_1113, %swap3A_1114] {strides = array<i32>} : memref<8x128xf32, #tpu.memory_space<vmem>>, vector<16xf32>,
      tpu.vector_store %arg9[%swap3A_1113, %swap3A_1114], %mul3A_1111 {strides = array<i32>} : memref<8x128xf32, #tpu.memory_space<vmem>>, vector<16xf32>,
      %gather3A_1116 = tpu.vector_load_idx %arg10[%add3A_230] : memref<1024xf32, #tpu.memory_space<vmem>>[vector<16xi32>], vector<16xf32>,
      %sub3A_1117 = arith.subf %gather3A_1116, %gather3A_1065 : vector<16xf32>
      %mul3A_1118 = arith.mulf %sub3A_1117, %gather3A_1066 : vector<16xf32>
      %swap3A_1119 = arith.constant 2 : i32
      %swap3A_1120 = arith.index_cast %swap3A_1119 : i32 to index
      %swap3A_1121 = arith.constant 112 : index
      %swap3A_1122 = tpu.vector_load %arg9[%swap3A_1120, %swap3A_1121] {strides = array<i32>} : memref<8x128xf32, #tpu.memory_space<vmem>>, vector<16xf32>,
      tpu.vector_store %arg9[%swap3A_1120, %swap3A_1121], %mul3A_1118 {strides = array<i32>} : memref<8x128xf32, #tpu.memory_space<vmem>>, vector<16xf32>,
      %gather3A_1123 = tpu.vector_load_idx %arg11[%broadcast_in_dim3A_253] : memref<64xf32, #tpu.memory_space<vmem>>[vector<16xi32>], vector<16xf32>,
      %gather3A_1124 = tpu.vector_load_idx %arg11[%broadcast_in_dim3A_269] : memref<64xf32, #tpu.memory_space<vmem>>[vector<16xi32>], vector<16xf32>,
      %gather3A_1125 = tpu.vector_load_idx %arg10[%add3A_65] : memref<1024xf32, #tpu.memory_space<vmem>>[vector<16xi32>], vector<16xf32>,
      %sub3A_1126 = arith.subf %gather3A_1125, %gather3A_1123 : vector<16xf32>
      %mul3A_1127 = arith.mulf %sub3A_1126, %gather3A_1124 : vector<16xf32>
      %swap3A_1128 = arith.constant 3 : i32
      %swap3A_1129 = arith.index_cast %swap3A_1128 : i32 to index
      %swap3A_1130 = arith.constant 0 : index
      %swap3A_1131 = tpu.vector_load %arg9[%swap3A_1129, %swap3A_1130] {strides = array<i32>} : memref<8x128xf32, #tpu.memory_space<vmem>>, vector<16xf32>,
      tpu.vector_store %arg9[%swap3A_1129, %swap3A_1130], %mul3A_1127 {strides = array<i32>} : memref<8x128xf32, #tpu.memory_space<vmem>>, vector<16xf32>,
      %gather3A_1132 = tpu.vector_load_idx %arg10[%add3A_89] : memref<1024xf32, #tpu.memory_space<vmem>>[vector<16xi32>], vector<16xf32>,
      %sub3A_1133 = arith.subf %gather3A_1132, %gather3A_1123 : vector<16xf32>
      %mul3A_1134 = arith.mulf %sub3A_1133, %gather3A_1124 : vector<16xf32>
      %swap3A_1135 = arith.constant 3 : i32
      %swap3A_1136 = arith.index_cast %swap3A_1135 : i32 to index
      %swap3A_1137 = arith.constant 16 : index
      %swap3A_1138 = tpu.vector_load %arg9[%swap3A_1136, %swap3A_1137] {strides = array<i32>} : memref<8x128xf32, #tpu.memory_space<vmem>>, vector<16xf32>,
      tpu.vector_store %arg9[%swap3A_1136, %swap3A_1137], %mul3A_1134 {strides = array<i32>} : memref<8x128xf32, #tpu.memory_space<vmem>>, vector<16xf32>,
      %gather3A_1139 = tpu.vector_load_idx %arg10[%add3A_113] : memref<1024xf32, #tpu.memory_space<vmem>>[vector<16xi32>], vector<16xf32>,
      %sub3A_1140 = arith.subf %gather3A_1139, %gather3A_1123 : vector<16xf32>
      %mul3A_1141 = arith.mulf %sub3A_1140, %gather3A_1124 : vector<16xf32>
      %swap3A_1142 = arith.constant 3 : i32
      %swap3A_1143 = arith.index_cast %swap3A_1142 : i32 to index
      %swap3A_1144 = arith.constant 32 : index
      %swap3A_1145 = tpu.vector_load %arg9[%swap3A_1143, %swap3A_1144] {strides = array<i32>} : memref<8x128xf32, #tpu.memory_space<vmem>>, vector<16xf32>,
      tpu.vector_store %arg9[%swap3A_1143, %swap3A_1144], %mul3A_1141 {strides = array<i32>} : memref<8x128xf32, #tpu.memory_space<vmem>>, vector<16xf32>,
      %gather3A_1146 = tpu.vector_load_idx %arg10[%add3A_137] : memref<1024xf32, #tpu.memory_space<vmem>>[vector<16xi32>], vector<16xf32>,
      %sub3A_1147 = arith.subf %gather3A_1146, %gather3A_1123 : vector<16xf32>
      %mul3A_1148 = arith.mulf %sub3A_1147, %gather3A_1124 : vector<16xf32>
      %swap3A_1149 = arith.constant 3 : i32
      %swap3A_1150 = arith.index_cast %swap3A_1149 : i32 to index
      %swap3A_1151 = arith.constant 48 : index
      %swap3A_1152 = tpu.vector_load %arg9[%swap3A_1150, %swap3A_1151] {strides = array<i32>} : memref<8x128xf32, #tpu.memory_space<vmem>>, vector<16xf32>,
      tpu.vector_store %arg9[%swap3A_1150, %swap3A_1151], %mul3A_1148 {strides = array<i32>} : memref<8x128xf32, #tpu.memory_space<vmem>>, vector<16xf32>,
      %gather3A_1153 = tpu.vector_load_idx %arg10[%add3A_161] : memref<1024xf32, #tpu.memory_space<vmem>>[vector<16xi32>], vector<16xf32>,
      %sub3A_1154 = arith.subf %gather3A_1153, %gather3A_1123 : vector<16xf32>
      %mul3A_1155 = arith.mulf %sub3A_1154, %gather3A_1124 : vector<16xf32>
      %swap3A_1156 = arith.constant 3 : i32
      %swap3A_1157 = arith.index_cast %swap3A_1156 : i32 to index
      %swap3A_1158 = arith.constant 64 : index
      %swap3A_1159 = tpu.vector_load %arg9[%swap3A_1157, %swap3A_1158] {strides = array<i32>} : memref<8x128xf32, #tpu.memory_space<vmem>>, vector<16xf32>,
      tpu.vector_store %arg9[%swap3A_1157, %swap3A_1158], %mul3A_1155 {strides = array<i32>} : memref<8x128xf32, #tpu.memory_space<vmem>>, vector<16xf32>,
      %gather3A_1160 = tpu.vector_load_idx %arg10[%add3A_185] : memref<1024xf32, #tpu.memory_space<vmem>>[vector<16xi32>], vector<16xf32>,
      %sub3A_1161 = arith.subf %gather3A_1160, %gather3A_1123 : vector<16xf32>
      %mul3A_1162 = arith.mulf %sub3A_1161, %gather3A_1124 : vector<16xf32>
      %swap3A_1163 = arith.constant 3 : i32
      %swap3A_1164 = arith.index_cast %swap3A_1163 : i32 to index
      %swap3A_1165 = arith.constant 80 : index
      %swap3A_1166 = tpu.vector_load %arg9[%swap3A_1164, %swap3A_1165] {strides = array<i32>} : memref<8x128xf32, #tpu.memory_space<vmem>>, vector<16xf32>,
      tpu.vector_store %arg9[%swap3A_1164, %swap3A_1165], %mul3A_1162 {strides = array<i32>} : memref<8x128xf32, #tpu.memory_space<vmem>>, vector<16xf32>,
      %gather3A_1167 = tpu.vector_load_idx %arg10[%add3A_209] : memref<1024xf32, #tpu.memory_space<vmem>>[vector<16xi32>], vector<16xf32>,
      %sub3A_1168 = arith.subf %gather3A_1167, %gather3A_1123 : vector<16xf32>
      %mul3A_1169 = arith.mulf %sub3A_1168, %gather3A_1124 : vector<16xf32>
      %swap3A_1170 = arith.constant 3 : i32
      %swap3A_1171 = arith.index_cast %swap3A_1170 : i32 to index
      %swap3A_1172 = arith.constant 96 : index
      %swap3A_1173 = tpu.vector_load %arg9[%swap3A_1171, %swap3A_1172] {strides = array<i32>} : memref<8x128xf32, #tpu.memory_space<vmem>>, vector<16xf32>,
      tpu.vector_store %arg9[%swap3A_1171, %swap3A_1172], %mul3A_1169 {strides = array<i32>} : memref<8x128xf32, #tpu.memory_space<vmem>>, vector<16xf32>,
      %gather3A_1174 = tpu.vector_load_idx %arg10[%add3A_233] : memref<1024xf32, #tpu.memory_space<vmem>>[vector<16xi32>], vector<16xf32>,
      %sub3A_1175 = arith.subf %gather3A_1174, %gather3A_1123 : vector<16xf32>
      %mul3A_1176 = arith.mulf %sub3A_1175, %gather3A_1124 : vector<16xf32>
      %swap3A_1177 = arith.constant 3 : i32
      %swap3A_1178 = arith.index_cast %swap3A_1177 : i32 to index
      %swap3A_1179 = arith.constant 112 : index
      %swap3A_1180 = tpu.vector_load %arg9[%swap3A_1178, %swap3A_1179] {strides = array<i32>} : memref<8x128xf32, #tpu.memory_space<vmem>>, vector<16xf32>,
      tpu.vector_store %arg9[%swap3A_1178, %swap3A_1179], %mul3A_1176 {strides = array<i32>} : memref<8x128xf32, #tpu.memory_space<vmem>>, vector<16xf32>,
      %gather3A_1181 = tpu.vector_load_idx %arg11[%broadcast_in_dim3A_255] : memref<64xf32, #tpu.memory_space<vmem>>[vector<16xi32>], vector<16xf32>,
      %gather3A_1182 = tpu.vector_load_idx %arg11[%broadcast_in_dim3A_271] : memref<64xf32, #tpu.memory_space<vmem>>[vector<16xi32>], vector<16xf32>,
      %gather3A_1183 = tpu.vector_load_idx %arg10[%add3A_68] : memref<1024xf32, #tpu.memory_space<vmem>>[vector<16xi32>], vector<16xf32>,
      %sub3A_1184 = arith.subf %gather3A_1183, %gather3A_1181 : vector<16xf32>
      %mul3A_1185 = arith.mulf %sub3A_1184, %gather3A_1182 : vector<16xf32>
      %swap3A_1186 = arith.constant 4 : i32
      %swap3A_1187 = arith.index_cast %swap3A_1186 : i32 to index
      %swap3A_1188 = arith.constant 0 : index
      %swap3A_1189 = tpu.vector_load %arg9[%swap3A_1187, %swap3A_1188] {strides = array<i32>} : memref<8x128xf32, #tpu.memory_space<vmem>>, vector<16xf32>,
      tpu.vector_store %arg9[%swap3A_1187, %swap3A_1188], %mul3A_1185 {strides = array<i32>} : memref<8x128xf32, #tpu.memory_space<vmem>>, vector<16xf32>,
      %gather3A_1190 = tpu.vector_load_idx %arg10[%add3A_92] : memref<1024xf32, #tpu.memory_space<vmem>>[vector<16xi32>], vector<16xf32>,
      %sub3A_1191 = arith.subf %gather3A_1190, %gather3A_1181 : vector<16xf32>
      %mul3A_1192 = arith.mulf %sub3A_1191, %gather3A_1182 : vector<16xf32>
      %swap3A_1193 = arith.constant 4 : i32
      %swap3A_1194 = arith.index_cast %swap3A_1193 : i32 to index
      %swap3A_1195 = arith.constant 16 : index
      %swap3A_1196 = tpu.vector_load %arg9[%swap3A_1194, %swap3A_1195] {strides = array<i32>} : memref<8x128xf32, #tpu.memory_space<vmem>>, vector<16xf32>,
      tpu.vector_store %arg9[%swap3A_1194, %swap3A_1195], %mul3A_1192 {strides = array<i32>} : memref<8x128xf32, #tpu.memory_space<vmem>>, vector<16xf32>,
      %gather3A_1197 = tpu.vector_load_idx %arg10[%add3A_116] : memref<1024xf32, #tpu.memory_space<vmem>>[vector<16xi32>], vector<16xf32>,
      %sub3A_1198 = arith.subf %gather3A_1197, %gather3A_1181 : vector<16xf32>
      %mul3A_1199 = arith.mulf %sub3A_1198, %gather3A_1182 : vector<16xf32>
      %swap3A_1200 = arith.constant 4 : i32
      %swap3A_1201 = arith.index_cast %swap3A_1200 : i32 to index
      %swap3A_1202 = arith.constant 32 : index
      %swap3A_1203 = tpu.vector_load %arg9[%swap3A_1201, %swap3A_1202] {strides = array<i32>} : memref<8x128xf32, #tpu.memory_space<vmem>>, vector<16xf32>,
      tpu.vector_store %arg9[%swap3A_1201, %swap3A_1202], %mul3A_1199 {strides = array<i32>} : memref<8x128xf32, #tpu.memory_space<vmem>>, vector<16xf32>,
      %gather3A_1204 = tpu.vector_load_idx %arg10[%add3A_140] : memref<1024xf32, #tpu.memory_space<vmem>>[vector<16xi32>], vector<16xf32>,
      %sub3A_1205 = arith.subf %gather3A_1204, %gather3A_1181 : vector<16xf32>
      %mul3A_1206 = arith.mulf %sub3A_1205, %gather3A_1182 : vector<16xf32>
      %swap3A_1207 = arith.constant 4 : i32
      %swap3A_1208 = arith.index_cast %swap3A_1207 : i32 to index
      %swap3A_1209 = arith.constant 48 : index
      %swap3A_1210 = tpu.vector_load %arg9[%swap3A_1208, %swap3A_1209] {strides = array<i32>} : memref<8x128xf32, #tpu.memory_space<vmem>>, vector<16xf32>,
      tpu.vector_store %arg9[%swap3A_1208, %swap3A_1209], %mul3A_1206 {strides = array<i32>} : memref<8x128xf32, #tpu.memory_space<vmem>>, vector<16xf32>,
      %gather3A_1211 = tpu.vector_load_idx %arg10[%add3A_164] : memref<1024xf32, #tpu.memory_space<vmem>>[vector<16xi32>], vector<16xf32>,
      %sub3A_1212 = arith.subf %gather3A_1211, %gather3A_1181 : vector<16xf32>
      %mul3A_1213 = arith.mulf %sub3A_1212, %gather3A_1182 : vector<16xf32>
      %swap3A_1214 = arith.constant 4 : i32
      %swap3A_1215 = arith.index_cast %swap3A_1214 : i32 to index
      %swap3A_1216 = arith.constant 64 : index
      %swap3A_1217 = tpu.vector_load %arg9[%swap3A_1215, %swap3A_1216] {strides = array<i32>} : memref<8x128xf32, #tpu.memory_space<vmem>>, vector<16xf32>,
      tpu.vector_store %arg9[%swap3A_1215, %swap3A_1216], %mul3A_1213 {strides = array<i32>} : memref<8x128xf32, #tpu.memory_space<vmem>>, vector<16xf32>,
      %gather3A_1218 = tpu.vector_load_idx %arg10[%add3A_188] : memref<1024xf32, #tpu.memory_space<vmem>>[vector<16xi32>], vector<16xf32>,
      %sub3A_1219 = arith.subf %gather3A_1218, %gather3A_1181 : vector<16xf32>
      %mul3A_1220 = arith.mulf %sub3A_1219, %gather3A_1182 : vector<16xf32>
      %swap3A_1221 = arith.constant 4 : i32
      %swap3A_1222 = arith.index_cast %swap3A_1221 : i32 to index
      %swap3A_1223 = arith.constant 80 : index
      %swap3A_1224 = tpu.vector_load %arg9[%swap3A_1222, %swap3A_1223] {strides = array<i32>} : memref<8x128xf32, #tpu.memory_space<vmem>>, vector<16xf32>,
      tpu.vector_store %arg9[%swap3A_1222, %swap3A_1223], %mul3A_1220 {strides = array<i32>} : memref<8x128xf32, #tpu.memory_space<vmem>>, vector<16xf32>,
      %gather3A_1225 = tpu.vector_load_idx %arg10[%add3A_212] : memref<1024xf32, #tpu.memory_space<vmem>>[vector<16xi32>], vector<16xf32>,
      %sub3A_1226 = arith.subf %gather3A_1225, %gather3A_1181 : vector<16xf32>
      %mul3A_1227 = arith.mulf %sub3A_1226, %gather3A_1182 : vector<16xf32>
      %swap3A_1228 = arith.constant 4 : i32
      %swap3A_1229 = arith.index_cast %swap3A_1228 : i32 to index
      %swap3A_1230 = arith.constant 96 : index
      %swap3A_1231 = tpu.vector_load %arg9[%swap3A_1229, %swap3A_1230] {strides = array<i32>} : memref<8x128xf32, #tpu.memory_space<vmem>>, vector<16xf32>,
      tpu.vector_store %arg9[%swap3A_1229, %swap3A_1230], %mul3A_1227 {strides = array<i32>} : memref<8x128xf32, #tpu.memory_space<vmem>>, vector<16xf32>,
      %gather3A_1232 = tpu.vector_load_idx %arg10[%add3A_236] : memref<1024xf32, #tpu.memory_space<vmem>>[vector<16xi32>], vector<16xf32>,
      %sub3A_1233 = arith.subf %gather3A_1232, %gather3A_1181 : vector<16xf32>
      %mul3A_1234 = arith.mulf %sub3A_1233, %gather3A_1182 : vector<16xf32>
      %swap3A_1235 = arith.constant 4 : i32
      %swap3A_1236 = arith.index_cast %swap3A_1235 : i32 to index
      %swap3A_1237 = arith.constant 112 : index
      %swap3A_1238 = tpu.vector_load %arg9[%swap3A_1236, %swap3A_1237] {strides = array<i32>} : memref<8x128xf32, #tpu.memory_space<vmem>>, vector<16xf32>,
      tpu.vector_store %arg9[%swap3A_1236, %swap3A_1237], %mul3A_1234 {strides = array<i32>} : memref<8x128xf32, #tpu.memory_space<vmem>>, vector<16xf32>,
      %gather3A_1239 = tpu.vector_load_idx %arg11[%broadcast_in_dim3A_257] : memref<64xf32, #tpu.memory_space<vmem>>[vector<16xi32>], vector<16xf32>,
      %gather3A_1240 = tpu.vector_load_idx %arg11[%broadcast_in_dim3A_273] : memref<64xf32, #tpu.memory_space<vmem>>[vector<16xi32>], vector<16xf32>,
      %gather3A_1241 = tpu.vector_load_idx %arg10[%add3A_71] : memref<1024xf32, #tpu.memory_space<vmem>>[vector<16xi32>], vector<16xf32>,
      %sub3A_1242 = arith.subf %gather3A_1241, %gather3A_1239 : vector<16xf32>
      %mul3A_1243 = arith.mulf %sub3A_1242, %gather3A_1240 : vector<16xf32>
      %swap3A_1244 = arith.constant 5 : i32
      %swap3A_1245 = arith.index_cast %swap3A_1244 : i32 to index
      %swap3A_1246 = arith.constant 0 : index
      %swap3A_1247 = tpu.vector_load %arg9[%swap3A_1245, %swap3A_1246] {strides = array<i32>} : memref<8x128xf32, #tpu.memory_space<vmem>>, vector<16xf32>,
      tpu.vector_store %arg9[%swap3A_1245, %swap3A_1246], %mul3A_1243 {strides = array<i32>} : memref<8x128xf32, #tpu.memory_space<vmem>>, vector<16xf32>,
      %gather3A_1248 = tpu.vector_load_idx %arg10[%add3A_95] : memref<1024xf32, #tpu.memory_space<vmem>>[vector<16xi32>], vector<16xf32>,
      %sub3A_1249 = arith.subf %gather3A_1248, %gather3A_1239 : vector<16xf32>
      %mul3A_1250 = arith.mulf %sub3A_1249, %gather3A_1240 : vector<16xf32>
      %swap3A_1251 = arith.constant 5 : i32
      %swap3A_1252 = arith.index_cast %swap3A_1251 : i32 to index
      %swap3A_1253 = arith.constant 16 : index
      %swap3A_1254 = tpu.vector_load %arg9[%swap3A_1252, %swap3A_1253] {strides = array<i32>} : memref<8x128xf32, #tpu.memory_space<vmem>>, vector<16xf32>,
      tpu.vector_store %arg9[%swap3A_1252, %swap3A_1253], %mul3A_1250 {strides = array<i32>} : memref<8x128xf32, #tpu.memory_space<vmem>>, vector<16xf32>,
      %gather3A_1255 = tpu.vector_load_idx %arg10[%add3A_119] : memref<1024xf32, #tpu.memory_space<vmem>>[vector<16xi32>], vector<16xf32>,
      %sub3A_1256 = arith.subf %gather3A_1255, %gather3A_1239 : vector<16xf32>
      %mul3A_1257 = arith.mulf %sub3A_1256, %gather3A_1240 : vector<16xf32>
      %swap3A_1258 = arith.constant 5 : i32
      %swap3A_1259 = arith.index_cast %swap3A_1258 : i32 to index
      %swap3A_1260 = arith.constant 32 : index
      %swap3A_1261 = tpu.vector_load %arg9[%swap3A_1259, %swap3A_1260] {strides = array<i32>} : memref<8x128xf32, #tpu.memory_space<vmem>>, vector<16xf32>,
      tpu.vector_store %arg9[%swap3A_1259, %swap3A_1260], %mul3A_1257 {strides = array<i32>} : memref<8x128xf32, #tpu.memory_space<vmem>>, vector<16xf32>,
      %gather3A_1262 = tpu.vector_load_idx %arg10[%add3A_143] : memref<1024xf32, #tpu.memory_space<vmem>>[vector<16xi32>], vector<16xf32>,
      %sub3A_1263 = arith.subf %gather3A_1262, %gather3A_1239 : vector<16xf32>
      %mul3A_1264 = arith.mulf %sub3A_1263, %gather3A_1240 : vector<16xf32>
      %swap3A_1265 = arith.constant 5 : i32
      %swap3A_1266 = arith.index_cast %swap3A_1265 : i32 to index
      %swap3A_1267 = arith.constant 48 : index
      %swap3A_1268 = tpu.vector_load %arg9[%swap3A_1266, %swap3A_1267] {strides = array<i32>} : memref<8x128xf32, #tpu.memory_space<vmem>>, vector<16xf32>,
      tpu.vector_store %arg9[%swap3A_1266, %swap3A_1267], %mul3A_1264 {strides = array<i32>} : memref<8x128xf32, #tpu.memory_space<vmem>>, vector<16xf32>,
      %gather3A_1269 = tpu.vector_load_idx %arg10[%add3A_167] : memref<1024xf32, #tpu.memory_space<vmem>>[vector<16xi32>], vector<16xf32>,
      %sub3A_1270 = arith.subf %gather3A_1269, %gather3A_1239 : vector<16xf32>
      %mul3A_1271 = arith.mulf %sub3A_1270, %gather3A_1240 : vector<16xf32>
      %swap3A_1272 = arith.constant 5 : i32
      %swap3A_1273 = arith.index_cast %swap3A_1272 : i32 to index
      %swap3A_1274 = arith.constant 64 : index
      %swap3A_1275 = tpu.vector_load %arg9[%swap3A_1273, %swap3A_1274] {strides = array<i32>} : memref<8x128xf32, #tpu.memory_space<vmem>>, vector<16xf32>,
      tpu.vector_store %arg9[%swap3A_1273, %swap3A_1274], %mul3A_1271 {strides = array<i32>} : memref<8x128xf32, #tpu.memory_space<vmem>>, vector<16xf32>,
      %gather3A_1276 = tpu.vector_load_idx %arg10[%add3A_191] : memref<1024xf32, #tpu.memory_space<vmem>>[vector<16xi32>], vector<16xf32>,
      %sub3A_1277 = arith.subf %gather3A_1276, %gather3A_1239 : vector<16xf32>
      %mul3A_1278 = arith.mulf %sub3A_1277, %gather3A_1240 : vector<16xf32>
      %swap3A_1279 = arith.constant 5 : i32
      %swap3A_1280 = arith.index_cast %swap3A_1279 : i32 to index
      %swap3A_1281 = arith.constant 80 : index
      %swap3A_1282 = tpu.vector_load %arg9[%swap3A_1280, %swap3A_1281] {strides = array<i32>} : memref<8x128xf32, #tpu.memory_space<vmem>>, vector<16xf32>,
      tpu.vector_store %arg9[%swap3A_1280, %swap3A_1281], %mul3A_1278 {strides = array<i32>} : memref<8x128xf32, #tpu.memory_space<vmem>>, vector<16xf32>,
      %gather3A_1283 = tpu.vector_load_idx %arg10[%add3A_215] : memref<1024xf32, #tpu.memory_space<vmem>>[vector<16xi32>], vector<16xf32>,
      %sub3A_1284 = arith.subf %gather3A_1283, %gather3A_1239 : vector<16xf32>
      %mul3A_1285 = arith.mulf %sub3A_1284, %gather3A_1240 : vector<16xf32>
      %swap3A_1286 = arith.constant 5 : i32
      %swap3A_1287 = arith.index_cast %swap3A_1286 : i32 to index
      %swap3A_1288 = arith.constant 96 : index
      %swap3A_1289 = tpu.vector_load %arg9[%swap3A_1287, %swap3A_1288] {strides = array<i32>} : memref<8x128xf32, #tpu.memory_space<vmem>>, vector<16xf32>,
      tpu.vector_store %arg9[%swap3A_1287, %swap3A_1288], %mul3A_1285 {strides = array<i32>} : memref<8x128xf32, #tpu.memory_space<vmem>>, vector<16xf32>,
      %gather3A_1290 = tpu.vector_load_idx %arg10[%add3A_239] : memref<1024xf32, #tpu.memory_space<vmem>>[vector<16xi32>], vector<16xf32>,
      %sub3A_1291 = arith.subf %gather3A_1290, %gather3A_1239 : vector<16xf32>
      %mul3A_1292 = arith.mulf %sub3A_1291, %gather3A_1240 : vector<16xf32>
      %swap3A_1293 = arith.constant 5 : i32
      %swap3A_1294 = arith.index_cast %swap3A_1293 : i32 to index
      %swap3A_1295 = arith.constant 112 : index
      %swap3A_1296 = tpu.vector_load %arg9[%swap3A_1294, %swap3A_1295] {strides = array<i32>} : memref<8x128xf32, #tpu.memory_space<vmem>>, vector<16xf32>,
      tpu.vector_store %arg9[%swap3A_1294, %swap3A_1295], %mul3A_1292 {strides = array<i32>} : memref<8x128xf32, #tpu.memory_space<vmem>>, vector<16xf32>,
      %gather3A_1297 = tpu.vector_load_idx %arg11[%broadcast_in_dim3A_259] : memref<64xf32, #tpu.memory_space<vmem>>[vector<16xi32>], vector<16xf32>,
      %gather3A_1298 = tpu.vector_load_idx %arg11[%broadcast_in_dim3A_275] : memref<64xf32, #tpu.memory_space<vmem>>[vector<16xi32>], vector<16xf32>,
      %gather3A_1299 = tpu.vector_load_idx %arg10[%add3A_74] : memref<1024xf32, #tpu.memory_space<vmem>>[vector<16xi32>], vector<16xf32>,
      %sub3A_1300 = arith.subf %gather3A_1299, %gather3A_1297 : vector<16xf32>
      %mul3A_1301 = arith.mulf %sub3A_1300, %gather3A_1298 : vector<16xf32>
      %swap3A_1302 = arith.constant 6 : i32
      %swap3A_1303 = arith.index_cast %swap3A_1302 : i32 to index
      %swap3A_1304 = arith.constant 0 : index
      %swap3A_1305 = tpu.vector_load %arg9[%swap3A_1303, %swap3A_1304] {strides = array<i32>} : memref<8x128xf32, #tpu.memory_space<vmem>>, vector<16xf32>,
      tpu.vector_store %arg9[%swap3A_1303, %swap3A_1304], %mul3A_1301 {strides = array<i32>} : memref<8x128xf32, #tpu.memory_space<vmem>>, vector<16xf32>,
      %gather3A_1306 = tpu.vector_load_idx %arg10[%add3A_98] : memref<1024xf32, #tpu.memory_space<vmem>>[vector<16xi32>], vector<16xf32>,
      %sub3A_1307 = arith.subf %gather3A_1306, %gather3A_1297 : vector<16xf32>
      %mul3A_1308 = arith.mulf %sub3A_1307, %gather3A_1298 : vector<16xf32>
      %swap3A_1309 = arith.constant 6 : i32
      %swap3A_1310 = arith.index_cast %swap3A_1309 : i32 to index
      %swap3A_1311 = arith.constant 16 : index
      %swap3A_1312 = tpu.vector_load %arg9[%swap3A_1310, %swap3A_1311] {strides = array<i32>} : memref<8x128xf32, #tpu.memory_space<vmem>>, vector<16xf32>,
      tpu.vector_store %arg9[%swap3A_1310, %swap3A_1311], %mul3A_1308 {strides = array<i32>} : memref<8x128xf32, #tpu.memory_space<vmem>>, vector<16xf32>,
      %gather3A_1313 = tpu.vector_load_idx %arg10[%add3A_122] : memref<1024xf32, #tpu.memory_space<vmem>>[vector<16xi32>], vector<16xf32>,
      %sub3A_1314 = arith.subf %gather3A_1313, %gather3A_1297 : vector<16xf32>
      %mul3A_1315 = arith.mulf %sub3A_1314, %gather3A_1298 : vector<16xf32>
      %swap3A_1316 = arith.constant 6 : i32
      %swap3A_1317 = arith.index_cast %swap3A_1316 : i32 to index
      %swap3A_1318 = arith.constant 32 : index
      %swap3A_1319 = tpu.vector_load %arg9[%swap3A_1317, %swap3A_1318] {strides = array<i32>} : memref<8x128xf32, #tpu.memory_space<vmem>>, vector<16xf32>,
      tpu.vector_store %arg9[%swap3A_1317, %swap3A_1318], %mul3A_1315 {strides = array<i32>} : memref<8x128xf32, #tpu.memory_space<vmem>>, vector<16xf32>,
      %gather3A_1320 = tpu.vector_load_idx %arg10[%add3A_146] : memref<1024xf32, #tpu.memory_space<vmem>>[vector<16xi32>], vector<16xf32>,
      %sub3A_1321 = arith.subf %gather3A_1320, %gather3A_1297 : vector<16xf32>
      %mul3A_1322 = arith.mulf %sub3A_1321, %gather3A_1298 : vector<16xf32>
      %swap3A_1323 = arith.constant 6 : i32
      %swap3A_1324 = arith.index_cast %swap3A_1323 : i32 to index
      %swap3A_1325 = arith.constant 48 : index
      %swap3A_1326 = tpu.vector_load %arg9[%swap3A_1324, %swap3A_1325] {strides = array<i32>} : memref<8x128xf32, #tpu.memory_space<vmem>>, vector<16xf32>,
      tpu.vector_store %arg9[%swap3A_1324, %swap3A_1325], %mul3A_1322 {strides = array<i32>} : memref<8x128xf32, #tpu.memory_space<vmem>>, vector<16xf32>,
      %gather3A_1327 = tpu.vector_load_idx %arg10[%add3A_170] : memref<1024xf32, #tpu.memory_space<vmem>>[vector<16xi32>], vector<16xf32>,
      %sub3A_1328 = arith.subf %gather3A_1327, %gather3A_1297 : vector<16xf32>
      %mul3A_1329 = arith.mulf %sub3A_1328, %gather3A_1298 : vector<16xf32>
      %swap3A_1330 = arith.constant 6 : i32
      %swap3A_1331 = arith.index_cast %swap3A_1330 : i32 to index
      %swap3A_1332 = arith.constant 64 : index
      %swap3A_1333 = tpu.vector_load %arg9[%swap3A_1331, %swap3A_1332] {strides = array<i32>} : memref<8x128xf32, #tpu.memory_space<vmem>>, vector<16xf32>,
      tpu.vector_store %arg9[%swap3A_1331, %swap3A_1332], %mul3A_1329 {strides = array<i32>} : memref<8x128xf32, #tpu.memory_space<vmem>>, vector<16xf32>,
      %gather3A_1334 = tpu.vector_load_idx %arg10[%add3A_194] : memref<1024xf32, #tpu.memory_space<vmem>>[vector<16xi32>], vector<16xf32>,
      %sub3A_1335 = arith.subf %gather3A_1334, %gather3A_1297 : vector<16xf32>
      %mul3A_1336 = arith.mulf %sub3A_1335, %gather3A_1298 : vector<16xf32>
      %swap3A_1337 = arith.constant 6 : i32
      %swap3A_1338 = arith.index_cast %swap3A_1337 : i32 to index
      %swap3A_1339 = arith.constant 80 : index
      %swap3A_1340 = tpu.vector_load %arg9[%swap3A_1338, %swap3A_1339] {strides = array<i32>} : memref<8x128xf32, #tpu.memory_space<vmem>>, vector<16xf32>,
      tpu.vector_store %arg9[%swap3A_1338, %swap3A_1339], %mul3A_1336 {strides = array<i32>} : memref<8x128xf32, #tpu.memory_space<vmem>>, vector<16xf32>,
      %gather3A_1341 = tpu.vector_load_idx %arg10[%add3A_218] : memref<1024xf32, #tpu.memory_space<vmem>>[vector<16xi32>], vector<16xf32>,
      %sub3A_1342 = arith.subf %gather3A_1341, %gather3A_1297 : vector<16xf32>
      %mul3A_1343 = arith.mulf %sub3A_1342, %gather3A_1298 : vector<16xf32>
      %swap3A_1344 = arith.constant 6 : i32
      %swap3A_1345 = arith.index_cast %swap3A_1344 : i32 to index
      %swap3A_1346 = arith.constant 96 : index
      %swap3A_1347 = tpu.vector_load %arg9[%swap3A_1345, %swap3A_1346] {strides = array<i32>} : memref<8x128xf32, #tpu.memory_space<vmem>>, vector<16xf32>,
      tpu.vector_store %arg9[%swap3A_1345, %swap3A_1346], %mul3A_1343 {strides = array<i32>} : memref<8x128xf32, #tpu.memory_space<vmem>>, vector<16xf32>,
      %gather3A_1348 = tpu.vector_load_idx %arg10[%add3A_242] : memref<1024xf32, #tpu.memory_space<vmem>>[vector<16xi32>], vector<16xf32>,
      %sub3A_1349 = arith.subf %gather3A_1348, %gather3A_1297 : vector<16xf32>
      %mul3A_1350 = arith.mulf %sub3A_1349, %gather3A_1298 : vector<16xf32>
      %swap3A_1351 = arith.constant 6 : i32
      %swap3A_1352 = arith.index_cast %swap3A_1351 : i32 to index
      %swap3A_1353 = arith.constant 112 : index
      %swap3A_1354 = tpu.vector_load %arg9[%swap3A_1352, %swap3A_1353] {strides = array<i32>} : memref<8x128xf32, #tpu.memory_space<vmem>>, vector<16xf32>,
      tpu.vector_store %arg9[%swap3A_1352, %swap3A_1353], %mul3A_1350 {strides = array<i32>} : memref<8x128xf32, #tpu.memory_space<vmem>>, vector<16xf32>,
      %gather3A_1355 = tpu.vector_load_idx %arg11[%broadcast_in_dim3A_261] : memref<64xf32, #tpu.memory_space<vmem>>[vector<16xi32>], vector<16xf32>,
      %gather3A_1356 = tpu.vector_load_idx %arg11[%broadcast_in_dim3A_277] : memref<64xf32, #tpu.memory_space<vmem>>[vector<16xi32>], vector<16xf32>,
      %gather3A_1357 = tpu.vector_load_idx %arg10[%add3A_77] : memref<1024xf32, #tpu.memory_space<vmem>>[vector<16xi32>], vector<16xf32>,
      %sub3A_1358 = arith.subf %gather3A_1357, %gather3A_1355 : vector<16xf32>
      %mul3A_1359 = arith.mulf %sub3A_1358, %gather3A_1356 : vector<16xf32>
      %swap3A_1360 = arith.constant 7 : i32
      %swap3A_1361 = arith.index_cast %swap3A_1360 : i32 to index
      %swap3A_1362 = arith.constant 0 : index
      %swap3A_1363 = tpu.vector_load %arg9[%swap3A_1361, %swap3A_1362] {strides = array<i32>} : memref<8x128xf32, #tpu.memory_space<vmem>>, vector<16xf32>,
      tpu.vector_store %arg9[%swap3A_1361, %swap3A_1362], %mul3A_1359 {strides = array<i32>} : memref<8x128xf32, #tpu.memory_space<vmem>>, vector<16xf32>,
      %gather3A_1364 = tpu.vector_load_idx %arg10[%add3A_101] : memref<1024xf32, #tpu.memory_space<vmem>>[vector<16xi32>], vector<16xf32>,
      %sub3A_1365 = arith.subf %gather3A_1364, %gather3A_1355 : vector<16xf32>
      %mul3A_1366 = arith.mulf %sub3A_1365, %gather3A_1356 : vector<16xf32>
      %swap3A_1367 = arith.constant 7 : i32
      %swap3A_1368 = arith.index_cast %swap3A_1367 : i32 to index
      %swap3A_1369 = arith.constant 16 : index
      %swap3A_1370 = tpu.vector_load %arg9[%swap3A_1368, %swap3A_1369] {strides = array<i32>} : memref<8x128xf32, #tpu.memory_space<vmem>>, vector<16xf32>,
      tpu.vector_store %arg9[%swap3A_1368, %swap3A_1369], %mul3A_1366 {strides = array<i32>} : memref<8x128xf32, #tpu.memory_space<vmem>>, vector<16xf32>,
      %gather3A_1371 = tpu.vector_load_idx %arg10[%add3A_125] : memref<1024xf32, #tpu.memory_space<vmem>>[vector<16xi32>], vector<16xf32>,
      %sub3A_1372 = arith.subf %gather3A_1371, %gather3A_1355 : vector<16xf32>
      %mul3A_1373 = arith.mulf %sub3A_1372, %gather3A_1356 : vector<16xf32>
      %swap3A_1374 = arith.constant 7 : i32
      %swap3A_1375 = arith.index_cast %swap3A_1374 : i32 to index
      %swap3A_1376 = arith.constant 32 : index
      %swap3A_1377 = tpu.vector_load %arg9[%swap3A_1375, %swap3A_1376] {strides = array<i32>} : memref<8x128xf32, #tpu.memory_space<vmem>>, vector<16xf32>,
      tpu.vector_store %arg9[%swap3A_1375, %swap3A_1376], %mul3A_1373 {strides = array<i32>} : memref<8x128xf32, #tpu.memory_space<vmem>>, vector<16xf32>,
      %gather3A_1378 = tpu.vector_load_idx %arg10[%add3A_149] : memref<1024xf32, #tpu.memory_space<vmem>>[vector<16xi32>], vector<16xf32>,
      %sub3A_1379 = arith.subf %gather3A_1378, %gather3A_1355 : vector<16xf32>
      %mul3A_1380 = arith.mulf %sub3A_1379, %gather3A_1356 : vector<16xf32>
      %swap3A_1381 = arith.constant 7 : i32
      %swap3A_1382 = arith.index_cast %swap3A_1381 : i32 to index
      %swap3A_1383 = arith.constant 48 : index
      %swap3A_1384 = tpu.vector_load %arg9[%swap3A_1382, %swap3A_1383] {strides = array<i32>} : memref<8x128xf32, #tpu.memory_space<vmem>>, vector<16xf32>,
      tpu.vector_store %arg9[%swap3A_1382, %swap3A_1383], %mul3A_1380 {strides = array<i32>} : memref<8x128xf32, #tpu.memory_space<vmem>>, vector<16xf32>,
      %gather3A_1385 = tpu.vector_load_idx %arg10[%add3A_173] : memref<1024xf32, #tpu.memory_space<vmem>>[vector<16xi32>], vector<16xf32>,
      %sub3A_1386 = arith.subf %gather3A_1385, %gather3A_1355 : vector<16xf32>
      %mul3A_1387 = arith.mulf %sub3A_1386, %gather3A_1356 : vector<16xf32>
      %swap3A_1388 = arith.constant 7 : i32
      %swap3A_1389 = arith.index_cast %swap3A_1388 : i32 to index
      %swap3A_1390 = arith.constant 64 : index
      %swap3A_1391 = tpu.vector_load %arg9[%swap3A_1389, %swap3A_1390] {strides = array<i32>} : memref<8x128xf32, #tpu.memory_space<vmem>>, vector<16xf32>,
      tpu.vector_store %arg9[%swap3A_1389, %swap3A_1390], %mul3A_1387 {strides = array<i32>} : memref<8x128xf32, #tpu.memory_space<vmem>>, vector<16xf32>,
      %gather3A_1392 = tpu.vector_load_idx %arg10[%add3A_197] : memref<1024xf32, #tpu.memory_space<vmem>>[vector<16xi32>], vector<16xf32>,
      %sub3A_1393 = arith.subf %gather3A_1392, %gather3A_1355 : vector<16xf32>
      %mul3A_1394 = arith.mulf %sub3A_1393, %gather3A_1356 : vector<16xf32>
      %swap3A_1395 = arith.constant 7 : i32
      %swap3A_1396 = arith.index_cast %swap3A_1395 : i32 to index
      %swap3A_1397 = arith.constant 80 : index
      %swap3A_1398 = tpu.vector_load %arg9[%swap3A_1396, %swap3A_1397] {strides = array<i32>} : memref<8x128xf32, #tpu.memory_space<vmem>>, vector<16xf32>,
      tpu.vector_store %arg9[%swap3A_1396, %swap3A_1397], %mul3A_1394 {strides = array<i32>} : memref<8x128xf32, #tpu.memory_space<vmem>>, vector<16xf32>,
      %gather3A_1399 = tpu.vector_load_idx %arg10[%add3A_221] : memref<1024xf32, #tpu.memory_space<vmem>>[vector<16xi32>], vector<16xf32>,
      %sub3A_1400 = arith.subf %gather3A_1399, %gather3A_1355 : vector<16xf32>
      %mul3A_1401 = arith.mulf %sub3A_1400, %gather3A_1356 : vector<16xf32>
      %swap3A_1402 = arith.constant 7 : i32
      %swap3A_1403 = arith.index_cast %swap3A_1402 : i32 to index
      %swap3A_1404 = arith.constant 96 : index
      %swap3A_1405 = tpu.vector_load %arg9[%swap3A_1403, %swap3A_1404] {strides = array<i32>} : memref<8x128xf32, #tpu.memory_space<vmem>>, vector<16xf32>,
      tpu.vector_store %arg9[%swap3A_1403, %swap3A_1404], %mul3A_1401 {strides = array<i32>} : memref<8x128xf32, #tpu.memory_space<vmem>>, vector<16xf32>,
      %gather3A_1406 = tpu.vector_load_idx %arg10[%add3A_245] : memref<1024xf32, #tpu.memory_space<vmem>>[vector<16xi32>], vector<16xf32>,
      %sub3A_1407 = arith.subf %gather3A_1406, %gather3A_1355 : vector<16xf32>
      %mul3A_1408 = arith.mulf %sub3A_1407, %gather3A_1356 : vector<16xf32>
      %swap3A_1409 = arith.constant 7 : i32
      %swap3A_1410 = arith.index_cast %swap3A_1409 : i32 to index
      %swap3A_1411 = arith.constant 112 : index
      %swap3A_1412 = tpu.vector_load %arg9[%swap3A_1410, %swap3A_1411] {strides = array<i32>} : memref<8x128xf32, #tpu.memory_space<vmem>>, vector<16xf32>,
      tpu.vector_store %arg9[%swap3A_1410, %swap3A_1411], %mul3A_1408 {strides = array<i32>} : memref<8x128xf32, #tpu.memory_space<vmem>>, vector<16xf32>,
      %add3A_1413 = arith.addi %mul3A_2, %add3A_858 : i32
      %mul3A_1414 = arith.constant 8 : i32
      %mul3A_1415 = arith.muli %add3A_1413, %mul3A_1414 : i32
      %dma_start3A_1416 = arith.constant 0 : i32
      %dma_start3A_1417 = tpu.memref_slice %arg4[%mul3A_1415, %dma_start3A_1416] : memref<16384x128xf32, #tpu.memory_space<hbm>> -> memref<8x128xf32, #tpu.memory_space<hbm>>
      %dma_start3A_1418 = arith.constant 0 : i32
      %dma_start3A_1419 = tpu.memref_slice %arg4[%mul3A_1415, %dma_start3A_1418] : memref<16384x128xf32, #tpu.memory_space<hbm>> -> memref<8x128xf32, #tpu.memory_space<hbm>>
      tpu.enqueue_dma source(%arg9 : memref<8x128xf32, #tpu.memory_space<vmem>>) target(%dma_start3A_1419 : memref<8x128xf32, #tpu.memory_space<hbm>>) target_semaphore(%arg15 : memref<!tpu.dma_semaphore, #tpu.memory_space<semaphore_mem>>)
    }
    %scan3A_286 = arith.constant 32 : i32
    %mul3A_287 = arith.constant 8 : i32
    %mul3A_288 = arith.muli %mul3A_2, %mul3A_287 : i32
    %dma_wait3A = arith.constant 0 : i32
    %dma_wait3A_289 = tpu.memref_slice %arg4[%mul3A_288, %dma_wait3A] : memref<16384x128xf32, #tpu.memory_space<hbm>> -> memref<8x128xf32, #tpu.memory_space<hbm>>
    %dma_wait3A_290 = arith.constant 0 : i32
    %dma_wait3A_291 = tpu.memref_slice %arg4[%mul3A_288, %dma_wait3A_290] : memref<16384x128xf32, #tpu.memory_space<hbm>> -> memref<8x128xf32, #tpu.memory_space<hbm>>
    tpu.wait_dma2 semaphore(%arg14 : memref<!tpu.dma_semaphore, #tpu.memory_space<semaphore_mem>>) src(%arg8 : memref<8x128xf32, #tpu.memory_space<vmem>>) dst(%dma_wait3A_291 : memref<8x128xf32, #tpu.memory_space<hbm>>)
    %mul3A_292 = arith.constant 8 : i32
    %mul3A_293 = arith.muli %mul3A_2, %mul3A_292 : i32
    %dma_wait3A_294 = arith.constant 0 : i32
    %dma_wait3A_295 = tpu.memref_slice %arg4[%mul3A_293, %dma_wait3A_294] : memref<16384x128xf32, #tpu.memory_space<hbm>> -> memref<8x128xf32, #tpu.memory_space<hbm>>
    %dma_wait3A_296 = arith.constant 0 : i32
    %dma_wait3A_297 = tpu.memref_slice %arg4[%mul3A_293, %dma_wait3A_296] : memref<16384x128xf32, #tpu.memory_space<hbm>> -> memref<8x128xf32, #tpu.memory_space<hbm>>
    tpu.wait_dma2 semaphore(%arg15 : memref<!tpu.dma_semaphore, #tpu.memory_space<semaphore_mem>>) src(%arg9 : memref<8x128xf32, #tpu.memory_space<vmem>>) dst(%dma_wait3A_297 : memref<8x128xf32, #tpu.memory_space<hbm>>)
    return
  }
}

</mosaic_0001>

<sc_bundles>
// kernel: kernel.3.cloned.1.call-start
scs
__scs_entry_jumppad:
0x0: {  	(pc) =	sbr.rel $0x88, $3  }
0x1: {  	(tag) =	ssettag $0x0;
	lr =	simm.s32 $0x1  }
0x2: {  	[smem:$0x3F9F] =	sst lr;
	_ =	strace $0xD0000000  }
0x3: {  	_ = 	snop  }
0x4: {  	_ = 	snop  }
0x5: {  	_ = 	snop  }
0x6: {  	_ = 	snop  }
0x7: {  	_ = 	snop  }
__scs_overlays_trampoline_lowered:
0x8: {  	[smem:$0x3FAE] =	sst s0  }
0x9: {  	[smem:$0x3FAF] =	sst s1  }
0xa: {  	[smem:$0x3FB0] =	sst s2  }
0xb: {  	[smem:$0x3FB1] =	sst s3  }
0xc: {  	[smem:$0x3FB2] =	sst s4  }
0xd: {  	[smem:$0x3FB3] =	sst s5  }
0xe: {  	[smem:$0x3FB4] =	sst s6  }
0xf: {  	[smem:$0x3FB5] =	sst s7  }
0x10: {  	[smem:$0x3FB6] =	sst s8  }
0x11: {  	[smem:$0x3FB7] =	sst s9;
	s0 =	simm.s32 @!p0 $0x0  }
0x12: {  	s1 =	sld [smem:$0x3F9D];
	s0 =	simm.s32 @p0 $0x1  }
0x13: {  	[smem:$0x3FB8] =	sst s0;
	s0 =	simm.s32 @!p1 $0x0  }
0x14: {  	s2 =	sld [smem:$0x3F9C];
	s0 =	simm.s32 @p1 $0x1  }
0x15: {  	[smem:$0x3FB9] =	sst s0;
	s0 =	simm.s32 @!p2 $0x0  }
0x16: {  	s3 =	sld [smem:$0x3FDB];
	s0 =	simm.s32 @p2 $0x1  }
0x17: {  	s4 =	simm.s32 $0x1BF5;
	[smem:$0x3FBB] =	sst s0  }
0x18: {  	s0 =	sld [smem:$0x3F9E];
	_ =	swait.ge [sflag:s4], $0x0  }
0x19: {  	s7 =	sld [smem:$0x3F9F]  }
0x1a: {  	s8 =	sadd.s32 $0xFFFFE003, lr  }
0x1b: {  	s9 =	sadd.s32 $0xFFFFFEF7, lr;
	s5 =	simm.s32 $0xFFFFFFFF;
	p2 =	slt.u32 s8, $0xFFFFF086  }
0x1c: {  	p1 =	slt.u32 s9, $0xF7A;
	s5 =	simm.s32 @!p2 $0x0  }
0x1d: {  	s5 =	simm.s32 @p1 $0x1;
	p0 =	seq.s32 s7, s2  }
0x1e: {  	s7 =	smul.u32 @!p0 $0xF7A, s2;
	p2 =	seq.s32 @!p0 s5, $0x0  }
0x1f: {  	s9 =	smul.u32 $0xF7A, s1;
	s8 =	simm.s32 @!p0 $0x1BF5;
	p2 =	por !p2, p0  }
0x20: {  	[sflag:s8] =	ssyncset.s32 @!p0 $0xFFFFF086;
	s6 =	sadd.s32 @!p0 s3, s7;
	s7 =	simm.s32 @!p0 $0x108  }
0x21: {  	s3 =	sadd.s32 s3, s9;
	s6 =	sadd.s32 @!p0 $0x88, s6;
	s7 =	simm.s32 @p2 $0x1082  }
0x22: {  	[simem:s7], [sflag:s8] =	dma.local @!p0 [hbm:s6], $0xF7A  }
0x23: {  	s9 =	sor.u32 $0xD0000000, s2;
	s6 =	simm.s32 $0x108;
	_ =	swait.ge @!p0 [sflag:s8], $0x0  }
0x24: {  	s3 =	sadd.s32 $0x88, s3;
	s6 =	simm.s32 @!p1 $0x1082;
	[sflag:s4] =	ssyncset.s32 $0xFFFFF086  }
0x25: {  	[simem:s6], [sflag:s4] =	dma.local [hbm:s3], $0xF7A  }
0x26: {  	[smem:$0x3F9F] =	sst s1;
	(tag) =	ssettag s2;
	_ =	strace s9  }
0x27: {  	s1 =	sld [smem:$0x3FAF]  }
0x28: {  	s2 =	sld [smem:$0x3FB0]  }
0x29: {  	s4 =	sld [smem:$0x3FB2]  }
0x2a: {  	p0 =	seq.s32 s5, $0x0;
	s5 =	sld [smem:$0x3FB3]  }
0x2b: {  	s6 =	sld [smem:$0x3FB4]  }
0x2c: {  	s7 =	sld [smem:$0x3FB5]  }
0x2d: {  	s3 =	simm.s32 $0x108;
	s8 =	sld [smem:$0x3FB6]  }
0x2e: {  	s3 =	simm.s32 @!p0 $0x1082;
	s9 =	sld [smem:$0x3FB7]  }
0x2f: {  	lr =	sadd.s32 s0, s3;
	s0 =	sld [smem:$0x3FAE]  }
0x30: {  	s3 =	sld [smem:$0x3FB1]  }
0x31: {  	[smem:$0x3FBA] =	sst s10  }
0x32: {  	s10 =	sld [smem:$0x3FB8];
	_ =	sdelay $0x3  }
0x33: {  	p0 =	seq.s32 s10, $0x1;
	s10 =	sld [smem:$0x3FBA];
	_ =	sdelay $0x3  }
0x34: {  	[smem:$0x3FBA] =	sst s10  }
0x35: {  	s10 =	sld [smem:$0x3FB9];
	_ =	sdelay $0x3  }
0x36: {  	p1 =	seq.s32 s10, $0x1;
	s10 =	sld [smem:$0x3FBA];
	_ =	sdelay $0x3  }
0x37: {  	[smem:$0x3FBA] =	sst s10  }
0x38: {  	s10 =	sld [smem:$0x3FBB]  }
0x39: {  	_ = 	snop;
	(pc) =	sbr.ind lr, $3  }
0x3a: {  	_ = 	snop  }
0x3b: {  	_ = 	snop  }
0x3c: {  	p2 =	seq.s32 s10, $0x1;
	s10 =	sld [smem:$0x3FBA]  }
0x3d: {  	_ =	shalt  }
0x3e: {  	_ =	shalt  }
0x3f: {  	_ =	shalt  }
0x40: {  	_ =	shalt  }
0x41: {  	_ =	shalt  }
0x42: {  	_ =	shalt  }
0x43: {  	_ =	shalt  }
0x44: {  	_ =	shalt  }
0x45: {  	_ =	shalt  }
0x46: {  	_ =	shalt  }
0x47: {  	_ =	shalt  }
0x48: {  	_ =	shalt  }
0x49: {  	_ =	shalt  }
0x4a: {  	_ =	shalt  }
0x4b: {  	_ =	shalt  }
0x4c: {  	_ =	shalt  }
0x4d: {  	_ =	shalt  }
0x4e: {  	_ =	shalt  }
0x4f: {  	_ =	shalt  }
0x50: {  	_ =	shalt  }
0x51: {  	_ =	shalt  }
0x52: {  	_ =	shalt  }
0x53: {  	_ =	shalt  }
0x54: {  	_ =	shalt  }
0x55: {  	_ =	shalt  }
0x56: {  	_ =	shalt  }
0x57: {  	_ =	shalt  }
0x58: {  	_ =	shalt  }
0x59: {  	_ =	shalt  }
0x5a: {  	_ =	shalt  }
0x5b: {  	_ =	shalt  }
0x5c: {  	_ =	shalt  }
0x5d: {  	_ =	shalt  }
0x5e: {  	_ =	shalt  }
0x5f: {  	_ =	shalt  }
0x60: {  	_ =	shalt  }
0x61: {  	_ =	shalt  }
0x62: {  	_ =	shalt  }
0x63: {  	_ =	shalt  }
0x64: {  	_ =	shalt  }
0x65: {  	_ =	shalt  }
0x66: {  	_ =	shalt  }
0x67: {  	_ =	shalt  }
0x68: {  	_ =	shalt  }
0x69: {  	_ =	shalt  }
0x6a: {  	_ =	shalt  }
0x6b: {  	_ =	shalt  }
0x6c: {  	_ =	shalt  }
0x6d: {  	_ =	shalt  }
0x6e: {  	_ =	shalt  }
0x6f: {  	_ =	shalt  }
0x70: {  	_ =	shalt  }
0x71: {  	_ =	shalt  }
0x72: {  	_ =	shalt  }
0x73: {  	_ =	shalt  }
0x74: {  	_ =	shalt  }
0x75: {  	_ =	shalt  }
0x76: {  	_ =	shalt  }
0x77: {  	_ =	shalt  }
0x78: {  	_ =	shalt  }
0x79: {  	_ =	shalt  }
0x7a: {  	_ =	shalt  }
0x7b: {  	_ =	shalt  }
0x7c: {  	_ =	shalt  }
0x7d: {  	_ =	shalt  }
0x7e: {  	_ =	shalt  }
0x7f: {  	_ =	shalt  }
0x80: {  	_ =	shalt  }
0x81: {  	_ =	shalt  }
0x82: {  	_ =	shalt  }
0x83: {  	_ =	shalt  }
0x84: {  	_ =	shalt  }
0x85: {  	_ =	shalt  }
0x86: {  	_ =	shalt  }
0x87: {  	_ =	shalt  }
.Lfunc_end0:
.L_simem_size_0:
called_computation_lowered:
.L_overlay_start_0:
0x88: {  	s2 =	sld [smem:$0x3FD9]  }
0x89: {  	s3 =	sld [smem:$0x3FFE];
	_ =	sdelay $0x1  }
0x8a: {  	s1 =	srdreg.scid  }
0x8b: {  	s0 =	sand.u32 $0x1, s1  }
0x8c: {  	s17 =	sshll.u32 s0, $0xA;
	s2 =	sadd.s32 s3, s2  }
0x8d: {  	s2 =	sadd.s32 s2, s17  }
0x8e: {  	[smem:$0x3FC6] =	sst s2  }
0x8f: {  	_ = 	snop  }
0x90: {  	s2 =	sld [smem:$0x3FC8]  }
0x91: {  	s18 =	sld [smem:$0x3FD0];
	(tm) =	ssettm $0x1  }
0x92: {  	s4 =	sld [smem:$0x3FFB];
	_ =	sdelay $0x3  }
0x93: {  	_ =	strace s4  }
0x94: {  	s4 =	sld [smem:$0x3FFC];
	_ =	sdelay $0x3  }
0x95: {  	_ =	strace s4  }
0x96: {  	s4 =	sld [smem:$0x3FFD];
	_ =	sdelay $0x3  }
0x97: {  	_ =	strace s4  }
0x98: {  	_ =	strace $0x8FFFFFFF  }
0x99: {  	s19 =	sld [smem:$0x3FDB];
	_ =	sdelay $0x1  }
0x9a: {  	s5 =	simm.s32 $_scs_section_size  }
0x9b: {  	s6 =	simm.s32 $_size__tile_overlayer_lowered;
	s7 =	simm.s32 $_tile_overlayer_lowered  }
0x9c: {  	s22 =	simm.s32 $0x1BFF;
	s21 =	sshll.u32 s7, $0x1;
	s4 =	sadd.s32 s5, s19  }
0x9d: {  	s8 =	simm.s32 $0x0;
	s20 =	sshll.u32 s6, $0x1;
	s6 =	sadd.s32 s21, s4  }
0x9e: {  	[timem:s8], [sflag:s22] =	dma.local [hbm:s6], s20  }
0x9f: {  	_ =	swait.ge [sflag:s22], s20  }
0xa0: {  	s5 =	ssub.s32 $0x0, s20;
	[sflag:s22] =	ssyncset.done $0x0  }
0xa1: {  	[sflag:s22] =	ssyncadd.s32 s5;
	_ =	sdelay $0x1  }
0xa2: {  	s23 =	simm.s32 $0x1B8B  }
0xa3: {  	_ =	swait.ge [sflag:s23], $0x1  }
0xa4: {  	[sflag:s23] =	ssyncset.done $0x0  }
0xa5: {  	s25 =	simm.s32 $0x1B8E;
	s24 =	sld [smem:$0x3FFE];
	[sflag:s23] =	ssyncadd.s32 $0xFFFFFFFF  }
0xa6: {  	s26 =	simm.s32 $execute0_lowered;
	[smem:$0x3FD2] =	sst s25  }
0xa7: {  	s6 =	sshll.u32 s26, $0x1;
	_ =	strace $0x80000046;
	[dreg:$0x1] =	wrdreg $0xFFFFFFFF  }
0xa8: {  	s28 =	simm.s32 $_size_execute0_lowered;
	s4 =	sadd.s32 s4, s6;
	[dreg:$0x0] =	wrdreg $0x0  }
0xa9: {  	s6 =	sshll.u32 s28, $0x1;
	[dreg:$0x2] =	wrdreg s4  }
0xaa: {  	[dreg:$0x3] =	wrdreg s6  }
0xab: {  	[dreg:$0x4] =	wrdreg $0xC0  }
0xac: {  	_ =	task [dreg:s8], $0x5FFFF  }
0xad: {  	[dreg:$0x1] =	wrdreg $0xFFFFFFFF  }
0xae: {  	[dreg:$0x0] =	wrdreg $0x60  }
0xaf: {  	[dreg:$0x2] =	wrdreg s2  }
0xb0: {  	[dreg:$0x3] =	wrdreg s24  }
0xb1: {  	[dreg:$0x4] =	wrdreg s18  }
0xb2: {  	[dreg:$0x5] =	wrdreg $0x9  }
0xb3: {  	_ =	task.clear_ibuf [dreg:s8], $0x6FFFF;
	_ =	strace $0x90000046  }
0xb4: {  	s29 =	simm.s32 $0x9;
	_ =	strace $0x80000048  }
0xb5: {  	_ =	swait.ge [sflag:s29], $0x1  }
0xb6: {  	[sflag:s29] =	ssyncadd.s32 $0xFFFFFFFF  }
0xb7: {  	_ =	strace $0x90000048  }
0xb8: {  	_ =	sfence  }
0xb9: {  	s30 =	sld [smem:$0x0];
	_ =	sdelay $0x2  }
0xba: {  	s31 =	sshll.u32 s1, $0xD;
	s1 =	sshrl.u32 s1, $0x2  }
0xbb: {  	s3 =	sand.u32 $0x4000, s31;
	s1 =	sadd.s32 s1, s30  }
0xbc: {  	s0 =	sor.u32 s3, s0;
	s1 =	sshll.u32 s1, $0x11  }
0xbd: {  	s0 =	sor.u32 s1, s0  }
0xbe: {  	s0 =	sadd.s32 $0x8F2B, s0  }
0xbf: {  	[sflag:s0] =	ssyncadd.remote.s32 $0x1  }
0xc0: {  	_ =	sfence.sel $0xFFFF  }
0xc1: {  	[dreg:$0x0] =	wrdreg $0xFFFFFFFF;
	(pc) =	sbr.abs _section_cstart, $3  }
0xc2: {  	[dreg:$0x1] =	wrdreg $0xFFFFFFFF  }
0xc3: {  	_ =	task.clear_ibuf [dreg:s8], $0x2FFFF;
	_ =	strace $0x9FFFFFFF  }
0xc4: {  	(tm) =	ssettm $0x7FFFFFFF  }
0xc5: {  	_ =	shalt  }
tec
execute0_lowered:
.L_overlay_start_1:
0x0: {  	(tag) =	ssettag $0x1  }
0x1: {  	v6 =	vimm.s32 $0xFEDCBA98  }
0x2: {  	v8 =	vimm.s32 $0x76543210;
	v7 =	vunpack.c.l.s4.s8 v6  }
0x3: {  	v8 =	vunpack.c.l.s4.s8 v8  }
0x4: {  	v0 =	vlaneseq.u32;
	v10 =	vunpack.c.0.s8.s32 v7  }
0x5: {  	v0 =	vmul.u32 $0x8, v0;
	v8 =	vunpack.c.0.s8.s32 v8  }
0x6: {  	v10 =	vand.u32 $0xF, v10  }
0x7: {  	v31 =	vcombine.low v10, v8;
	v8 =	vor.u32 $0x101, v0  }
0x8: {  	[tilespmem:$0x1FE70] =	vst v8;
	v8 =	vor.u32 $0x181, v0  }
0x9: {  	[tilespmem:$0x1FE80] =	vst v8;
	v8 =	vor.u32 $0x201, v0  }
0xa: {  	[tilespmem:$0x1FE90] =	vst v8;
	v8 =	vor.u32 $0x281, v0  }
0xb: {  	[tilespmem:$0x1FEA0] =	vst v8;
	v8 =	vor.u32 $0x301, v0  }
0xc: {  	[tilespmem:$0x1FEB0] =	vst v8;
	v8 =	vor.u32 $0x381, v0  }
0xd: {  	[tilespmem:$0x1FEC0] =	vst v8;
	v8 =	vor.u32 $0x2, v0  }
0xe: {  	[tilespmem:$0x1FED0] =	vst v8;
	v8 =	vor.u32 $0x82, v0  }
0xf: {  	[tilespmem:$0x1FEE0] =	vst v8;
	v8 =	vor.u32 $0x102, v0  }
0x10: {  	[tilespmem:$0x1FEF0] =	vst v8;
	v8 =	vor.u32 $0x182, v0  }
0x11: {  	[tilespmem:$0x1FF00] =	vst v8;
	v8 =	vor.u32 $0x202, v0  }
0x12: {  	v9 =	vimm.s32 $0x13121110;
	v11 =	vimm.s32 $0x1B1A1918;
	[tilespmem:$0x1FF10] =	vst v8;
	v8 =	vor.u32 $0x282, v0  }
0x13: {  	v12 =	vimm.s32 $0x1F1E1D1C;
	vm0 =	vcmask $0x1F10;
	s0 =	rddreg [dreg:$0x0];
	[tilespmem:$0x1FF20] =	vst v8;
	v8 =	vor.u32 $0x302, v0  }
0x14: {  	v35 =	vimm.s32 $0x20;
	v36 =	vimm.s32 $0x30;
	s5 =	rddreg [dreg:$0x1];
	[tilespmem:$0x1FF30] =	vst v8;
	v8 =	vor.u32 $0x382, v0  }
0x15: {  	v37 =	vimm.s32 $0x21;
	v38 =	vimm.s32 $0x31;
	s2 =	srdreg.scid;
	s1 =	stileid.u32;
	[tilespmem:$0x1FF40] =	vst v8;
	v8 =	vor.u32 $0x3, v0  }
0x16: {  	s3 =	rddreg [dreg:$0x2];
	s10 =	simm.s32 $0x3400;
	s11 =	simm.s32 $0x6800;
	v11 =	vunpack.c.0.s8.s32 v11;
	v12 =	vunpack.c.0.s8.s32 v12;
	[tilespmem:$0x1FF50] =	vst v8;
	v8 =	vor.u32 $0x83, v0  }
0x17: {  	s12 =	simm.s32 $0x9C00;
	s6 =	sand.u32 $0x1, s2;
	s4 =	sshll.u32 s1, $0x1;
	v1 =	vor.u32 $0x80, v0;
	v2 =	vor.u32 $0x100, v0;
	[tilespmem:$0x1FF60] =	vst v8;
	v8 =	vor.u32 $0x103, v0  }
0x18: {  	s13 =	simm.s32 $0xD000;
	s7 =	sor.u32 s6, s4;
	s4 =	simm.s32 $0x0;
	v3 =	vor.u32 $0x180, v0;
	v4 =	vor.u32 $0x200, v0;
	[tilespmem:$0x1FF70] =	vst v8;
	v8 =	vor.u32 $0x183, v0  }
0x19: {  	s15 =	simm.s32 $0x10C00;
	v5 =	vor.u32 $0x280, v0;
	v6 =	vor.u32 $0x300, v0;
	[smem:$0x7FF] =	sst s4;
	[tilespmem:$0x1FF80] =	vst v8;
	v8 =	vor.u32 $0x203, v0  }
0x1a: {  	s14 =	simm.s32 $0x1;
	v9 =	vunpack.c.0.s8.s32 v9;
	s2 =	rddreg [dreg:$0x3];
	v7 =	vimm.s32 $0x17161514;
	_ =	strace $0x80000047;
	[tilespmem:$0x1FF90] =	vst v8;
	v8 =	vor.u32 $0x283, v0  }
0x1b: {  	s16 =	simm.s32 $0x11000;
	s17 =	simm.s32 $0x10400;
	s18 =	simm.s32 $0x2;
	v11 =	vsel vm0, v12, v11;
	v39 =	vor.u32 $0x1, v0;
	[tilespmem:$0x1FFA0] =	vst v8;
	v8 =	vor.u32 $0x303, v0  }
0x1c: {  	s19 =	simm.s32 $0x10800;
	s20 =	simm.s32 $0x3;
	s6 =	ssub.s32 $0x2, s6;
	v40 =	vor.u32 $0x81, v0;
	v47 =	vor.u32 $0x184, v0;
	[tilespmem:$0x1FFB0] =	vst v8;
	v8 =	vor.u32 $0x383, v0  }
0x1d: {  	s21 =	simm.s32 $0x4;
	s8 =	smul.u32 $0x680, s7;
	s9 =	sshrl.u32 s6, $0x1;
	v48 =	vor.u32 $0x204, v0;
	v13 =	vunpack.c.0.s8.s32 v7;
	[tilespmem:$0x1FFC0] =	vst v8;
	v8 =	vor.u32 $0x4, v0  }
0x1e: {  	s22 =	simm.s32 $0x0;
	s31 =	simm.s32 $0x0;
	v49 =	vor.u32 $0x284, v0;
	v50 =	vor.u32 $0x304, v0;
	s9 =	ssub.s32 s6, s9;
	[tilespmem:$0x1FFD0] =	vst v8;
	v8 =	vor.u32 $0x84, v0  }
0x1f: {  	v51 =	vor.u32 $0x384, v0;
	s8 =	sadd.s32 s8, s5;
	s5 =	sshll.u32 s7, $0x6;
	s7 =	smax.u32 s9, $0x1;
	v9 =	vsel vm0, v13, v9;
	[tilespmem:$0x1FFE0] =	vst v8;
	v8 =	vor.u32 $0x104, v0  }
0x20: {  	v54 =	vor.u32 $0x5, v0;
	v7 =	vor.u32 $0x380, v0;
	s9 =	simm.s32 $0x68;
	s6 =	sadd.s32 $0x400, s8;
	s8 =	simm.s32 $0x5;
	v34 =	vcombine.low v11, v9;
	[tilespmem:$0x1FFF0] =	vst v8  }
.LBB2_1:
0x21: {  	[tilespmem:s4], [sflag:$0x5] =	stream.linear.gather [hbm4b:s6+s4], $0x3400, $0x38;
	[tilespmem:$0x11080] =	vst v63  }
0x22: {  	_ =	swait.ge [sflag:s8], $0x3400  }
0x23: {  	[sflag:s8] =	ssyncset.done $0x0  }
0x24: {  	[sflag:s8] =	ssyncadd.s32 $0xFFFFCC00  }
0x25: {  	[tilespmem:s10], [sflag:$0x1] =	stream.indirect.gather [hbm4b:s0+s9], $0x80, s4, s9, $0xb8;
	[tilespmem:$0x11080] =	vst v63  }
0x26: {  	s23 =	simm.s32 $0x0  }
0x27: {  	[tilespmem:s11], [sflag:$0x1] =	stream.indirect.gather [hbm4b:s0+s9], $0x80, s9, s9, $0xb8;
	[tilespmem:$0x11080] =	vst v63  }
.LBB2_2:
0x28: {  	s24 =	sshllo.u32 s23, $0x1  }
0x29: {  	s25 =	smul.u32 $0x340, s24;
	_ =	sdelay $0x1  }
0x2a: {  	s25 =	sshra.s32 s25, $0x2  }
0x2b: {  	[tilespmem:s12], [sflag:$0x2] =	stream.indirect.gather [hbm4b:s0+s9], $0x80, s25, s9, $0xb8;
	[tilespmem:$0x11080] =	vst v63  }
0x2c: {  	s25 =	sadd.s32 $0x68, s25  }
0x2d: {  	[tilespmem:s13], [sflag:$0x2] =	stream.indirect.gather [hbm4b:s0+s9], $0x80, s25, s9, $0xb8;
	[tilespmem:$0x11080] =	vst v63  }
0x2e: {  	_ =	swait.ge [sflag:s14], $0x3400  }
0x2f: {  	[sflag:s14] =	ssyncset.done $0x0  }
0x30: {  	[sflag:s14] =	ssyncadd.s32 $0xFFFFCC00  }
0x31: {  	_ =	swait.ge [sflag:s14], $0x3400  }
0x32: {  	s26 =	simm.s32 $0x0;
	[sflag:s14] =	ssyncset.done $0x0  }
0x33: {  	s28 =	simm.s32 $0x3440;
	s25 =	sshll.u32 s23, $0x1;
	[sflag:s14] =	ssyncadd.s32 $0xFFFFCC00  }
.LBB2_3:
0x34: {  	v9 =	vmov s28;
	_ =	sdelay $0x4  }
0x35: {  	v8 =	vld.idx.msk [tilespmem:v9+s31+$0x30 ss:$0x1], $0xffff  }
0x36: {  	v11 =	vld.idx.msk [tilespmem:v9+s31+$0xFFFFFFC0 ss:$0x1], $0xffff  }
0x37: {  	v21 =	vld.idx.msk [tilespmem:v9+s31+$0xFFFFFFD0 ss:$0x1], $0xffff  }
0x38: {  	v20 =	vld.idx.msk [tilespmem:v9+s31+$0xFFFFFFE0 ss:$0x1], $0xffff  }
0x39: {  	v15 =	vld.idx.msk [tilespmem:v9+s31+$0xFFFFFFF0 ss:$0x1], $0xffff  }
0x3a: {  	v17 =	vimm.f32 $0.0e+00;
	v22 =	vimm.f32 $0.0e+00;
	v12 =	vld.idx.msk [tilespmem:v9+s31+$0x0 ss:$0x1], $0xffff  }
0x3b: {  	v18 =	vimm.f32 $0.0e+00;
	v16 =	vimm.f32 $0.0e+00;
	v13 =	vimm.f32 $0.0e+00;
	v10 =	vld.idx.msk [tilespmem:v9+s31+$0x10 ss:$0x1], $0xffff  }
0x3c: {  	s29 =	simm.s32 $0x80;
	s30 =	simm.s32 $0x400;
	v14 =	vld.idx.msk [tilespmem:v9+s31+$0x20 ss:$0x1], $0xffff;
	v8 =	vadd.f32 v8, v17;
	v19 =	vadd.f32 v11, v17;
	v11 =	vimm.f32 $0.0e+00  }
.LBB2_4:
0x3d: {  	p0 =	sne.s32 s30, $0x3200;
	v23 =	vld.idx.msk [tilespmem:v9+s29+$0x30 ss:$0x1], $0xffff;
	v17 =	vadd.f32 v21, v17  }
0x3e: {  	v22 =	vadd.f32 v20, v22;
	v24 =	vld.idx.msk [tilespmem:v9+s29+$0xFFFFFFC0 ss:$0x1], $0xffff  }
0x3f: {  	v18 =	vadd.f32 v15, v18;
	v21 =	vld.idx.msk [tilespmem:v9+s29+$0xFFFFFFD0 ss:$0x1], $0xffff  }
.Ltmp0:
0x40: {  	v16 =	vadd.f32 v12, v16;
	v20 =	vld.idx.msk [tilespmem:v9+s29+$0xFFFFFFE0 ss:$0x1], $0xffff;
	(pc) =	sbr.rel @p0 .LBB2_4-.Ltmp0, $4  }
0x41: {  	v13 =	vadd.f32 v10, v13;
	v15 =	vld.idx.msk [tilespmem:v9+s29+$0xFFFFFFF0 ss:$0x1], $0xffff  }
0x42: {  	v11 =	vadd.f32 v14, v11;
	v12 =	vld.idx.msk [tilespmem:v9+s29+$0x0 ss:$0x1], $0xffff  }
0x43: {  	v8 =	vadd.f32 v23, v8;
	v10 =	vld.idx.msk [tilespmem:v9+s29+$0x10 ss:$0x1], $0xffff  }
0x44: {  	v19 =	vadd.f32 v24, v19;
	v14 =	vld.idx.msk [tilespmem:v9+s29+$0x20 ss:$0x1], $0xffff;
	s29 =	sshra.s32 s30, $0x2;
	s30 =	sadd.s32 $0x200, s30  }
0x45: {  	_ =	sdelay $0x3  }
0x46: {  	v23 =	vld.idx.msk [tilespmem:v9+s29+$0x30 ss:$0x1], $0xffff  }
0x47: {  	v24 =	vld.idx.msk [tilespmem:v9+s29+$0xFFFFFFC0 ss:$0x1], $0xffff  }
0x48: {  	v25 =	vld.idx.msk [tilespmem:v9+s29+$0xFFFFFFD0 ss:$0x1], $0xffff  }
0x49: {  	v26 =	vld.idx.msk [tilespmem:v9+s29+$0xFFFFFFE0 ss:$0x1], $0xffff;
	v27 =	vor.u32 s26, v0  }
0x4a: {  	v28 =	vld.idx.msk [tilespmem:v9+s29+$0xFFFFFFF0 ss:$0x1], $0xffff;
	v29 =	vor.u32 s26, v1  }
0x4b: {  	v17 =	vadd.f32 v21, v17;
	v53 =	vld.idx.msk [tilespmem:v9+s29+$0x0 ss:$0x1], $0xffff;
	v30 =	vor.u32 s26, v2;
	v20 =	vadd.f32 v20, v22  }
0x4c: {  	v55 =	vld.idx.msk [tilespmem:v9+s29+$0x10 ss:$0x1], $0xffff;
	v56 =	vor.u32 s26, v3;
	v58 =	vor.u32 s26, v4;
	v19 =	vadd.f32 v24, v19  }
0x4d: {  	v57 =	vld.idx.msk [tilespmem:v9+s29+$0x20 ss:$0x1], $0xffff;
	v60 =	vor.u32 s26, v5;
	v15 =	vadd.f32 v15, v18;
	v17 =	vadd.f32 v25, v17  }
0x4e: {  	v62 =	vor.u32 s26, v6;
	v12 =	vadd.f32 v12, v16;
	v59 =	vadd.f32 v26, v20;
	[tilespmem:v27+s15+$0x0] =	vst.idx.msk $0xffff, v19  }
0x4f: {  	v63 =	vor.u32 s26, v7;
	s26 =	sadd.s32 $0x1, s26;
	v10 =	vadd.f32 v10, v13;
	v61 =	vadd.f32 v28, v15;
	[tilespmem:v29+s15+$0x0] =	vst.idx.msk $0xffff, v17  }
0x50: {  	p0 =	sne.s32 s26, $0x8;
	v11 =	vadd.f32 v14, v11;
	v12 =	vadd.f32 v53, v12;
	[tilespmem:v30+s15+$0x0] =	vst.idx.msk $0xffff, v59  }
.Ltmp1:
0x51: {  	v10 =	vadd.f32 v55, v10;
	[tilespmem:v56+s15+$0x0] =	vst.idx.msk $0xffff, v61;
	(pc) =	sbr.rel @p0 .LBB2_3-.Ltmp1, $4  }
0x52: {  	v9 =	vadd.f32 v57, v11;
	[tilespmem:v58+s15+$0x0] =	vst.idx.msk $0xffff, v12  }
0x53: {  	v8 =	vadd.f32 v23, v8;
	[tilespmem:v60+s15+$0x0] =	vst.idx.msk $0xffff, v10  }
0x54: {  	[tilespmem:v62+s15+$0x0] =	vst.idx.msk $0xffff, v9  }
0x55: {  	s28 =	sadd.s32 $0xD00, s28;
	[tilespmem:v63+s15+$0x0] =	vst.idx.msk $0xffff, v8  }
0x56: {  	s28 =	simm.s32 $0x10C20  }
0x57: {  	v11 =	vld [tilespmem:s28+$0xFFFFFFE0];
	_ =	sdelay $0x1  }
0x58: {  	v9 =	vld [tilespmem:s28+$0xFFFFFFF0];
	_ =	sdelay $0x1  }
0x59: {  	v10 =	vld [tilespmem:s28+$0x0]  }
0x5a: {  	v12 =	vmul.f32 v11, v11  }
0x5b: {  	v13 =	vimm.f32 $0.0e+00;
	v8 =	vld [tilespmem:s28+$0x10]  }
0x5c: {  	s26 =	simm.s32 $0x0;
	s28 =	simm.s32 $0x10C60;
	v11 =	vadd.f32 v11, v13;
	v12 =	vadd.f32 v12, v13;
	v13 =	vmul.f32 v9, v9  }
.LBB2_7:
0x5d: {  	v14 =	vld [tilespmem:s28+$0xFFFFFFE0];
	s26 =	sadd.s32 $0x4, s26  }
0x5e: {  	p0 =	slt.u32 s26, $0x3C;
	v11 =	vadd.f32 v9, v11;
	v12 =	vadd.f32 v13, v12;
	v13 =	vmul.f32 v10, v10  }
0x5f: {  	v9 =	vld [tilespmem:s28+$0xFFFFFFF0]  }
.Ltmp2:
0x60: {  	v11 =	vadd.f32 v10, v11;
	v12 =	vadd.f32 v13, v12;
	v13 =	vmul.f32 v8, v8;
	(pc) =	sbr.rel @p0 .LBB2_7-.Ltmp2, $4  }
0x61: {  	v10 =	vld [tilespmem:s28+$0x0]  }
0x62: {  	v15 =	vmul.f32 v14, v14;
	v11 =	vadd.f32 v8, v11;
	v12 =	vadd.f32 v13, v12  }
0x63: {  	v8 =	vld [tilespmem:s28+$0x10]  }
0x64: {  	s28 =	sadd.s32 $0x40, s28;
	v11 =	vadd.f32 v14, v11;
	v12 =	vadd.f32 v15, v12;
	v13 =	vmul.f32 v9, v9  }
0x65: {  	_ = 	snop  }
0x66: {  	v9 =	vadd.f32 v9, v11  }
0x67: {  	v11 =	vadd.f32 v13, v12;
	v12 =	vmul.f32 v10, v10  }
0x68: {  	v9 =	vadd.f32 v10, v9  }
0x69: {  	v10 =	vadd.f32 v12, v11;
	v11 =	vmul.f32 v8, v8  }
0x6a: {  	v8 =	vadd.f32 v8, v9  }
0x6b: {  	v9 =	vadd.f32 v11, v10  }
0x6c: {  	[tilespmem:$0x11000] =	vst v8  }
0x6d: {  	[tilespmem:$0x11010] =	vst v9  }
0x6e: {  	v10 =	vld.idx.msk [tilespmem:v31+s16+$0x0], $0xffff;
	_ =	sdelay $0x1  }
0x6f: {  	v11 =	vld.idx.msk [tilespmem:v34+s16+$0x0], $0xffff;
	_ =	sdelay $0x2  }
0x70: {  	v8 =	vadd.f32 v10, v8;
	_ =	sdelay $0x1  }
0x71: {  	v9 =	vadd.f32 v11, v9;
	v8 =	vmul.f32 $7.812500000e-03, v8;
	_ =	sdelay $0x1  }
0x72: {  	v9 =	vmul.f32 $7.812500000e-03, v9;
	v10 =	vmul.f32 v8, v8;
	_ =	sdelay $0x1  }
0x73: {  	v9 =	vsub.f32 v9, v10;
	_ =	sdelay $0x1  }
0x74: {  	v9 =	vadd.f32 $9.999999740e-06, v9;
	_ =	sdelay $0x1  }
0x75: {  	v10 =	vshrl.u32 v9, $0x1;
	v9 =	vmul.f32 $5.000000000e-01, v9  }
0x76: {  	v10 =	vsub.s32 $0x5F3759DF, v10  }
0x77: {  	v11 =	vmul.f32 v10, v9;
	_ =	sdelay $0x1  }
0x78: {  	v11 =	vmul.f32 v10, v11;
	_ =	sdelay $0x1  }
0x79: {  	v11 =	vsub.f32 $1.500000000e+00, v11;
	_ =	sdelay $0x1  }
0x7a: {  	v10 =	vmul.f32 v10, v11;
	_ =	sdelay $0x1  }
0x7b: {  	v11 =	vmul.f32 v10, v9;
	_ =	sdelay $0x1  }
0x7c: {  	v11 =	vmul.f32 v11, v10;
	_ =	sdelay $0x1  }
0x7d: {  	v11 =	vsub.f32 $1.500000000e+00, v11;
	_ =	sdelay $0x1  }
0x7e: {  	v10 =	vmul.f32 v11, v10;
	_ =	sdelay $0x1  }
0x7f: {  	v9 =	vmul.f32 v10, v9;
	_ =	sdelay $0x1  }
0x80: {  	v9 =	vmul.f32 v9, v10;
	_ =	sdelay $0x1  }
0x81: {  	v9 =	vsub.f32 $1.500000000e+00, v9;
	_ =	sdelay $0x1  }
0x82: {  	v9 =	vmul.f32 v9, v10  }
0x83: {  	p0 =	seq.s32 s23, $0x0;
	[tilespmem:$0x11020] =	vst v8  }
0x84: {  	s26 =	simm.s32 @!p0 $0x3;
	[tilespmem:$0x11030] =	vst v9  }
0x85: {  	_ =	swait.ge @!p0 [sflag:s26], $0x400  }
0x86: {  	[sflag:s26] =	ssyncset.done @!p0 $0x0  }
0x87: {  	[sflag:s26] =	ssyncadd.s32 @!p0 $0xFFFFFC00  }
0x88: {  	v8 =	vld.idx.msk [tilespmem:v35+s16+$0x0], $0xffff  }
0x89: {  	v9 =	vld.idx.msk [tilespmem:v0+s15+$0x0], $0xffff;
	_ =	sdelay $0x1  }
0x8a: {  	v10 =	vld.idx.msk [tilespmem:v36+s16+$0x0], $0xffff;
	_ =	sdelay $0x2  }
0x8b: {  	v9 =	vsub.f32 v9, v8;
	_ =	sdelay $0x1  }
0x8c: {  	v9 =	vmul.f32 v9, v10;
	_ =	sdelay $0x1  }
0x8d: {  	[tilespmem:$0x10400] =	vst v9  }
0x8e: {  	v9 =	vld.idx.msk [tilespmem:v1+s15+$0x0], $0xffff;
	_ =	sdelay $0x4  }
0x8f: {  	v9 =	vsub.f32 v9, v8;
	_ =	sdelay $0x1  }
0x90: {  	v9 =	vmul.f32 v9, v10;
	_ =	sdelay $0x1  }
0x91: {  	[tilespmem:$0x10410] =	vst v9  }
0x92: {  	v9 =	vld.idx.msk [tilespmem:v2+s15+$0x0], $0xffff;
	_ =	sdelay $0x4  }
0x93: {  	v9 =	vsub.f32 v9, v8;
	_ =	sdelay $0x1  }
0x94: {  	v9 =	vmul.f32 v9, v10;
	_ =	sdelay $0x1  }
0x95: {  	[tilespmem:$0x10420] =	vst v9  }
0x96: {  	v9 =	vld.idx.msk [tilespmem:v3+s15+$0x0], $0xffff;
	_ =	sdelay $0x4  }
0x97: {  	v9 =	vsub.f32 v9, v8;
	_ =	sdelay $0x1  }
0x98: {  	v9 =	vmul.f32 v9, v10;
	_ =	sdelay $0x1  }
0x99: {  	[tilespmem:$0x10430] =	vst v9  }
0x9a: {  	v9 =	vld.idx.msk [tilespmem:v4+s15+$0x0], $0xffff;
	_ =	sdelay $0x4  }
0x9b: {  	v9 =	vsub.f32 v9, v8;
	_ =	sdelay $0x1  }
0x9c: {  	v9 =	vmul.f32 v9, v10;
	_ =	sdelay $0x1  }
0x9d: {  	[tilespmem:$0x10440] =	vst v9  }
0x9e: {  	v9 =	vld.idx.msk [tilespmem:v5+s15+$0x0], $0xffff;
	_ =	sdelay $0x4  }
0x9f: {  	v9 =	vsub.f32 v9, v8;
	_ =	sdelay $0x1  }
0xa0: {  	v9 =	vmul.f32 v9, v10;
	_ =	sdelay $0x1  }
0xa1: {  	[tilespmem:$0x10450] =	vst v9  }
0xa2: {  	v9 =	vld.idx.msk [tilespmem:v6+s15+$0x0], $0xffff;
	_ =	sdelay $0x4  }
0xa3: {  	v9 =	vsub.f32 v9, v8;
	_ =	sdelay $0x1  }
0xa4: {  	v9 =	vmul.f32 v9, v10;
	_ =	sdelay $0x1  }
0xa5: {  	[tilespmem:$0x10460] =	vst v9  }
0xa6: {  	v9 =	vld.idx.msk [tilespmem:v7+s15+$0x0], $0xffff;
	_ =	sdelay $0x4  }
0xa7: {  	v8 =	vsub.f32 v9, v8;
	_ =	sdelay $0x1  }
0xa8: {  	v8 =	vmul.f32 v8, v10;
	_ =	sdelay $0x1  }
0xa9: {  	[tilespmem:$0x10470] =	vst v8  }
0xaa: {  	v8 =	vld.idx.msk [tilespmem:v37+s16+$0x0], $0xffff  }
0xab: {  	v9 =	vld.idx.msk [tilespmem:v39+s15+$0x0], $0xffff;
	_ =	sdelay $0x1  }
0xac: {  	v10 =	vld.idx.msk [tilespmem:v38+s16+$0x0], $0xffff;
	_ =	sdelay $0x2  }
0xad: {  	v9 =	vsub.f32 v9, v8;
	_ =	sdelay $0x1  }
0xae: {  	v9 =	vmul.f32 v9, v10;
	_ =	sdelay $0x1  }
0xaf: {  	[tilespmem:$0x10480] =	vst v9  }
0xb0: {  	v9 =	vld.idx.msk [tilespmem:v40+s15+$0x0], $0xffff;
	_ =	sdelay $0x4  }
0xb1: {  	v9 =	vsub.f32 v9, v8;
	_ =	sdelay $0x1  }
0xb2: {  	v9 =	vmul.f32 v9, v10;
	_ =	sdelay $0x1  }
0xb3: {  	[tilespmem:$0x10490] =	vst v9;
	v9 =	vld [tilespmem:$0x1FE70];
	_ =	sdelay $0x7  }
0xb4: {  	v9 =	vld.idx.msk [tilespmem:v9+s15+$0x0], $0xffff;
	_ =	sdelay $0x4  }
0xb5: {  	v9 =	vsub.f32 v9, v8;
	_ =	sdelay $0x1  }
0xb6: {  	v9 =	vmul.f32 v9, v10;
	_ =	sdelay $0x1  }
0xb7: {  	[tilespmem:$0x104A0] =	vst v9;
	v9 =	vld [tilespmem:$0x1FE80];
	_ =	sdelay $0x7  }
0xb8: {  	v9 =	vld.idx.msk [tilespmem:v9+s15+$0x0], $0xffff;
	_ =	sdelay $0x4  }
0xb9: {  	v9 =	vsub.f32 v9, v8;
	_ =	sdelay $0x1  }
0xba: {  	v9 =	vmul.f32 v9, v10;
	_ =	sdelay $0x1  }
0xbb: {  	[tilespmem:$0x104B0] =	vst v9;
	v9 =	vld [tilespmem:$0x1FE90];
	_ =	sdelay $0x7  }
0xbc: {  	v9 =	vld.idx.msk [tilespmem:v9+s15+$0x0], $0xffff;
	_ =	sdelay $0x4  }
0xbd: {  	v9 =	vsub.f32 v9, v8;
	_ =	sdelay $0x1  }
0xbe: {  	v9 =	vmul.f32 v9, v10;
	_ =	sdelay $0x1  }
0xbf: {  	[tilespmem:$0x104C0] =	vst v9;
	v9 =	vld [tilespmem:$0x1FEA0];
	_ =	sdelay $0x7  }
0xc0: {  	v9 =	vld.idx.msk [tilespmem:v9+s15+$0x0], $0xffff;
	_ =	sdelay $0x4  }
0xc1: {  	v9 =	vsub.f32 v9, v8;
	_ =	sdelay $0x1  }
0xc2: {  	v9 =	vmul.f32 v9, v10;
	_ =	sdelay $0x1  }
0xc3: {  	[tilespmem:$0x104D0] =	vst v9;
	v9 =	vld [tilespmem:$0x1FEB0];
	_ =	sdelay $0x7  }
0xc4: {  	v9 =	vld.idx.msk [tilespmem:v9+s15+$0x0], $0xffff;
	_ =	sdelay $0x4  }
0xc5: {  	v9 =	vsub.f32 v9, v8;
	_ =	sdelay $0x1  }
0xc6: {  	v9 =	vmul.f32 v9, v10;
	_ =	sdelay $0x1  }
0xc7: {  	[tilespmem:$0x104E0] =	vst v9;
	v9 =	vld [tilespmem:$0x1FEC0];
	_ =	sdelay $0x7  }
0xc8: {  	v9 =	vld.idx.msk [tilespmem:v9+s15+$0x0], $0xffff;
	_ =	sdelay $0x4  }
0xc9: {  	v8 =	vsub.f32 v9, v8;
	v9 =	vld [tilespmem:$0x1FED0];
	_ =	sdelay $0x1  }
0xca: {  	v8 =	vmul.f32 v8, v10;
	_ =	sdelay $0x1  }
0xcb: {  	[tilespmem:$0x104F0] =	vst v8;
	v8 =	vimm.s32 $0x22;
	_ =	sdelay $0x1  }
0xcc: {  	v10 =	vimm.s32 $0x32;
	_ =	sdelay $0x1  }
0xcd: {  	v9 =	vld.idx.msk [tilespmem:v9+s15+$0x0], $0xffff  }
0xce: {  	v8 =	vld.idx.msk [tilespmem:v8+s16+$0x0], $0xffff;
	_ =	sdelay $0x1  }
0xcf: {  	v10 =	vld.idx.msk [tilespmem:v10+s16+$0x0], $0xffff;
	_ =	sdelay $0x2  }
0xd0: {  	v9 =	vsub.f32 v9, v8;
	_ =	sdelay $0x1  }
0xd1: {  	v9 =	vmul.f32 v9, v10;
	_ =	sdelay $0x1  }
0xd2: {  	[tilespmem:$0x10500] =	vst v9;
	v9 =	vld [tilespmem:$0x1FEE0];
	_ =	sdelay $0x7  }
0xd3: {  	v9 =	vld.idx.msk [tilespmem:v9+s15+$0x0], $0xffff;
	_ =	sdelay $0x4  }
0xd4: {  	v9 =	vsub.f32 v9, v8;
	_ =	sdelay $0x1  }
0xd5: {  	v9 =	vmul.f32 v9, v10;
	_ =	sdelay $0x1  }
0xd6: {  	[tilespmem:$0x10510] =	vst v9;
	v9 =	vld [tilespmem:$0x1FEF0];
	_ =	sdelay $0x7  }
0xd7: {  	v9 =	vld.idx.msk [tilespmem:v9+s15+$0x0], $0xffff;
	_ =	sdelay $0x4  }
0xd8: {  	v9 =	vsub.f32 v9, v8;
	_ =	sdelay $0x1  }
0xd9: {  	v9 =	vmul.f32 v9, v10;
	_ =	sdelay $0x1  }
0xda: {  	[tilespmem:$0x10520] =	vst v9;
	v9 =	vld [tilespmem:$0x1FF00];
	_ =	sdelay $0x7  }
0xdb: {  	v9 =	vld.idx.msk [tilespmem:v9+s15+$0x0], $0xffff;
	_ =	sdelay $0x4  }
0xdc: {  	v9 =	vsub.f32 v9, v8;
	_ =	sdelay $0x1  }
0xdd: {  	v9 =	vmul.f32 v9, v10;
	_ =	sdelay $0x1  }
0xde: {  	[tilespmem:$0x10530] =	vst v9;
	v9 =	vld [tilespmem:$0x1FF10];
	_ =	sdelay $0x7  }
0xdf: {  	v9 =	vld.idx.msk [tilespmem:v9+s15+$0x0], $0xffff;
	_ =	sdelay $0x4  }
0xe0: {  	v9 =	vsub.f32 v9, v8;
	_ =	sdelay $0x1  }
0xe1: {  	v9 =	vmul.f32 v9, v10;
	_ =	sdelay $0x1  }
0xe2: {  	[tilespmem:$0x10540] =	vst v9;
	v9 =	vld [tilespmem:$0x1FF20];
	_ =	sdelay $0x7  }
0xe3: {  	v9 =	vld.idx.msk [tilespmem:v9+s15+$0x0], $0xffff;
	_ =	sdelay $0x4  }
0xe4: {  	v9 =	vsub.f32 v9, v8;
	_ =	sdelay $0x1  }
0xe5: {  	v9 =	vmul.f32 v9, v10;
	_ =	sdelay $0x1  }
0xe6: {  	[tilespmem:$0x10550] =	vst v9;
	v9 =	vld [tilespmem:$0x1FF30];
	_ =	sdelay $0x7  }
0xe7: {  	v9 =	vld.idx.msk [tilespmem:v9+s15+$0x0], $0xffff;
	_ =	sdelay $0x4  }
0xe8: {  	v9 =	vsub.f32 v9, v8;
	_ =	sdelay $0x1  }
0xe9: {  	v9 =	vmul.f32 v9, v10;
	_ =	sdelay $0x1  }
0xea: {  	[tilespmem:$0x10560] =	vst v9;
	v9 =	vld [tilespmem:$0x1FF40];
	_ =	sdelay $0x7  }
0xeb: {  	v9 =	vld.idx.msk [tilespmem:v9+s15+$0x0], $0xffff;
	_ =	sdelay $0x4  }
0xec: {  	v8 =	vsub.f32 v9, v8;
	v9 =	vld [tilespmem:$0x1FF50];
	_ =	sdelay $0x1  }
0xed: {  	v8 =	vmul.f32 v8, v10;
	_ =	sdelay $0x1  }
0xee: {  	[tilespmem:$0x10570] =	vst v8;
	v8 =	vimm.s32 $0x23;
	_ =	sdelay $0x1  }
0xef: {  	v10 =	vimm.s32 $0x33;
	_ =	sdelay $0x1  }
0xf0: {  	v9 =	vld.idx.msk [tilespmem:v9+s15+$0x0], $0xffff  }
0xf1: {  	v8 =	vld.idx.msk [tilespmem:v8+s16+$0x0], $0xffff;
	_ =	sdelay $0x1  }
0xf2: {  	v10 =	vld.idx.msk [tilespmem:v10+s16+$0x0], $0xffff;
	_ =	sdelay $0x2  }
0xf3: {  	v9 =	vsub.f32 v9, v8;
	_ =	sdelay $0x1  }
0xf4: {  	v9 =	vmul.f32 v9, v10;
	_ =	sdelay $0x1  }
0xf5: {  	[tilespmem:$0x10580] =	vst v9;
	v9 =	vld [tilespmem:$0x1FF60];
	_ =	sdelay $0x7  }
0xf6: {  	v9 =	vld.idx.msk [tilespmem:v9+s15+$0x0], $0xffff;
	_ =	sdelay $0x4  }
0xf7: {  	v9 =	vsub.f32 v9, v8;
	_ =	sdelay $0x1  }
0xf8: {  	v9 =	vmul.f32 v9, v10;
	_ =	sdelay $0x1  }
0xf9: {  	[tilespmem:$0x10590] =	vst v9;
	v9 =	vld [tilespmem:$0x1FF70];
	_ =	sdelay $0x7  }
0xfa: {  	v9 =	vld.idx.msk [tilespmem:v9+s15+$0x0], $0xffff;
	_ =	sdelay $0x4  }
0xfb: {  	v9 =	vsub.f32 v9, v8;
	_ =	sdelay $0x1  }
0xfc: {  	v9 =	vmul.f32 v9, v10;
	_ =	sdelay $0x1  }
0xfd: {  	[tilespmem:$0x105A0] =	vst v9;
	v9 =	vld [tilespmem:$0x1FF80];
	_ =	sdelay $0x7  }
0xfe: {  	v9 =	vld.idx.msk [tilespmem:v9+s15+$0x0], $0xffff;
	_ =	sdelay $0x4  }
0xff: {  	v9 =	vsub.f32 v9, v8;
	_ =	sdelay $0x1  }
0x100: {  	v9 =	vmul.f32 v9, v10;
	_ =	sdelay $0x1  }
0x101: {  	[tilespmem:$0x105B0] =	vst v9;
	v9 =	vld [tilespmem:$0x1FF90];
	_ =	sdelay $0x7  }
0x102: {  	v9 =	vld.idx.msk [tilespmem:v9+s15+$0x0], $0xffff;
	_ =	sdelay $0x4  }
0x103: {  	v9 =	vsub.f32 v9, v8;
	_ =	sdelay $0x1  }
0x104: {  	v9 =	vmul.f32 v9, v10;
	_ =	sdelay $0x1  }
0x105: {  	[tilespmem:$0x105C0] =	vst v9;
	v9 =	vld [tilespmem:$0x1FFA0];
	_ =	sdelay $0x7  }
0x106: {  	v9 =	vld.idx.msk [tilespmem:v9+s15+$0x0], $0xffff;
	_ =	sdelay $0x4  }
0x107: {  	v9 =	vsub.f32 v9, v8;
	_ =	sdelay $0x1  }
0x108: {  	v9 =	vmul.f32 v9, v10;
	_ =	sdelay $0x1  }
0x109: {  	[tilespmem:$0x105D0] =	vst v9;
	v9 =	vld [tilespmem:$0x1FFB0];
	_ =	sdelay $0x7  }
0x10a: {  	v9 =	vld.idx.msk [tilespmem:v9+s15+$0x0], $0xffff;
	_ =	sdelay $0x4  }
0x10b: {  	v9 =	vsub.f32 v9, v8;
	_ =	sdelay $0x1  }
0x10c: {  	v9 =	vmul.f32 v9, v10;
	_ =	sdelay $0x1  }
0x10d: {  	[tilespmem:$0x105E0] =	vst v9;
	v9 =	vld [tilespmem:$0x1FFC0];
	_ =	sdelay $0x7  }
0x10e: {  	v9 =	vld.idx.msk [tilespmem:v9+s15+$0x0], $0xffff;
	_ =	sdelay $0x4  }
0x10f: {  	v8 =	vsub.f32 v9, v8;
	v9 =	vld [tilespmem:$0x1FFD0];
	_ =	sdelay $0x1  }
0x110: {  	v8 =	vmul.f32 v8, v10;
	_ =	sdelay $0x1  }
0x111: {  	[tilespmem:$0x105F0] =	vst v8;
	v8 =	vimm.s32 $0x24;
	_ =	sdelay $0x1  }
0x112: {  	v10 =	vimm.s32 $0x34;
	_ =	sdelay $0x1  }
0x113: {  	v9 =	vld.idx.msk [tilespmem:v9+s15+$0x0], $0xffff  }
0x114: {  	v8 =	vld.idx.msk [tilespmem:v8+s16+$0x0], $0xffff;
	_ =	sdelay $0x1  }
0x115: {  	v10 =	vld.idx.msk [tilespmem:v10+s16+$0x0], $0xffff;
	_ =	sdelay $0x2  }
0x116: {  	v9 =	vsub.f32 v9, v8;
	_ =	sdelay $0x1  }
0x117: {  	v9 =	vmul.f32 v9, v10;
	_ =	sdelay $0x1  }
0x118: {  	[tilespmem:$0x10600] =	vst v9;
	v9 =	vld [tilespmem:$0x1FFE0];
	_ =	sdelay $0x7  }
0x119: {  	v9 =	vld.idx.msk [tilespmem:v9+s15+$0x0], $0xffff;
	_ =	sdelay $0x4  }
0x11a: {  	v9 =	vsub.f32 v9, v8;
	_ =	sdelay $0x1  }
0x11b: {  	v9 =	vmul.f32 v9, v10;
	_ =	sdelay $0x1  }
0x11c: {  	[tilespmem:$0x10610] =	vst v9;
	v9 =	vld [tilespmem:$0x1FFF0];
	_ =	sdelay $0x7  }
0x11d: {  	v9 =	vld.idx.msk [tilespmem:v9+s15+$0x0], $0xffff;
	_ =	sdelay $0x4  }
0x11e: {  	v9 =	vsub.f32 v9, v8;
	_ =	sdelay $0x1  }
0x11f: {  	v9 =	vmul.f32 v9, v10;
	_ =	sdelay $0x1  }
0x120: {  	[tilespmem:$0x10620] =	vst v9  }
0x121: {  	v9 =	vld.idx.msk [tilespmem:v47+s15+$0x0], $0xffff;
	_ =	sdelay $0x4  }
0x122: {  	v9 =	vsub.f32 v9, v8;
	_ =	sdelay $0x1  }
0x123: {  	v9 =	vmul.f32 v9, v10;
	_ =	sdelay $0x1  }
0x124: {  	[tilespmem:$0x10630] =	vst v9  }
0x125: {  	v9 =	vld.idx.msk [tilespmem:v48+s15+$0x0], $0xffff;
	_ =	sdelay $0x4  }
0x126: {  	v9 =	vsub.f32 v9, v8;
	_ =	sdelay $0x1  }
0x127: {  	v9 =	vmul.f32 v9, v10;
	_ =	sdelay $0x1  }
0x128: {  	[tilespmem:$0x10640] =	vst v9  }
0x129: {  	v9 =	vld.idx.msk [tilespmem:v49+s15+$0x0], $0xffff;
	_ =	sdelay $0x4  }
0x12a: {  	v9 =	vsub.f32 v9, v8;
	_ =	sdelay $0x1  }
0x12b: {  	v9 =	vmul.f32 v9, v10;
	_ =	sdelay $0x1  }
0x12c: {  	[tilespmem:$0x10650] =	vst v9  }
0x12d: {  	v9 =	vld.idx.msk [tilespmem:v50+s15+$0x0], $0xffff;
	_ =	sdelay $0x4  }
0x12e: {  	v9 =	vsub.f32 v9, v8;
	_ =	sdelay $0x1  }
0x12f: {  	v9 =	vmul.f32 v9, v10;
	_ =	sdelay $0x1  }
0x130: {  	[tilespmem:$0x10660] =	vst v9  }
0x131: {  	v9 =	vld.idx.msk [tilespmem:v51+s15+$0x0], $0xffff;
	_ =	sdelay $0x4  }
0x132: {  	v8 =	vsub.f32 v9, v8;
	_ =	sdelay $0x1  }
0x133: {  	v8 =	vmul.f32 v8, v10;
	_ =	sdelay $0x1  }
0x134: {  	[tilespmem:$0x10670] =	vst v8;
	v8 =	vimm.s32 $0x25;
	_ =	sdelay $0x1  }
0x135: {  	v10 =	vimm.s32 $0x35;
	_ =	sdelay $0x1  }
0x136: {  	v9 =	vld.idx.msk [tilespmem:v54+s15+$0x0], $0xffff  }
0x137: {  	v8 =	vld.idx.msk [tilespmem:v8+s16+$0x0], $0xffff;
	_ =	sdelay $0x1  }
0x138: {  	v13 =	vld.idx.msk [tilespmem:v10+s16+$0x0], $0xffff;
	_ =	sdelay $0x2  }
0x139: {  	v59 =	vor.u32 $0x85, v0;
	v9 =	vsub.f32 v9, v8;
	_ =	sdelay $0x1  }
0x13a: {  	v9 =	vmul.f32 v9, v13;
	_ =	sdelay $0x1  }
0x13b: {  	[tilespmem:$0x10680] =	vst v9  }
0x13c: {  	v9 =	vld.idx.msk [tilespmem:v59+s15+$0x0], $0xffff;
	_ =	sdelay $0x4  }
0x13d: {  	v60 =	vor.u32 $0x105, v0;
	v9 =	vsub.f32 v9, v8;
	_ =	sdelay $0x1  }
0x13e: {  	v9 =	vmul.f32 v9, v13;
	_ =	sdelay $0x1  }
0x13f: {  	[tilespmem:$0x10690] =	vst v9  }
0x140: {  	v9 =	vld.idx.msk [tilespmem:v60+s15+$0x0], $0xffff;
	_ =	sdelay $0x4  }
0x141: {  	v61 =	vor.u32 $0x185, v0;
	v9 =	vsub.f32 v9, v8;
	_ =	sdelay $0x1  }
0x142: {  	v9 =	vmul.f32 v9, v13;
	_ =	sdelay $0x1  }
0x143: {  	[tilespmem:$0x106A0] =	vst v9  }
0x144: {  	v9 =	vld.idx.msk [tilespmem:v61+s15+$0x0], $0xffff;
	_ =	sdelay $0x4  }
0x145: {  	v62 =	vor.u32 $0x205, v0;
	v9 =	vsub.f32 v9, v8;
	_ =	sdelay $0x1  }
0x146: {  	v9 =	vmul.f32 v9, v13;
	_ =	sdelay $0x1  }
0x147: {  	[tilespmem:$0x106B0] =	vst v9  }
0x148: {  	v9 =	vld.idx.msk [tilespmem:v62+s15+$0x0], $0xffff;
	_ =	sdelay $0x4  }
0x149: {  	v63 =	vor.u32 $0x285, v0;
	v9 =	vsub.f32 v9, v8;
	_ =	sdelay $0x1  }
0x14a: {  	v9 =	vmul.f32 v9, v13;
	_ =	sdelay $0x1  }
0x14b: {  	[tilespmem:$0x106C0] =	vst v9  }
0x14c: {  	v9 =	vld.idx.msk [tilespmem:v63+s15+$0x0], $0xffff;
	_ =	sdelay $0x4  }
0x14d: {  	v10 =	vor.u32 $0x305, v0;
	v9 =	vsub.f32 v9, v8;
	_ =	sdelay $0x1  }
0x14e: {  	v9 =	vmul.f32 v9, v13;
	_ =	sdelay $0x1  }
0x14f: {  	[tilespmem:$0x106D0] =	vst v9  }
0x150: {  	v9 =	vld.idx.msk [tilespmem:v10+s15+$0x0], $0xffff;
	_ =	sdelay $0x4  }
0x151: {  	v11 =	vor.u32 $0x385, v0;
	v9 =	vsub.f32 v9, v8;
	_ =	sdelay $0x1  }
0x152: {  	v9 =	vmul.f32 v9, v13;
	_ =	sdelay $0x1  }
0x153: {  	[tilespmem:$0x106E0] =	vst v9  }
0x154: {  	v9 =	vld.idx.msk [tilespmem:v11+s15+$0x0], $0xffff;
	_ =	sdelay $0x4  }
0x155: {  	v8 =	vsub.f32 v9, v8;
	_ =	sdelay $0x1  }
0x156: {  	v8 =	vmul.f32 v8, v13  }
0x157: {  	v12 =	vor.u32 $0x6, v0  }
0x158: {  	[tilespmem:$0x106F0] =	vst v8;
	v8 =	vimm.s32 $0x26;
	_ =	sdelay $0x1  }
0x159: {  	v13 =	vimm.s32 $0x36;
	_ =	sdelay $0x1  }
0x15a: {  	v9 =	vld.idx.msk [tilespmem:v12+s15+$0x0], $0xffff  }
0x15b: {  	v8 =	vld.idx.msk [tilespmem:v8+s16+$0x0], $0xffff;
	_ =	sdelay $0x1  }
0x15c: {  	v14 =	vld.idx.msk [tilespmem:v13+s16+$0x0], $0xffff;
	_ =	sdelay $0x2  }
0x15d: {  	v13 =	vor.u32 $0x86, v0;
	v9 =	vsub.f32 v9, v8;
	_ =	sdelay $0x1  }
0x15e: {  	v9 =	vmul.f32 v9, v14;
	_ =	sdelay $0x1  }
0x15f: {  	[tilespmem:$0x10700] =	vst v9  }
0x160: {  	v9 =	vld.idx.msk [tilespmem:v13+s15+$0x0], $0xffff;
	_ =	sdelay $0x4  }
0x161: {  	v22 =	vor.u32 $0x106, v0;
	v9 =	vsub.f32 v9, v8;
	_ =	sdelay $0x1  }
0x162: {  	v9 =	vmul.f32 v9, v14;
	_ =	sdelay $0x1  }
0x163: {  	[tilespmem:$0x10710] =	vst v9  }
0x164: {  	v9 =	vld.idx.msk [tilespmem:v22+s15+$0x0], $0xffff;
	_ =	sdelay $0x4  }
0x165: {  	v23 =	vor.u32 $0x186, v0;
	v9 =	vsub.f32 v9, v8;
	_ =	sdelay $0x1  }
0x166: {  	v9 =	vmul.f32 v9, v14;
	_ =	sdelay $0x1  }
0x167: {  	[tilespmem:$0x10720] =	vst v9  }
0x168: {  	v9 =	vld.idx.msk [tilespmem:v23+s15+$0x0], $0xffff;
	_ =	sdelay $0x4  }
0x169: {  	v32 =	vor.u32 $0x206, v0;
	v9 =	vsub.f32 v9, v8;
	_ =	sdelay $0x1  }
0x16a: {  	v9 =	vmul.f32 v9, v14;
	_ =	sdelay $0x1  }
0x16b: {  	[tilespmem:$0x10730] =	vst v9  }
0x16c: {  	v9 =	vld.idx.msk [tilespmem:v32+s15+$0x0], $0xffff;
	_ =	sdelay $0x4  }
0x16d: {  	v33 =	vor.u32 $0x286, v0;
	v9 =	vsub.f32 v9, v8;
	_ =	sdelay $0x1  }
0x16e: {  	v9 =	vmul.f32 v9, v14;
	_ =	sdelay $0x1  }
0x16f: {  	[tilespmem:$0x10740] =	vst v9  }
0x170: {  	v9 =	vld.idx.msk [tilespmem:v33+s15+$0x0], $0xffff;
	_ =	sdelay $0x4  }
0x171: {  	v42 =	vor.u32 $0x306, v0;
	v9 =	vsub.f32 v9, v8;
	_ =	sdelay $0x1  }
0x172: {  	v9 =	vmul.f32 v9, v14;
	_ =	sdelay $0x1  }
0x173: {  	[tilespmem:$0x10750] =	vst v9  }
0x174: {  	v9 =	vld.idx.msk [tilespmem:v42+s15+$0x0], $0xffff;
	_ =	sdelay $0x4  }
0x175: {  	v43 =	vor.u32 $0x386, v0;
	v9 =	vsub.f32 v9, v8;
	_ =	sdelay $0x1  }
0x176: {  	v9 =	vmul.f32 v9, v14;
	_ =	sdelay $0x1  }
0x177: {  	[tilespmem:$0x10760] =	vst v9  }
0x178: {  	v9 =	vld.idx.msk [tilespmem:v43+s15+$0x0], $0xffff;
	_ =	sdelay $0x4  }
0x179: {  	v8 =	vsub.f32 v9, v8;
	_ =	sdelay $0x1  }
0x17a: {  	v8 =	vmul.f32 v8, v14;
	_ =	sdelay $0x1  }
0x17b: {  	[tilespmem:$0x10770] =	vst v8;
	v8 =	vimm.s32 $0x27  }
0x17c: {  	v52 =	vor.u32 $0x7, v0;
	_ =	sdelay $0x1  }
0x17d: {  	v9 =	vimm.s32 $0x37;
	_ =	sdelay $0x1  }
0x17e: {  	v14 =	vld.idx.msk [tilespmem:v8+s16+$0x0], $0xffff  }
0x17f: {  	v8 =	vld.idx.msk [tilespmem:v52+s15+$0x0], $0xffff;
	_ =	sdelay $0x1  }
0x180: {  	v15 =	vld.idx.msk [tilespmem:v9+s16+$0x0], $0xffff;
	_ =	sdelay $0x2  }
0x181: {  	v53 =	vor.u32 $0x87, v0;
	v8 =	vsub.f32 v8, v14;
	_ =	sdelay $0x1  }
0x182: {  	v8 =	vmul.f32 v8, v15;
	_ =	sdelay $0x1  }
0x183: {  	[tilespmem:$0x10780] =	vst v8  }
0x184: {  	v8 =	vld.idx.msk [tilespmem:v53+s15+$0x0], $0xffff;
	_ =	sdelay $0x4  }
0x185: {  	v55 =	vor.u32 $0x107, v0;
	v8 =	vsub.f32 v8, v14;
	_ =	sdelay $0x1  }
0x186: {  	v8 =	vmul.f32 v8, v15;
	_ =	sdelay $0x1  }
0x187: {  	[tilespmem:$0x10790] =	vst v8  }
0x188: {  	v8 =	vld.idx.msk [tilespmem:v55+s15+$0x0], $0xffff;
	_ =	sdelay $0x4  }
0x189: {  	v56 =	vor.u32 $0x187, v0;
	v8 =	vsub.f32 v8, v14;
	_ =	sdelay $0x1  }
0x18a: {  	v8 =	vmul.f32 v8, v15;
	_ =	sdelay $0x1  }
0x18b: {  	[tilespmem:$0x107A0] =	vst v8  }
0x18c: {  	v8 =	vld.idx.msk [tilespmem:v56+s15+$0x0], $0xffff;
	_ =	sdelay $0x4  }
0x18d: {  	v57 =	vor.u32 $0x207, v0;
	v8 =	vsub.f32 v8, v14;
	_ =	sdelay $0x1  }
0x18e: {  	v8 =	vmul.f32 v8, v15;
	_ =	sdelay $0x1  }
0x18f: {  	[tilespmem:$0x107B0] =	vst v8  }
0x190: {  	v8 =	vld.idx.msk [tilespmem:v57+s15+$0x0], $0xffff;
	_ =	sdelay $0x4  }
0x191: {  	v58 =	vor.u32 $0x287, v0;
	v8 =	vsub.f32 v8, v14;
	_ =	sdelay $0x1  }
0x192: {  	v8 =	vmul.f32 v8, v15;
	_ =	sdelay $0x1  }
0x193: {  	[tilespmem:$0x107C0] =	vst v8  }
0x194: {  	v8 =	vld.idx.msk [tilespmem:v58+s15+$0x0], $0xffff;
	_ =	sdelay $0x4  }
0x195: {  	v9 =	vsub.f32 v8, v14;
	v8 =	vor.u32 $0x307, v0;
	_ =	sdelay $0x1  }
0x196: {  	v9 =	vmul.f32 v9, v15;
	_ =	sdelay $0x1  }
0x197: {  	[tilespmem:$0x107D0] =	vst v9  }
0x198: {  	v9 =	vld.idx.msk [tilespmem:v8+s15+$0x0], $0xffff;
	_ =	sdelay $0x4  }
0x199: {  	v16 =	vsub.f32 v9, v14;
	v9 =	vor.u32 $0x387, v0;
	_ =	sdelay $0x1  }
0x19a: {  	v16 =	vmul.f32 v16, v15;
	_ =	sdelay $0x1  }
0x19b: {  	[tilespmem:$0x107E0] =	vst v16  }
0x19c: {  	v16 =	vld.idx.msk [tilespmem:v9+s15+$0x0], $0xffff;
	_ =	sdelay $0x4  }
0x19d: {  	v14 =	vsub.f32 v16, v14;
	_ =	sdelay $0x1  }
0x19e: {  	s25 =	sadd.s32 s5, s25;
	v14 =	vmul.f32 v14, v15  }
0x19f: {  	p1 =	seq.s32 s23, $0x1F;
	s25 =	sshll.u32 s25, $0x7  }
0x1a0: {  	s25 =	sadd.s32 s3, s25;
	s26 =	smul.u32 @!p1 $0x680, s23;
	[tilespmem:$0x107F0] =	vst v14  }
0x1a1: {  	[hbm4b:s25+s4] =	stream.linear.scatter [tilespmem:s17], [sflag:$0x3], $0x400, $0x38;
	[tilespmem:$0x11080] =	vst v63  }
0x1a2: {  	s25 =	sshra.s32 @!p1 s26, $0x2  }
0x1a3: {  	s28 =	simm.s32 @!p1 $0x68;
	s29 =	simm.s32 @!p1 $0x3400;
	s26 =	sadd.s32 @!p1 $0x1A0, s25  }
0x1a4: {  	[tilespmem:s29], [sflag:$0x1] =	stream.indirect.gather @!p1 [hbm4b:s0+s28], $0x80, s26, s28, $0xb8;
	[tilespmem:$0x11080] =	vst v63  }
0x1a5: {  	s25 =	sadd.s32 @!p1 $0x208, s25;
	s26 =	simm.s32 @!p1 $0x6800  }
0x1a6: {  	[tilespmem:s26], [sflag:$0x1] =	stream.indirect.gather @!p1 [hbm4b:s0+s28], $0x80, s25, s28, $0xb8;
	[tilespmem:$0x11080] =	vst v63  }
0x1a7: {  	_ =	swait.ge [sflag:s18], $0x3400  }
0x1a8: {  	[sflag:s18] =	ssyncset.done $0x0  }
0x1a9: {  	[sflag:s18] =	ssyncadd.s32 $0xFFFFCC00  }
0x1aa: {  	_ =	swait.ge [sflag:s18], $0x3400  }
0x1ab: {  	[sflag:s18] =	ssyncset.done $0x0  }
0x1ac: {  	v41 =	vmovc v31;
	v44 =	vmov v34;
	v45 =	vmov v39;
	v46 =	vmov v40;
	s25 =	simm.s32 $0x0;
	s26 =	simm.s32 $0x9C40;
	[sflag:s18] =	ssyncadd.s32 $0xFFFFCC00  }
.LBB2_9:
0x1ad: {  	v15 =	vmov s26;
	_ =	sdelay $0x3  }
0x1ae: {  	s30 =	simm.s32 $0x0  }
0x1af: {  	v14 =	vld.idx.msk [tilespmem:v15+s30+$0x30 ss:$0x1], $0xffff  }
0x1b0: {  	v17 =	vld.idx.msk [tilespmem:v15+s30+$0xFFFFFFC0 ss:$0x1], $0xffff  }
0x1b1: {  	v29 =	vld.idx.msk [tilespmem:v15+s30+$0xFFFFFFD0 ss:$0x1], $0xffff  }
0x1b2: {  	v28 =	vld.idx.msk [tilespmem:v15+s30+$0xFFFFFFE0 ss:$0x1], $0xffff  }
0x1b3: {  	v21 =	vld.idx.msk [tilespmem:v15+s30+$0xFFFFFFF0 ss:$0x1], $0xffff  }
0x1b4: {  	v25 =	vimm.f32 $0.0e+00;
	v30 =	vimm.f32 $0.0e+00;
	v18 =	vld.idx.msk [tilespmem:v15+s30+$0x0 ss:$0x1], $0xffff  }
0x1b5: {  	v26 =	vimm.f32 $0.0e+00;
	v24 =	vimm.f32 $0.0e+00;
	v19 =	vimm.f32 $0.0e+00;
	v16 =	vld.idx.msk [tilespmem:v15+s30+$0x10 ss:$0x1], $0xffff  }
0x1b6: {  	s28 =	simm.s32 $0x80;
	s29 =	simm.s32 $0x400;
	v20 =	vld.idx.msk [tilespmem:v15+s30+$0x20 ss:$0x1], $0xffff;
	v14 =	vadd.f32 v14, v25;
	v27 =	vadd.f32 v17, v25;
	v17 =	vimm.f32 $0.0e+00  }
.LBB2_10:
0x1b7: {  	p1 =	sne.s32 s29, $0x3200;
	v31 =	vld.idx.msk [tilespmem:v15+s28+$0x30 ss:$0x1], $0xffff;
	v25 =	vadd.f32 v29, v25  }
0x1b8: {  	v30 =	vadd.f32 v28, v30;
	v34 =	vld.idx.msk [tilespmem:v15+s28+$0xFFFFFFC0 ss:$0x1], $0xffff  }
0x1b9: {  	v26 =	vadd.f32 v21, v26;
	v29 =	vld.idx.msk [tilespmem:v15+s28+$0xFFFFFFD0 ss:$0x1], $0xffff  }
.Ltmp3:
0x1ba: {  	v24 =	vadd.f32 v18, v24;
	v28 =	vld.idx.msk [tilespmem:v15+s28+$0xFFFFFFE0 ss:$0x1], $0xffff;
	(pc) =	sbr.rel @p1 .LBB2_10-.Ltmp3, $4  }
0x1bb: {  	v19 =	vadd.f32 v16, v19;
	v21 =	vld.idx.msk [tilespmem:v15+s28+$0xFFFFFFF0 ss:$0x1], $0xffff  }
0x1bc: {  	v17 =	vadd.f32 v20, v17;
	v18 =	vld.idx.msk [tilespmem:v15+s28+$0x0 ss:$0x1], $0xffff  }
0x1bd: {  	v14 =	vadd.f32 v31, v14;
	v16 =	vld.idx.msk [tilespmem:v15+s28+$0x10 ss:$0x1], $0xffff  }
0x1be: {  	v27 =	vadd.f32 v34, v27;
	v20 =	vld.idx.msk [tilespmem:v15+s28+$0x20 ss:$0x1], $0xffff;
	s28 =	sshra.s32 s29, $0x2;
	s29 =	sadd.s32 $0x200, s29  }
0x1bf: {  	_ =	sdelay $0x3  }
0x1c0: {  	v31 =	vld.idx.msk [tilespmem:v15+s28+$0x30 ss:$0x1], $0xffff  }
0x1c1: {  	v34 =	vld.idx.msk [tilespmem:v15+s28+$0xFFFFFFC0 ss:$0x1], $0xffff  }
0x1c2: {  	v35 =	vld.idx.msk [tilespmem:v15+s28+$0xFFFFFFD0 ss:$0x1], $0xffff  }
0x1c3: {  	v36 =	vld.idx.msk [tilespmem:v15+s28+$0xFFFFFFE0 ss:$0x1], $0xffff;
	v37 =	vor.u32 s25, v0  }
0x1c4: {  	v38 =	vld.idx.msk [tilespmem:v15+s28+$0xFFFFFFF0 ss:$0x1], $0xffff;
	v39 =	vor.u32 s25, v1;
	v25 =	vadd.f32 v29, v25  }
0x1c5: {  	v29 =	vld.idx.msk [tilespmem:v15+s28+$0x0 ss:$0x1], $0xffff;
	v40 =	vor.u32 s25, v2;
	v28 =	vadd.f32 v28, v30;
	v21 =	vadd.f32 v21, v26  }
0x1c6: {  	v30 =	vld.idx.msk [tilespmem:v15+s28+$0x10 ss:$0x1], $0xffff;
	v18 =	vadd.f32 v18, v24;
	v27 =	vadd.f32 v34, v27;
	v34 =	vor.u32 s25, v3  }
0x1c7: {  	v15 =	vld.idx.msk [tilespmem:v15+s28+$0x20 ss:$0x1], $0xffff;
	v16 =	vadd.f32 v16, v19;
	v25 =	vadd.f32 v35, v25;
	v35 =	vor.u32 s25, v4  }
0x1c8: {  	v17 =	vadd.f32 v20, v17;
	v36 =	vadd.f32 v36, v28;
	[tilespmem:v37+s15+$0x0] =	vst.idx.msk $0xffff, v27;
	v37 =	vor.u32 s25, v5  }
0x1c9: {  	v20 =	vor.u32 s25, v7;
	[tilespmem:v39+s15+$0x0] =	vst.idx.msk $0xffff, v25;
	v39 =	vadd.f32 v38, v21;
	v21 =	vor.u32 s25, v6;
	s25 =	sadd.s32 $0x1, s25  }
0x1ca: {  	v18 =	vadd.f32 v29, v18;
	[tilespmem:v40+s15+$0x0] =	vst.idx.msk $0xffff, v36;
	p1 =	sne.s32 s25, $0x8  }
.Ltmp4:
0x1cb: {  	v16 =	vadd.f32 v30, v16;
	[tilespmem:v34+s15+$0x0] =	vst.idx.msk $0xffff, v39;
	(pc) =	sbr.rel @p1 .LBB2_9-.Ltmp4, $4  }
0x1cc: {  	v15 =	vadd.f32 v15, v17;
	[tilespmem:v35+s15+$0x0] =	vst.idx.msk $0xffff, v18  }
0x1cd: {  	v14 =	vadd.f32 v31, v14;
	[tilespmem:v37+s15+$0x0] =	vst.idx.msk $0xffff, v16  }
0x1ce: {  	[tilespmem:v21+s15+$0x0] =	vst.idx.msk $0xffff, v15  }
0x1cf: {  	s26 =	sadd.s32 $0xD00, s26;
	[tilespmem:v20+s15+$0x0] =	vst.idx.msk $0xffff, v14  }
0x1d0: {  	s26 =	simm.s32 $0x10C20  }
0x1d1: {  	v17 =	vld [tilespmem:s26+$0xFFFFFFE0];
	_ =	sdelay $0x1  }
0x1d2: {  	v15 =	vld [tilespmem:s26+$0xFFFFFFF0];
	_ =	sdelay $0x1  }
0x1d3: {  	v16 =	vld [tilespmem:s26+$0x0]  }
0x1d4: {  	v18 =	vmul.f32 v17, v17  }
0x1d5: {  	v19 =	vimm.f32 $0.0e+00;
	v14 =	vld [tilespmem:s26+$0x10]  }
0x1d6: {  	s25 =	simm.s32 $0x0;
	s26 =	simm.s32 $0x10C60;
	v17 =	vadd.f32 v17, v19;
	v18 =	vadd.f32 v18, v19;
	v19 =	vmul.f32 v15, v15  }
.LBB2_13:
0x1d7: {  	v20 =	vld [tilespmem:s26+$0xFFFFFFE0];
	s25 =	sadd.s32 $0x4, s25  }
0x1d8: {  	p1 =	slt.u32 s25, $0x3C;
	v17 =	vadd.f32 v15, v17;
	v18 =	vadd.f32 v19, v18;
	v19 =	vmul.f32 v16, v16  }
0x1d9: {  	v15 =	vld [tilespmem:s26+$0xFFFFFFF0]  }
.Ltmp5:
0x1da: {  	v17 =	vadd.f32 v16, v17;
	v18 =	vadd.f32 v19, v18;
	v19 =	vmul.f32 v14, v14;
	(pc) =	sbr.rel @p1 .LBB2_13-.Ltmp5, $4  }
0x1db: {  	v16 =	vld [tilespmem:s26+$0x0]  }
0x1dc: {  	v21 =	vmul.f32 v20, v20;
	v17 =	vadd.f32 v14, v17;
	v18 =	vadd.f32 v19, v18  }
0x1dd: {  	v14 =	vld [tilespmem:s26+$0x10]  }
0x1de: {  	s26 =	sadd.s32 $0x40, s26;
	v17 =	vadd.f32 v20, v17;
	v18 =	vadd.f32 v21, v18;
	v19 =	vmul.f32 v15, v15  }
0x1df: {  	_ = 	snop  }
0x1e0: {  	v15 =	vadd.f32 v15, v17  }
0x1e1: {  	v35 =	vadd.f32 v19, v18;
	v36 =	vmul.f32 v16, v16  }
0x1e2: {  	v15 =	vadd.f32 v16, v15  }
0x1e3: {  	v37 =	vadd.f32 v36, v35;
	v38 =	vmul.f32 v14, v14  }
0x1e4: {  	v39 =	vadd.f32 v14, v15  }
0x1e5: {  	v40 =	vadd.f32 v38, v37  }
0x1e6: {  	[tilespmem:$0x11000] =	vst v39  }
0x1e7: {  	[tilespmem:$0x11010] =	vst v40  }
0x1e8: {  	v20 =	vld.idx.msk [tilespmem:v41+s16+$0x0], $0xffff;
	_ =	sdelay $0x1  }
0x1e9: {  	v21 =	vld.idx.msk [tilespmem:v44+s16+$0x0], $0xffff;
	_ =	sdelay $0x2  }
0x1ea: {  	v14 =	vadd.f32 v20, v39;
	_ =	sdelay $0x1  }
0x1eb: {  	v15 =	vadd.f32 v21, v40;
	v14 =	vmul.f32 $7.812500000e-03, v14;
	_ =	sdelay $0x1  }
0x1ec: {  	v15 =	vmul.f32 $7.812500000e-03, v15;
	v24 =	vmul.f32 v14, v14;
	_ =	sdelay $0x1  }
0x1ed: {  	v15 =	vsub.f32 v15, v24;
	_ =	sdelay $0x1  }
0x1ee: {  	v15 =	vadd.f32 $9.999999740e-06, v15;
	_ =	sdelay $0x1  }
0x1ef: {  	v25 =	vshrl.u32 v15, $0x1;
	v15 =	vmul.f32 $5.000000000e-01, v15  }
0x1f0: {  	v16 =	vsub.s32 $0x5F3759DF, v25  }
0x1f1: {  	v26 =	vmul.f32 v16, v15;
	_ =	sdelay $0x1  }
0x1f2: {  	v17 =	vmul.f32 v16, v26;
	_ =	sdelay $0x1  }
0x1f3: {  	v17 =	vsub.f32 $1.500000000e+00, v17;
	_ =	sdelay $0x1  }
0x1f4: {  	v16 =	vmul.f32 v16, v17;
	_ =	sdelay $0x1  }
0x1f5: {  	v17 =	vmul.f32 v16, v15;
	_ =	sdelay $0x1  }
0x1f6: {  	v17 =	vmul.f32 v17, v16;
	_ =	sdelay $0x1  }
0x1f7: {  	v17 =	vsub.f32 $1.500000000e+00, v17;
	_ =	sdelay $0x1  }
0x1f8: {  	v16 =	vmul.f32 v17, v16;
	_ =	sdelay $0x1  }
0x1f9: {  	v15 =	vmul.f32 v16, v15;
	_ =	sdelay $0x1  }
0x1fa: {  	v15 =	vmul.f32 v15, v16;
	_ =	sdelay $0x1  }
0x1fb: {  	v15 =	vsub.f32 $1.500000000e+00, v15;
	_ =	sdelay $0x1  }
0x1fc: {  	v15 =	vmul.f32 v15, v16  }
0x1fd: {  	v35 =	vimm.s32 $0x20;
	[tilespmem:$0x11020] =	vst v14  }
0x1fe: {  	s25 =	simm.s32 @!p0 $0x4;
	[tilespmem:$0x11030] =	vst v15  }
0x1ff: {  	_ =	swait.ge @!p0 [sflag:s25], $0x400  }
0x200: {  	v36 =	vimm.s32 $0x30;
	[sflag:s25] =	ssyncset.done @!p0 $0x0  }
0x201: {  	[sflag:s25] =	ssyncadd.s32 @!p0 $0xFFFFFC00  }
0x202: {  	v27 =	vld.idx.msk [tilespmem:v35+s16+$0x0], $0xffff  }
0x203: {  	v40 =	vld.idx.msk [tilespmem:v0+s15+$0x0], $0xffff;
	_ =	sdelay $0x1  }
0x204: {  	v31 =	vmov v41;
	v41 =	vld.idx.msk [tilespmem:v36+s16+$0x0], $0xffff;
	_ =	sdelay $0x2  }
0x205: {  	v15 =	vsub.f32 v40, v27;
	_ =	sdelay $0x1  }
0x206: {  	v15 =	vmul.f32 v15, v41;
	_ =	sdelay $0x1  }
0x207: {  	[tilespmem:$0x10800] =	vst v15  }
0x208: {  	v15 =	vld.idx.msk [tilespmem:v1+s15+$0x0], $0xffff;
	_ =	sdelay $0x4  }
0x209: {  	v15 =	vsub.f32 v15, v27;
	_ =	sdelay $0x1  }
0x20a: {  	v15 =	vmul.f32 v15, v41;
	_ =	sdelay $0x1  }
0x20b: {  	[tilespmem:$0x10810] =	vst v15  }
0x20c: {  	v15 =	vld.idx.msk [tilespmem:v2+s15+$0x0], $0xffff;
	_ =	sdelay $0x4  }
0x20d: {  	v15 =	vsub.f32 v15, v27;
	_ =	sdelay $0x1  }
0x20e: {  	v15 =	vmul.f32 v15, v41;
	_ =	sdelay $0x1  }
0x20f: {  	[tilespmem:$0x10820] =	vst v15  }
0x210: {  	v15 =	vld.idx.msk [tilespmem:v3+s15+$0x0], $0xffff;
	_ =	sdelay $0x4  }
0x211: {  	v15 =	vsub.f32 v15, v27;
	_ =	sdelay $0x1  }
0x212: {  	v15 =	vmul.f32 v15, v41;
	_ =	sdelay $0x1  }
0x213: {  	[tilespmem:$0x10830] =	vst v15  }
0x214: {  	v15 =	vld.idx.msk [tilespmem:v4+s15+$0x0], $0xffff;
	_ =	sdelay $0x4  }
0x215: {  	v15 =	vsub.f32 v15, v27;
	_ =	sdelay $0x1  }
0x216: {  	v15 =	vmul.f32 v15, v41;
	_ =	sdelay $0x1  }
0x217: {  	[tilespmem:$0x10840] =	vst v15  }
0x218: {  	v15 =	vld.idx.msk [tilespmem:v5+s15+$0x0], $0xffff;
	_ =	sdelay $0x4  }
0x219: {  	v15 =	vsub.f32 v15, v27;
	_ =	sdelay $0x1  }
0x21a: {  	v15 =	vmul.f32 v15, v41;
	_ =	sdelay $0x1  }
0x21b: {  	[tilespmem:$0x10850] =	vst v15  }
0x21c: {  	v15 =	vld.idx.msk [tilespmem:v6+s15+$0x0], $0xffff;
	_ =	sdelay $0x4  }
0x21d: {  	v15 =	vsub.f32 v15, v27;
	_ =	sdelay $0x1  }
0x21e: {  	v15 =	vmul.f32 v15, v41;
	_ =	sdelay $0x1  }
0x21f: {  	[tilespmem:$0x10860] =	vst v15  }
0x220: {  	v15 =	vld.idx.msk [tilespmem:v7+s15+$0x0], $0xffff;
	_ =	sdelay $0x4  }
0x221: {  	v37 =	vimm.s32 $0x21;
	v14 =	vsub.f32 v15, v27;
	_ =	sdelay $0x1  }
0x222: {  	v14 =	vmul.f32 v14, v41  }
0x223: {  	v38 =	vimm.s32 $0x31  }
0x224: {  	[tilespmem:$0x10870] =	vst v14  }
0x225: {  	v14 =	vld.idx.msk [tilespmem:v37+s16+$0x0], $0xffff  }
0x226: {  	v34 =	vmov v44;
	v44 =	vld.idx.msk [tilespmem:v45+s15+$0x0], $0xffff;
	_ =	sdelay $0x1  }
0x227: {  	v39 =	vmov v45;
	v45 =	vld.idx.msk [tilespmem:v38+s16+$0x0], $0xffff;
	_ =	sdelay $0x2  }
0x228: {  	v15 =	vsub.f32 v44, v14;
	_ =	sdelay $0x1  }
0x229: {  	v15 =	vmul.f32 v15, v45;
	_ =	sdelay $0x1  }
0x22a: {  	[tilespmem:$0x10880] =	vst v15  }
0x22b: {  	v15 =	vld.idx.msk [tilespmem:v46+s15+$0x0], $0xffff;
	_ =	sdelay $0x1  }
0x22c: {  	v19 =	vld [tilespmem:$0x1FE70];
	_ =	sdelay $0x2  }
0x22d: {  	v15 =	vsub.f32 v15, v14;
	_ =	sdelay $0x1  }
0x22e: {  	v15 =	vmul.f32 v15, v45;
	_ =	sdelay $0x1  }
0x22f: {  	[tilespmem:$0x10890] =	vst v15  }
0x230: {  	v15 =	vld.idx.msk [tilespmem:v19+s15+$0x0], $0xffff;
	_ =	sdelay $0x1  }
0x231: {  	v20 =	vld [tilespmem:$0x1FE80];
	_ =	sdelay $0x2  }
0x232: {  	v15 =	vsub.f32 v15, v14;
	_ =	sdelay $0x1  }
0x233: {  	v15 =	vmul.f32 v15, v45;
	_ =	sdelay $0x1  }
0x234: {  	[tilespmem:$0x108A0] =	vst v15  }
0x235: {  	v15 =	vld.idx.msk [tilespmem:v20+s15+$0x0], $0xffff;
	_ =	sdelay $0x1  }
0x236: {  	v21 =	vld [tilespmem:$0x1FE90];
	_ =	sdelay $0x2  }
0x237: {  	v15 =	vsub.f32 v15, v14;
	_ =	sdelay $0x1  }
0x238: {  	v15 =	vmul.f32 v15, v45;
	_ =	sdelay $0x1  }
0x239: {  	[tilespmem:$0x108B0] =	vst v15  }
0x23a: {  	v15 =	vld.idx.msk [tilespmem:v21+s15+$0x0], $0xffff;
	_ =	sdelay $0x1  }
0x23b: {  	v24 =	vld [tilespmem:$0x1FEA0];
	_ =	sdelay $0x2  }
0x23c: {  	v15 =	vsub.f32 v15, v14;
	_ =	sdelay $0x1  }
0x23d: {  	v15 =	vmul.f32 v15, v45;
	_ =	sdelay $0x1  }
0x23e: {  	[tilespmem:$0x108C0] =	vst v15  }
0x23f: {  	v15 =	vld.idx.msk [tilespmem:v24+s15+$0x0], $0xffff;
	_ =	sdelay $0x1  }
0x240: {  	v25 =	vld [tilespmem:$0x1FEB0];
	_ =	sdelay $0x2  }
0x241: {  	v15 =	vsub.f32 v15, v14;
	_ =	sdelay $0x1  }
0x242: {  	v15 =	vmul.f32 v15, v45;
	_ =	sdelay $0x1  }
0x243: {  	[tilespmem:$0x108D0] =	vst v15  }
0x244: {  	v15 =	vld.idx.msk [tilespmem:v25+s15+$0x0], $0xffff;
	_ =	sdelay $0x1  }
0x245: {  	v26 =	vld [tilespmem:$0x1FEC0];
	_ =	sdelay $0x2  }
0x246: {  	v15 =	vsub.f32 v15, v14;
	_ =	sdelay $0x1  }
0x247: {  	v15 =	vmul.f32 v15, v45;
	_ =	sdelay $0x1  }
0x248: {  	[tilespmem:$0x108E0] =	vst v15  }
0x249: {  	v15 =	vld.idx.msk [tilespmem:v26+s15+$0x0], $0xffff;
	_ =	sdelay $0x2  }
0x24a: {  	v41 =	vld [tilespmem:$0x1FED0];
	_ =	sdelay $0x1  }
0x24b: {  	v27 =	vimm.s32 $0x22;
	v14 =	vsub.f32 v15, v14;
	_ =	sdelay $0x1  }
0x24c: {  	v14 =	vmul.f32 v14, v45  }
0x24d: {  	v44 =	vimm.s32 $0x32  }
0x24e: {  	[tilespmem:$0x108F0] =	vst v14  }
0x24f: {  	v14 =	vld.idx.msk [tilespmem:v27+s16+$0x0], $0xffff  }
0x250: {  	v15 =	vld.idx.msk [tilespmem:v41+s15+$0x0], $0xffff  }
0x251: {  	v45 =	vld [tilespmem:$0x1FEE0]  }
0x252: {  	v16 =	vld.idx.msk [tilespmem:v44+s16+$0x0], $0xffff;
	_ =	sdelay $0x2  }
0x253: {  	v15 =	vsub.f32 v15, v14;
	_ =	sdelay $0x1  }
0x254: {  	v15 =	vmul.f32 v15, v16;
	_ =	sdelay $0x1  }
0x255: {  	[tilespmem:$0x10900] =	vst v15  }
0x256: {  	v15 =	vld.idx.msk [tilespmem:v45+s15+$0x0], $0xffff;
	_ =	sdelay $0x1  }
0x257: {  	v40 =	vmov v46;
	v46 =	vld [tilespmem:$0x1FEF0];
	_ =	sdelay $0x2  }
0x258: {  	v15 =	vsub.f32 v15, v14;
	_ =	sdelay $0x1  }
0x259: {  	v15 =	vmul.f32 v15, v16;
	_ =	sdelay $0x1  }
0x25a: {  	[tilespmem:$0x10910] =	vst v15  }
0x25b: {  	v15 =	vld.idx.msk [tilespmem:v46+s15+$0x0], $0xffff;
	_ =	sdelay $0x1  }
0x25c: {  	v18 =	vld [tilespmem:$0x1FF00];
	_ =	sdelay $0x2  }
0x25d: {  	v15 =	vsub.f32 v15, v14;
	_ =	sdelay $0x1  }
0x25e: {  	v15 =	vmul.f32 v15, v16;
	_ =	sdelay $0x1  }
0x25f: {  	[tilespmem:$0x10920] =	vst v15  }
0x260: {  	v15 =	vld.idx.msk [tilespmem:v18+s15+$0x0], $0xffff;
	_ =	sdelay $0x1  }
0x261: {  	v19 =	vld [tilespmem:$0x1FF10];
	_ =	sdelay $0x2  }
0x262: {  	v15 =	vsub.f32 v15, v14;
	_ =	sdelay $0x1  }
0x263: {  	v15 =	vmul.f32 v15, v16;
	_ =	sdelay $0x1  }
0x264: {  	[tilespmem:$0x10930] =	vst v15  }
0x265: {  	v15 =	vld.idx.msk [tilespmem:v19+s15+$0x0], $0xffff;
	_ =	sdelay $0x1  }
0x266: {  	v20 =	vld [tilespmem:$0x1FF20];
	_ =	sdelay $0x2  }
0x267: {  	v15 =	vsub.f32 v15, v14;
	_ =	sdelay $0x1  }
0x268: {  	v15 =	vmul.f32 v15, v16;
	_ =	sdelay $0x1  }
0x269: {  	[tilespmem:$0x10940] =	vst v15  }
0x26a: {  	v15 =	vld.idx.msk [tilespmem:v20+s15+$0x0], $0xffff;
	_ =	sdelay $0x1  }
0x26b: {  	v21 =	vld [tilespmem:$0x1FF30];
	_ =	sdelay $0x2  }
0x26c: {  	v15 =	vsub.f32 v15, v14;
	_ =	sdelay $0x1  }
0x26d: {  	v15 =	vmul.f32 v15, v16;
	_ =	sdelay $0x1  }
0x26e: {  	[tilespmem:$0x10950] =	vst v15  }
0x26f: {  	v15 =	vld.idx.msk [tilespmem:v21+s15+$0x0], $0xffff;
	_ =	sdelay $0x1  }
0x270: {  	v24 =	vld [tilespmem:$0x1FF40];
	_ =	sdelay $0x2  }
0x271: {  	v15 =	vsub.f32 v15, v14;
	_ =	sdelay $0x1  }
0x272: {  	v15 =	vmul.f32 v15, v16;
	_ =	sdelay $0x1  }
0x273: {  	[tilespmem:$0x10960] =	vst v15  }
0x274: {  	v15 =	vld.idx.msk [tilespmem:v24+s15+$0x0], $0xffff;
	_ =	sdelay $0x2  }
0x275: {  	v26 =	vld [tilespmem:$0x1FF50];
	_ =	sdelay $0x1  }
0x276: {  	v25 =	vimm.s32 $0x23;
	v14 =	vsub.f32 v15, v14;
	_ =	sdelay $0x1  }
0x277: {  	v14 =	vmul.f32 v14, v16  }
0x278: {  	v27 =	vimm.s32 $0x33  }
0x279: {  	[tilespmem:$0x10970] =	vst v14  }
0x27a: {  	v14 =	vld.idx.msk [tilespmem:v25+s16+$0x0], $0xffff  }
0x27b: {  	v15 =	vld.idx.msk [tilespmem:v26+s15+$0x0], $0xffff  }
0x27c: {  	v41 =	vld [tilespmem:$0x1FF60]  }
0x27d: {  	v16 =	vld.idx.msk [tilespmem:v27+s16+$0x0], $0xffff;
	_ =	sdelay $0x2  }
0x27e: {  	v15 =	vsub.f32 v15, v14;
	_ =	sdelay $0x1  }
0x27f: {  	v15 =	vmul.f32 v15, v16;
	_ =	sdelay $0x1  }
0x280: {  	[tilespmem:$0x10980] =	vst v15  }
0x281: {  	v15 =	vld.idx.msk [tilespmem:v41+s15+$0x0], $0xffff;
	_ =	sdelay $0x1  }
0x282: {  	v44 =	vld [tilespmem:$0x1FF70];
	_ =	sdelay $0x2  }
0x283: {  	v15 =	vsub.f32 v15, v14;
	_ =	sdelay $0x1  }
0x284: {  	v15 =	vmul.f32 v15, v16;
	_ =	sdelay $0x1  }
0x285: {  	[tilespmem:$0x10990] =	vst v15  }
0x286: {  	v15 =	vld.idx.msk [tilespmem:v44+s15+$0x0], $0xffff;
	_ =	sdelay $0x1  }
0x287: {  	v45 =	vld [tilespmem:$0x1FF80];
	_ =	sdelay $0x2  }
0x288: {  	v15 =	vsub.f32 v15, v14;
	_ =	sdelay $0x1  }
0x289: {  	v15 =	vmul.f32 v15, v16;
	_ =	sdelay $0x1  }
0x28a: {  	[tilespmem:$0x109A0] =	vst v15  }
0x28b: {  	v15 =	vld.idx.msk [tilespmem:v45+s15+$0x0], $0xffff;
	_ =	sdelay $0x1  }
0x28c: {  	v46 =	vld [tilespmem:$0x1FF90];
	_ =	sdelay $0x2  }
0x28d: {  	v15 =	vsub.f32 v15, v14;
	_ =	sdelay $0x1  }
0x28e: {  	v15 =	vmul.f32 v15, v16;
	_ =	sdelay $0x1  }
0x28f: {  	[tilespmem:$0x109B0] =	vst v15  }
0x290: {  	v15 =	vld.idx.msk [tilespmem:v46+s15+$0x0], $0xffff;
	_ =	sdelay $0x1  }
0x291: {  	v18 =	vld [tilespmem:$0x1FFA0];
	_ =	sdelay $0x2  }
0x292: {  	v15 =	vsub.f32 v15, v14;
	_ =	sdelay $0x1  }
0x293: {  	v15 =	vmul.f32 v15, v16;
	_ =	sdelay $0x1  }
0x294: {  	[tilespmem:$0x109C0] =	vst v15  }
0x295: {  	v15 =	vld.idx.msk [tilespmem:v18+s15+$0x0], $0xffff;
	_ =	sdelay $0x1  }
0x296: {  	v19 =	vld [tilespmem:$0x1FFB0];
	_ =	sdelay $0x2  }
0x297: {  	v15 =	vsub.f32 v15, v14;
	_ =	sdelay $0x1  }
0x298: {  	v15 =	vmul.f32 v15, v16;
	_ =	sdelay $0x1  }
0x299: {  	[tilespmem:$0x109D0] =	vst v15  }
0x29a: {  	v15 =	vld.idx.msk [tilespmem:v19+s15+$0x0], $0xffff;
	_ =	sdelay $0x1  }
0x29b: {  	v20 =	vld [tilespmem:$0x1FFC0];
	_ =	sdelay $0x2  }
0x29c: {  	v15 =	vsub.f32 v15, v14;
	_ =	sdelay $0x1  }
0x29d: {  	v15 =	vmul.f32 v15, v16;
	_ =	sdelay $0x1  }
0x29e: {  	[tilespmem:$0x109E0] =	vst v15  }
0x29f: {  	v15 =	vld.idx.msk [tilespmem:v20+s15+$0x0], $0xffff;
	_ =	sdelay $0x2  }
0x2a0: {  	v24 =	vld [tilespmem:$0x1FFD0];
	_ =	sdelay $0x1  }
0x2a1: {  	v21 =	vimm.s32 $0x24;
	v14 =	vsub.f32 v15, v14;
	_ =	sdelay $0x1  }
0x2a2: {  	v14 =	vmul.f32 v14, v16  }
0x2a3: {  	v25 =	vimm.s32 $0x34  }
0x2a4: {  	[tilespmem:$0x109F0] =	vst v14  }
0x2a5: {  	v14 =	vld.idx.msk [tilespmem:v21+s16+$0x0], $0xffff  }
0x2a6: {  	v15 =	vld.idx.msk [tilespmem:v24+s15+$0x0], $0xffff  }
0x2a7: {  	v26 =	vld [tilespmem:$0x1FFE0]  }
0x2a8: {  	v16 =	vld.idx.msk [tilespmem:v25+s16+$0x0], $0xffff;
	_ =	sdelay $0x2  }
0x2a9: {  	v15 =	vsub.f32 v15, v14;
	_ =	sdelay $0x1  }
0x2aa: {  	v15 =	vmul.f32 v15, v16;
	_ =	sdelay $0x1  }
0x2ab: {  	[tilespmem:$0x10A00] =	vst v15  }
0x2ac: {  	v15 =	vld.idx.msk [tilespmem:v26+s15+$0x0], $0xffff;
	_ =	sdelay $0x1  }
0x2ad: {  	v27 =	vld [tilespmem:$0x1FFF0];
	_ =	sdelay $0x2  }
0x2ae: {  	v15 =	vsub.f32 v15, v14;
	_ =	sdelay $0x1  }
0x2af: {  	v15 =	vmul.f32 v15, v16;
	_ =	sdelay $0x1  }
0x2b0: {  	[tilespmem:$0x10A10] =	vst v15  }
0x2b1: {  	v15 =	vld.idx.msk [tilespmem:v27+s15+$0x0], $0xffff;
	_ =	sdelay $0x4  }
0x2b2: {  	v15 =	vsub.f32 v15, v14;
	_ =	sdelay $0x1  }
0x2b3: {  	v15 =	vmul.f32 v15, v16;
	_ =	sdelay $0x1  }
0x2b4: {  	[tilespmem:$0x10A20] =	vst v15  }
0x2b5: {  	v15 =	vld.idx.msk [tilespmem:v47+s15+$0x0], $0xffff;
	_ =	sdelay $0x4  }
0x2b6: {  	v15 =	vsub.f32 v15, v14;
	_ =	sdelay $0x1  }
0x2b7: {  	v15 =	vmul.f32 v15, v16;
	_ =	sdelay $0x1  }
0x2b8: {  	[tilespmem:$0x10A30] =	vst v15  }
0x2b9: {  	v15 =	vld.idx.msk [tilespmem:v48+s15+$0x0], $0xffff;
	_ =	sdelay $0x4  }
0x2ba: {  	v15 =	vsub.f32 v15, v14;
	_ =	sdelay $0x1  }
0x2bb: {  	v15 =	vmul.f32 v15, v16;
	_ =	sdelay $0x1  }
0x2bc: {  	[tilespmem:$0x10A40] =	vst v15  }
0x2bd: {  	v15 =	vld.idx.msk [tilespmem:v49+s15+$0x0], $0xffff;
	_ =	sdelay $0x4  }
0x2be: {  	v15 =	vsub.f32 v15, v14;
	_ =	sdelay $0x1  }
0x2bf: {  	v15 =	vmul.f32 v15, v16;
	_ =	sdelay $0x1  }
0x2c0: {  	[tilespmem:$0x10A50] =	vst v15  }
0x2c1: {  	v15 =	vld.idx.msk [tilespmem:v50+s15+$0x0], $0xffff;
	_ =	sdelay $0x4  }
0x2c2: {  	v15 =	vsub.f32 v15, v14;
	_ =	sdelay $0x1  }
0x2c3: {  	v15 =	vmul.f32 v15, v16;
	_ =	sdelay $0x1  }
0x2c4: {  	[tilespmem:$0x10A60] =	vst v15  }
0x2c5: {  	v15 =	vld.idx.msk [tilespmem:v51+s15+$0x0], $0xffff;
	_ =	sdelay $0x4  }
0x2c6: {  	v41 =	vimm.s32 $0x25;
	v14 =	vsub.f32 v15, v14;
	_ =	sdelay $0x1  }
0x2c7: {  	v14 =	vmul.f32 v14, v16  }
0x2c8: {  	v45 =	vimm.s32 $0x35  }
0x2c9: {  	[tilespmem:$0x10A70] =	vst v14  }
0x2ca: {  	v14 =	vld.idx.msk [tilespmem:v41+s16+$0x0], $0xffff  }
0x2cb: {  	v44 =	vld.idx.msk [tilespmem:v54+s15+$0x0], $0xffff;
	_ =	sdelay $0x1  }
0x2cc: {  	v16 =	vld.idx.msk [tilespmem:v45+s16+$0x0], $0xffff;
	_ =	sdelay $0x2  }
0x2cd: {  	v15 =	vsub.f32 v44, v14;
	_ =	sdelay $0x1  }
0x2ce: {  	v15 =	vmul.f32 v15, v16;
	_ =	sdelay $0x1  }
0x2cf: {  	[tilespmem:$0x10A80] =	vst v15  }
0x2d0: {  	v15 =	vld.idx.msk [tilespmem:v59+s15+$0x0], $0xffff;
	_ =	sdelay $0x4  }
0x2d1: {  	v15 =	vsub.f32 v15, v14;
	_ =	sdelay $0x1  }
0x2d2: {  	v15 =	vmul.f32 v15, v16;
	_ =	sdelay $0x1  }
0x2d3: {  	[tilespmem:$0x10A90] =	vst v15  }
0x2d4: {  	v15 =	vld.idx.msk [tilespmem:v60+s15+$0x0], $0xffff;
	_ =	sdelay $0x4  }
0x2d5: {  	v15 =	vsub.f32 v15, v14;
	_ =	sdelay $0x1  }
0x2d6: {  	v15 =	vmul.f32 v15, v16;
	_ =	sdelay $0x1  }
0x2d7: {  	[tilespmem:$0x10AA0] =	vst v15  }
0x2d8: {  	v15 =	vld.idx.msk [tilespmem:v61+s15+$0x0], $0xffff;
	_ =	sdelay $0x4  }
0x2d9: {  	v15 =	vsub.f32 v15, v14;
	_ =	sdelay $0x1  }
0x2da: {  	v15 =	vmul.f32 v15, v16;
	_ =	sdelay $0x1  }
0x2db: {  	[tilespmem:$0x10AB0] =	vst v15  }
0x2dc: {  	v15 =	vld.idx.msk [tilespmem:v62+s15+$0x0], $0xffff;
	_ =	sdelay $0x4  }
0x2dd: {  	v15 =	vsub.f32 v15, v14;
	_ =	sdelay $0x1  }
0x2de: {  	v15 =	vmul.f32 v15, v16;
	_ =	sdelay $0x1  }
0x2df: {  	[tilespmem:$0x10AC0] =	vst v15  }
0x2e0: {  	v15 =	vld.idx.msk [tilespmem:v63+s15+$0x0], $0xffff;
	_ =	sdelay $0x4  }
0x2e1: {  	v15 =	vsub.f32 v15, v14;
	_ =	sdelay $0x1  }
0x2e2: {  	v15 =	vmul.f32 v15, v16;
	_ =	sdelay $0x1  }
0x2e3: {  	[tilespmem:$0x10AD0] =	vst v15  }
0x2e4: {  	v10 =	vld.idx.msk [tilespmem:v10+s15+$0x0], $0xffff;
	_ =	sdelay $0x4  }
0x2e5: {  	v10 =	vsub.f32 v10, v14;
	_ =	sdelay $0x1  }
0x2e6: {  	v10 =	vmul.f32 v10, v16;
	_ =	sdelay $0x1  }
0x2e7: {  	[tilespmem:$0x10AE0] =	vst v10  }
0x2e8: {  	v10 =	vld.idx.msk [tilespmem:v11+s15+$0x0], $0xffff;
	_ =	sdelay $0x4  }
0x2e9: {  	v46 =	vimm.s32 $0x26;
	v10 =	vsub.f32 v10, v14;
	_ =	sdelay $0x1  }
0x2ea: {  	v10 =	vmul.f32 v10, v16  }
0x2eb: {  	v60 =	vimm.s32 $0x36  }
0x2ec: {  	[tilespmem:$0x10AF0] =	vst v10  }
0x2ed: {  	v10 =	vld.idx.msk [tilespmem:v46+s16+$0x0], $0xffff  }
0x2ee: {  	v59 =	vld.idx.msk [tilespmem:v12+s15+$0x0], $0xffff;
	_ =	sdelay $0x1  }
0x2ef: {  	v12 =	vld.idx.msk [tilespmem:v60+s16+$0x0], $0xffff;
	_ =	sdelay $0x2  }
0x2f0: {  	v11 =	vsub.f32 v59, v10;
	_ =	sdelay $0x1  }
0x2f1: {  	v11 =	vmul.f32 v11, v12;
	_ =	sdelay $0x1  }
0x2f2: {  	[tilespmem:$0x10B00] =	vst v11  }
0x2f3: {  	v11 =	vld.idx.msk [tilespmem:v13+s15+$0x0], $0xffff;
	_ =	sdelay $0x4  }
0x2f4: {  	v11 =	vsub.f32 v11, v10;
	_ =	sdelay $0x1  }
0x2f5: {  	v11 =	vmul.f32 v11, v12;
	_ =	sdelay $0x1  }
0x2f6: {  	[tilespmem:$0x10B10] =	vst v11  }
0x2f7: {  	v11 =	vld.idx.msk [tilespmem:v22+s15+$0x0], $0xffff;
	_ =	sdelay $0x4  }
0x2f8: {  	v11 =	vsub.f32 v11, v10;
	_ =	sdelay $0x1  }
0x2f9: {  	v11 =	vmul.f32 v11, v12;
	_ =	sdelay $0x1  }
0x2fa: {  	[tilespmem:$0x10B20] =	vst v11  }
0x2fb: {  	v11 =	vld.idx.msk [tilespmem:v23+s15+$0x0], $0xffff;
	_ =	sdelay $0x4  }
0x2fc: {  	v11 =	vsub.f32 v11, v10;
	_ =	sdelay $0x1  }
0x2fd: {  	v11 =	vmul.f32 v11, v12;
	_ =	sdelay $0x1  }
0x2fe: {  	[tilespmem:$0x10B30] =	vst v11  }
0x2ff: {  	v11 =	vld.idx.msk [tilespmem:v32+s15+$0x0], $0xffff;
	_ =	sdelay $0x4  }
0x300: {  	v11 =	vsub.f32 v11, v10;
	_ =	sdelay $0x1  }
0x301: {  	v11 =	vmul.f32 v11, v12;
	_ =	sdelay $0x1  }
0x302: {  	[tilespmem:$0x10B40] =	vst v11  }
0x303: {  	v11 =	vld.idx.msk [tilespmem:v33+s15+$0x0], $0xffff;
	_ =	sdelay $0x4  }
0x304: {  	v11 =	vsub.f32 v11, v10;
	_ =	sdelay $0x1  }
0x305: {  	v11 =	vmul.f32 v11, v12;
	_ =	sdelay $0x1  }
0x306: {  	[tilespmem:$0x10B50] =	vst v11  }
0x307: {  	v11 =	vld.idx.msk [tilespmem:v42+s15+$0x0], $0xffff;
	_ =	sdelay $0x4  }
0x308: {  	v11 =	vsub.f32 v11, v10;
	_ =	sdelay $0x1  }
0x309: {  	v11 =	vmul.f32 v11, v12;
	_ =	sdelay $0x1  }
0x30a: {  	[tilespmem:$0x10B60] =	vst v11  }
0x30b: {  	v11 =	vld.idx.msk [tilespmem:v43+s15+$0x0], $0xffff;
	_ =	sdelay $0x4  }
0x30c: {  	v61 =	vimm.s32 $0x27;
	v10 =	vsub.f32 v11, v10;
	_ =	sdelay $0x1  }
0x30d: {  	v10 =	vmul.f32 v10, v12  }
0x30e: {  	v63 =	vimm.s32 $0x37  }
0x30f: {  	[tilespmem:$0x10B70] =	vst v10  }
0x310: {  	v10 =	vld.idx.msk [tilespmem:v61+s16+$0x0], $0xffff  }
0x311: {  	v62 =	vld.idx.msk [tilespmem:v52+s15+$0x0], $0xffff;
	_ =	sdelay $0x1  }
0x312: {  	v12 =	vld.idx.msk [tilespmem:v63+s16+$0x0], $0xffff;
	_ =	sdelay $0x2  }
0x313: {  	v11 =	vsub.f32 v62, v10;
	_ =	sdelay $0x1  }
0x314: {  	v11 =	vmul.f32 v11, v12;
	_ =	sdelay $0x1  }
0x315: {  	[tilespmem:$0x10B80] =	vst v11  }
0x316: {  	v11 =	vld.idx.msk [tilespmem:v53+s15+$0x0], $0xffff;
	_ =	sdelay $0x4  }
0x317: {  	v11 =	vsub.f32 v11, v10;
	_ =	sdelay $0x1  }
0x318: {  	v11 =	vmul.f32 v11, v12;
	_ =	sdelay $0x1  }
0x319: {  	[tilespmem:$0x10B90] =	vst v11  }
0x31a: {  	v11 =	vld.idx.msk [tilespmem:v55+s15+$0x0], $0xffff;
	_ =	sdelay $0x4  }
0x31b: {  	v11 =	vsub.f32 v11, v10;
	_ =	sdelay $0x1  }
0x31c: {  	v11 =	vmul.f32 v11, v12;
	_ =	sdelay $0x1  }
0x31d: {  	[tilespmem:$0x10BA0] =	vst v11  }
0x31e: {  	v11 =	vld.idx.msk [tilespmem:v56+s15+$0x0], $0xffff;
	_ =	sdelay $0x4  }
0x31f: {  	v11 =	vsub.f32 v11, v10;
	_ =	sdelay $0x1  }
0x320: {  	v11 =	vmul.f32 v11, v12;
	_ =	sdelay $0x1  }
0x321: {  	[tilespmem:$0x10BB0] =	vst v11  }
0x322: {  	v11 =	vld.idx.msk [tilespmem:v57+s15+$0x0], $0xffff;
	_ =	sdelay $0x4  }
0x323: {  	v11 =	vsub.f32 v11, v10;
	_ =	sdelay $0x1  }
0x324: {  	v11 =	vmul.f32 v11, v12;
	_ =	sdelay $0x1  }
0x325: {  	[tilespmem:$0x10BC0] =	vst v11  }
0x326: {  	v11 =	vld.idx.msk [tilespmem:v58+s15+$0x0], $0xffff;
	_ =	sdelay $0x4  }
0x327: {  	v11 =	vsub.f32 v11, v10;
	_ =	sdelay $0x1  }
0x328: {  	v11 =	vmul.f32 v11, v12;
	_ =	sdelay $0x1  }
0x329: {  	[tilespmem:$0x10BD0] =	vst v11  }
0x32a: {  	v8 =	vld.idx.msk [tilespmem:v8+s15+$0x0], $0xffff;
	_ =	sdelay $0x4  }
0x32b: {  	v8 =	vsub.f32 v8, v10;
	_ =	sdelay $0x1  }
0x32c: {  	v8 =	vmul.f32 v8, v12;
	_ =	sdelay $0x1  }
0x32d: {  	[tilespmem:$0x10BE0] =	vst v8  }
0x32e: {  	v8 =	vld.idx.msk [tilespmem:v9+s15+$0x0], $0xffff;
	_ =	sdelay $0x3  }
0x32f: {  	s23 =	sadd.s32 $0x1, s23  }
0x330: {  	p0 =	sne.s32 s23, $0x20;
	v8 =	vsub.f32 v8, v10  }
.Ltmp6:
0x331: {  	s24 =	sadd.s32 s5, s24;
	(pc) =	sbr.rel @p0 .LBB2_2-.Ltmp6, $4  }
0x332: {  	s24 =	sshll.u32 s24, $0x7;
	v8 =	vmul.f32 v8, v12  }
0x333: {  	s24 =	sand.u32 $0x1FFFFF80, s24  }
0x334: {  	s24 =	sadd.s32 s3, s24;
	[tilespmem:$0x10BF0] =	vst v8  }
0x335: {  	[hbm4b:s24+s4] =	stream.linear.scatter [tilespmem:s19], [sflag:$0x4], $0x400, $0x38;
	[tilespmem:$0x11080] =	vst v63  }
0x336: {  	s22 =	sadd.s32 $0x1, s22  }
0x337: {  	_ =	swait.ge [sflag:s20], $0x400;
	p0 =	sne.s32 s22, s7  }
.Ltmp7:
0x338: {  	[sflag:s20] =	ssyncset.done $0x0;
	(pc) =	sbr.rel @p0 .LBB2_1-.Ltmp7, $4  }
0x339: {  	[sflag:s20] =	ssyncadd.s32 $0xFFFFFC00  }
0x33a: {  	_ =	swait.ge [sflag:s21], $0x400  }
0x33b: {  	[sflag:s21] =	ssyncset.done $0x0  }
0x33c: {  	[sflag:s21] =	ssyncadd.s32 $0xFFFFFC00  }
0x33d: {  	_ =	sfence.sel $0x180000  }
0x33e: {  	[bflag:$0x0] =	sbarrier.arrive $0xFFFF  }
0x33f: {  	p0 =	sne.s32 s1, $0x0;
	_ =	strace $0x90000047  }
0x340: {  	s0 =	sadd.s32 @!p0 $0x100000, s2;
	[bflag:$0x2] =	sbarrier.arrive $0xFFFF  }
0x341: {  	[sflag:s0] =	ssyncadd.tile.s32 @!p0 $0x1;
	_ =	shalt  }
.Lfunc_end2:
_tile_overlayer_lowered:
.L_overlay_start_2:
0x342: {  	(tag) =	ssettag $0x2  }
0x343: {  	s0 =	rddreg [dreg:$0x0];
	s2 =	stileid.u32  }
0x344: {  	s1 =	rddreg [dreg:$0x1];
	p0 =	sne.s32 s2, $0x0  }
0x345: {  	s3 =	rddreg [dreg:$0x2];
	[bflag:$0x3] =	sbarrier.arrive $0xFFFF;
	s2 =	simm.s32 @!p0 $0x1C05  }
0x346: {  	[timem:s3], [sflag:s2] =	dma.local @!p0 [hbm:s0], s1  }
0x347: {  	s0 =	simm.s32 @!p0 $0x5  }
0x348: {  	_ =	swait.ge @!p0 [sflag:s0], s1  }
0x349: {  	s1 =	ssub.s32 @!p0 $0x0, s1;
	[sflag:s0] =	ssyncset.done @!p0 $0x0  }
0x34a: {  	[sflag:s0] =	ssyncadd.s32 @!p0 s1  }
0x34b: {  	[bflag:$0x3] =	sbarrier.arrive $0xFFFF  }
0x34c: {  	_ =	shalt  }

</sc_bundles>
